<compile_context>
chip_gen: v7x
topology: tpu7x:2x2x1
jax: 0.10.2.dev20260603
libtpu: 0.0.44.dev20260713+nightly
codegen_flags: <defaults>
</compile_context>

<pallas_src>
import functools

import jax
import jax.numpy as jnp
from jax import lax
from jax.experimental import pallas as pl
from jax.experimental.pallas import tpu as pltpu
from jax.experimental.pallas import tpu_sc as plsc

_N = 10000
_NP = 10240
_E = 320000
_NC = 2
_NS = 16
_NW = _NC * _NS
_EPW = _E // _NW
_K = 80
_NCHUNK = _EPW // _K
_RPW = _NP // _NS
_ZR = 128

_MESH = plsc.VectorSubcoreMesh(core_axis_name="c", subcore_axis_name="s")


def _fill(ref, rows, d, value):
    vec = jnp.full((16,), value, jnp.float32)
    cols = d // 16

    def body(i, carry):
        ref[i // cols, pl.ds((i % cols) * 16, 16)] = vec
        return carry

    lax.fori_loop(0, rows * cols, body, 0)


def _make_prop(d):

    @functools.partial(
        pl.kernel,
        out_type=jax.ShapeDtypeStruct((_NC * _NP, d), jnp.float32),
        mesh=_MESH,
        scratch_types=[
            pltpu.VMEM((_K,), jnp.int32),
            pltpu.VMEM((_K,), jnp.int32),
            pltpu.VMEM((_K, d), jnp.float32),
            pltpu.VMEM((_ZR, d), jnp.float32),
            pltpu.VMEM_SHARED((_NP, d), jnp.float32),
            pltpu.SemaphoreType.DMA,
        ],
    )
    def prop(y_hbm, src_hbm, dst_hbm, out_hbm, idx_s, idx_d, rows, zblk, acc, sem):
        c = lax.axis_index("c")
        s = lax.axis_index("s")
        wid = c * _NS + s

        _fill(zblk, _ZR, d, 0.0)
        rbase = s * _RPW
        for t in range(_RPW // _ZR):
            pltpu.sync_copy(zblk, acc.at[pl.ds(rbase + t * _ZR, _ZR)])
        plsc.subcore_barrier()

        ebase = wid * _EPW

        def body(j, carry):
            off = ebase + j * _K
            pltpu.sync_copy(src_hbm.at[pl.ds(off, _K)], idx_s)
            pltpu.sync_copy(dst_hbm.at[pl.ds(off, _K)], idx_d)
            pltpu.async_copy(y_hbm.at[idx_s], rows, sem).wait()
            pltpu.sync_copy(rows, acc.at[idx_d], add=True)
            return carry

        lax.fori_loop(0, _NCHUNK, body, 0)
        plsc.subcore_barrier()

        pltpu.sync_copy(acc.at[pl.ds(rbase, _RPW)],
                        out_hbm.at[pl.ds(c * _NP + rbase, _RPW)])

    return prop


_DEG_D = 128


def _make_deg():

    @functools.partial(
        pl.kernel,
        out_type=jax.ShapeDtypeStruct((_NC * _NP, _DEG_D), jnp.float32),
        mesh=_MESH,
        scratch_types=[
            pltpu.VMEM((_K,), jnp.int32),
            pltpu.VMEM((_K, _DEG_D), jnp.float32),
            pltpu.VMEM((_ZR, _DEG_D), jnp.float32),
            pltpu.VMEM_SHARED((_NP, _DEG_D), jnp.float32),
        ],
    )
    def deg(dst_hbm, out_hbm, idx_d, ones, zblk, acc):
        c = lax.axis_index("c")
        s = lax.axis_index("s")
        wid = c * _NS + s

        _fill(zblk, _ZR, _DEG_D, 0.0)
        _fill(ones, _K, _DEG_D, 1.0)
        rbase = s * _RPW
        for t in range(_RPW // _ZR):
            pltpu.sync_copy(zblk, acc.at[pl.ds(rbase + t * _ZR, _ZR)])
        plsc.subcore_barrier()

        ebase = wid * _EPW

        def body(j, carry):
            off = ebase + j * _K
            pltpu.sync_copy(dst_hbm.at[pl.ds(off, _K)], idx_d)
            pltpu.sync_copy(ones, acc.at[idx_d], add=True)
            return carry

        lax.fori_loop(0, _NCHUNK, body, 0)
        plsc.subcore_barrier()

        pltpu.sync_copy(acc.at[pl.ds(rbase, _RPW)],
                        out_hbm.at[pl.ds(c * _NP + rbase, _RPW)])

    return deg


_PROP = _make_prop(128)
_DEG = _make_deg()



def _dis(deg_ref):
    d0 = deg_ref[0:_N, 0:1]
    d1 = deg_ref[_NP:_NP + _N, 0:1]
    return lax.rsqrt(1.0 + d0 + d1)


def _acc_sum(acc_ref):
    return acc_ref[0:_N, :] + acc_ref[_NP:_NP + _N, :]


def _tc_first(h0_ref, w_ref, deg_ref, y_ref):
    dis = _dis(deg_ref)
    y_ref[...] = dis * jnp.dot(h0_ref[...], w_ref[...],
                               preferred_element_type=jnp.float32)


def _tc_mid(y_ref, acc_ref, deg_ref, w_ref, b_ref, out_ref):
    dis = _dis(deg_ref)
    tot = y_ref[...] + _acc_sum(acc_ref)
    h = jnp.tanh(dis * tot + b_ref[...])
    out_ref[...] = dis * jnp.dot(h, w_ref[...],
                                 preferred_element_type=jnp.float32)


def _tc_lat(y_ref, acc_ref, deg_ref, b_ref, condp_ref, out_ref):
    dis = _dis(deg_ref)
    t = dis * (y_ref[...] + _acc_sum(acc_ref)) + b_ref[...] + condp_ref[...]
    out_ref[...] = dis * t


def _tc_dec1(y_ref, acc_ref, deg_ref, w1_ref, b1_ref, w2_ref, out_ref):
    dis = _dis(deg_ref)
    p = dis * (y_ref[...] + _acc_sum(acc_ref))
    h = jnp.tanh(jnp.dot(p, w1_ref[...], preferred_element_type=jnp.float32)
                 + b1_ref[...])
    out_ref[...] = dis * jnp.dot(h, w2_ref[...],
                                 preferred_element_type=jnp.float32)


def _tc_last(y_ref, acc_ref, deg_ref, b_ref, out_ref):
    dis = _dis(deg_ref)
    out_ref[...] = (dis * (y_ref[...] + _acc_sum(acc_ref))
                    + b_ref[...])


def _tc(fn, out_dim, *args):
    return pl.pallas_call(
        fn, out_shape=jax.ShapeDtypeStruct((_N, out_dim), jnp.float32))(*args)


def kernel(feature, condition, edge_index, W_e1, b_e1, W_e2, b_e2, W_e3, b_e3,
           W_d1, b_d1, W_d2, b_d2, W_d3, b_d3):
    src = edge_index[0]
    dst = edge_index[1]
    h0 = jnp.concatenate([feature, condition], axis=1)
    b_e1r = b_e1.reshape(1, -1)
    b_e2r = b_e2.reshape(1, -1)
    b_d1r = b_d1.reshape(1, -1)
    b_d2r = b_d2.reshape(1, -1)
    b_d3r = b_d3.reshape(1, -1)
    W_e3p = jnp.pad(W_e3, ((0, 0), (0, 64)))
    b_e3p = jnp.pad(b_e3, (0, 64)).reshape(1, -1)
    W_d1p = jnp.pad(W_d1, ((0, 48), (0, 0)))
    condp = jnp.pad(condition, ((0, 0), (64, 48)))

    deg = _DEG(dst)
    y1 = _tc(_tc_first, 128, h0, W_e1, deg)
    a1 = _PROP(y1, src, dst)
    y2 = _tc(_tc_mid, 128, y1, a1, deg, W_e2, b_e1r)
    a2 = _PROP(y2, src, dst)
    y3 = _tc(_tc_mid, 128, y2, a2, deg, W_e3p, b_e2r)
    a3 = _PROP(y3, src, dst)
    y4 = _tc(_tc_lat, 128, y3, a3, deg, b_e3p, condp)
    a4 = _PROP(y4, src, dst)
    y5 = _tc(_tc_dec1, 128, y4, a4, deg, W_d1p, b_d1r, W_d2)
    a5 = _PROP(y5, src, dst)
    y6 = _tc(_tc_mid, 128, y5, a5, deg, W_d3, b_d2r)
    a6 = _PROP(y6, src, dst)
    out = _tc(_tc_last, 128, y6, a6, deg, b_d3r)
    return out

# --- scband reference (transcript-rebuilt; emitter-appended) ---
"""Pipeline reference for scband-combined-hidden-gcae-16286515987228 (READ-ONLY COPY).

The authoritative reference and input builder live on the scoring server;
editing this copy changes nothing except your own understanding.
"""

import jax, jax.numpy as jnp
import numpy as np

N = 10000
E = 320000
FEAT = 128
COND = 16
HID = 128
LAT = 64


def setup_inputs(seed: int = 0) -> dict:
    key = jax.random.key(seed)
    ks = jax.random.split(key, 16)

    def w(k, i, o):
        return (jax.random.normal(k, (i, o), dtype=jnp.float32) / np.sqrt(i)).astype(jnp.float32)

    inp = {}
    inp['feature'] = jax.random.normal(ks[0], (N, FEAT), dtype=jnp.float32)
    inp['condition'] = jax.random.normal(ks[1], (N, COND), dtype=jnp.float32)
    inp['edge_index'] = jax.random.randint(ks[2], (2, E), 0, N, dtype=jnp.int32)
    # encoder: (FEAT+COND)->HID, HID->HID, HID->LAT
    inp['W_e1'] = w(ks[3], FEAT + COND, HID)
    inp['b_e1'] = jnp.zeros((HID,), dtype=jnp.float32)
    inp['W_e2'] = w(ks[4], HID, HID)
    inp['b_e2'] = jnp.zeros((HID,), dtype=jnp.float32)
    inp['W_e3'] = w(ks[5], HID, LAT)
    inp['b_e3'] = jnp.zeros((LAT,), dtype=jnp.float32)
    # decoder: (LAT+COND)->HID, HID->HID, HID->FEAT
    inp['W_d1'] = w(ks[6], LAT + COND, HID)
    inp['b_d1'] = jnp.zeros((HID,), dtype=jnp.float32)
    inp['W_d2'] = w(ks[7], HID, HID)
    inp['b_d2'] = jnp.zeros((HID,), dtype=jnp.float32)
    inp['W_d3'] = w(ks[8], HID, FEAT)
    inp['b_d3'] = jnp.zeros((FEAT,), dtype=jnp.float32)
    return inp


def gcn_conv(x, edge_index, W, b):
    # PyG GCNConv with add_self_loops=True and symmetric normalization
    n = x.shape[0]
    xw = x @ W
    loop = jnp.arange(n, dtype=edge_index.dtype)
    src = jnp.concatenate([edge_index[0], loop])
    dst = jnp.concatenate([edge_index[1], loop])
    deg = jnp.zeros((n,), dtype=xw.dtype).at[dst].add(1.0)
    deg_inv_sqrt = jnp.where(deg > 0, jax.lax.rsqrt(jnp.maximum(deg, 1e-12)), 0.0)
    norm = deg_inv_sqrt[src] * deg_inv_sqrt[dst]
    msg = xw[src] * norm[:, None]
    out = jnp.zeros((n, xw.shape[1]), dtype=xw.dtype).at[dst].add(msg)
    return out + b


def reference(feature, condition, edge_index, W_e1, b_e1, W_e2, b_e2, W_e3, b_e3, W_d1, b_d1, W_d2, b_d2, W_d3, b_d3):
    x = jnp.concatenate([feature, condition], axis=1)
    h = jnp.tanh(gcn_conv(x, edge_index, W_e1, b_e1))
    h = jnp.tanh(gcn_conv(h, edge_index, W_e2, b_e2))
    z = gcn_conv(h, edge_index, W_e3, b_e3)
    x2 = jnp.concatenate([z, condition], axis=1)
    h = jnp.tanh(gcn_conv(x2, edge_index, W_d1, b_d1))
    h = jnp.tanh(gcn_conv(h, edge_index, W_d2, b_d2))
    out = gcn_conv(h, edge_index, W_d3, b_d3)
    return out

if __name__ == "__main__":
    import jax
    _d = setup_inputs()
    print(jax.jit(kernel)(*tuple(_d.values())))

</pallas_src>

<mosaic_0001>
#map = affine_map<(d0, d1) -> (0, 0)>
#map1 = affine_map<(d0, d1) -> (0)>
module attributes {stable_mosaic.version = 14 : i64} {
  func.func @prop(%arg0: i32, %arg1: i32, %arg2: memref<10000x128xf32, #tpu.memory_space<hbm>>, %arg3: memref<320000xi32, #tpu.memory_space<hbm>>, %arg4: memref<320000xi32, #tpu.memory_space<hbm>>, %arg5: memref<20480x128xf32, #tpu.memory_space<hbm>>, %arg6: memref<80xi32, #tpu.memory_space<vmem>>, %arg7: memref<80xi32, #tpu.memory_space<vmem>>, %arg8: memref<80x128xf32, #tpu.memory_space<vmem>>, %arg9: memref<128x128xf32, #tpu.memory_space<vmem>>, %arg10: memref<10240x128xf32, #tpu.memory_space<vmem_shared>>, %arg11: memref<!tpu.dma_semaphore, #tpu.memory_space<semaphore_mem>>) attributes {dimension_semantics = [#tpu.dimension_semantics<core_parallel>, #tpu.dimension_semantics<subcore_parallel>], iteration_bounds = array<i64: 2, 16>, scalar_prefetch = 0 : i64, scratch_operands = 6 : i64, tpu.core_type = #tpu.core_type<sc_vector_subcore>, window_params = [{transform_indices = #map}, {transform_indices = #map1}, {transform_indices = #map1}, {transform_indices = #map}]} {
    %mul3A = arith.constant 16 : i32
    %mul3A_0 = arith.muli %arg0, %mul3A : i32
    %add3A = arith.addi %mul3A_0, %arg1 : i32
    %broadcast_in_dim3A = arith.constant 0.000000e+00 : f32
    %broadcast_in_dim3A_1 = vector.broadcast %broadcast_in_dim3A : f32 to vector<16xf32>
    %scan3A = arith.constant 0 : i32
    %scan3A_2 = arith.constant 0 : i32
    %scan3A_3 = arith.constant 1024 : i32
    %scan3A_4 = arith.addi %scan3A_2, %scan3A_3 : i32
    %scan3A_5 = arith.constant 1 : i32
    scf.for %scan3A_31 = %scan3A_2 to %scan3A_4 step %scan3A_5  : i32 {
      %jit3A = arith.constant 8 : i32
      %div3A = arith.divsi %scan3A_31, %jit3A : i32
      %sign3A = arith.constant 0 : i32
      %sign3A_32 = arith.cmpi sgt, %scan3A_31, %sign3A : i32
      %sign3A_33 = arith.extui %sign3A_32 : i1 to i32
      %sign3A_34 = arith.constant 0 : i32
      %sign3A_35 = arith.cmpi slt, %scan3A_31, %sign3A_34 : i32
      %sign3A_36 = arith.extui %sign3A_35 : i1 to i32
      %sign3A_37 = arith.subi %sign3A_33, %sign3A_36 : i32
      %sign3A_38 = arith.constant 0 : i32
      %sign3A_39 = arith.cmpi sgt, %jit3A, %sign3A_38 : i32
      %sign3A_40 = arith.extui %sign3A_39 : i1 to i32
      %sign3A_41 = arith.constant 0 : i32
      %sign3A_42 = arith.cmpi slt, %jit3A, %sign3A_41 : i32
      %sign3A_43 = arith.extui %sign3A_42 : i1 to i32
      %sign3A_44 = arith.subi %sign3A_40, %sign3A_43 : i32
      %ne3A = arith.cmpi ne, %sign3A_37, %sign3A_44 : i32
      %rem3A = arith.remsi %scan3A_31, %jit3A : i32
      %ne3A_45 = arith.constant 0 : i32
      %ne3A_46 = arith.cmpi ne, %rem3A, %ne3A_45 : i32
      %and3A = arith.andi %ne3A, %ne3A_46 : i1
      %sub3A = arith.constant 1 : i32
      %sub3A_47 = arith.subi %div3A, %sub3A : i32
      %select_n3A = arith.select %and3A, %sub3A_47, %div3A : i32
      %jit3A_48 = arith.constant 8 : i32
      %eq3A = arith.constant 0 : i32
      %eq3A_49 = arith.cmpi eq, %jit3A_48, %eq3A : i32
      %jit3A_50 = arith.constant 1 : i32
      %select_n3A_51 = arith.select %eq3A_49, %jit3A_50, %jit3A_48 : i32
      %rem3A_52 = arith.remsi %scan3A_31, %select_n3A_51 : i32
      %ne3A_53 = arith.constant 0 : i32
      %ne3A_54 = arith.cmpi ne, %rem3A_52, %ne3A_53 : i32
      %lt3A = arith.constant 0 : i32
      %lt3A_55 = arith.cmpi slt, %rem3A_52, %lt3A : i32
      %lt3A_56 = arith.constant 0 : i32
      %lt3A_57 = arith.cmpi slt, %select_n3A_51, %lt3A_56 : i32
      %ne3A_58 = arith.xori %lt3A_55, %lt3A_57 : i1
      %and3A_59 = arith.andi %ne3A_58, %ne3A_54 : i1
      %add3A_60 = arith.addi %rem3A_52, %select_n3A_51 : i32
      %select_n3A_61 = arith.select %and3A_59, %add3A_60, %rem3A_52 : i32
      %mul3A_62 = arith.constant 16 : i32
      %mul3A_63 = arith.muli %select_n3A_61, %mul3A_62 : i32
      %swap3A = arith.index_cast %select_n3A : i32 to index
      %swap3A_64 = arith.index_cast %mul3A_63 : i32 to index
      %swap3A_65 = tpu.vector_load %arg9[%swap3A, %swap3A_64] {strides = array<i32>} : memref<128x128xf32, #tpu.memory_space<vmem>>, vector<1x16xf32>,
      %swap3A_66 = vector.shape_cast %swap3A_65 : vector<1x16xf32> to vector<16xf32>
      %swap3A_67 = vector.shape_cast %broadcast_in_dim3A_1 : vector<16xf32> to vector<1x16xf32>
      tpu.vector_store %arg9[%swap3A, %swap3A_64], %swap3A_67 {strides = array<i32>} : memref<128x128xf32, #tpu.memory_space<vmem>>, vector<1x16xf32>,
    }
    %scan3A_6 = arith.constant 1024 : i32
    %mul3A_7 = arith.constant 640 : i32
    %mul3A_8 = arith.muli %arg1, %mul3A_7 : i32
    %add3A_9 = arith.constant 0 : i32
    %add3A_10 = arith.addi %mul3A_8, %add3A_9 : i32
    "tpu.region"() ({
      %run_scoped3A = tpu.sem_alloc : memref<!tpu.dma_semaphore, #tpu.memory_space<semaphore_mem>>
      %dma_start3A = arith.constant 0 : i32
      %dma_start3A_31 = tpu.memref_slice %arg10[%add3A_10, %dma_start3A] : memref<10240x128xf32, #tpu.memory_space<vmem_shared>> -> memref<128x128xf32, #tpu.memory_space<vmem_shared>>
      %dma_start3A_32 = arith.constant 0 : i32
      %dma_start3A_33 = tpu.memref_slice %arg10[%add3A_10, %dma_start3A_32] : memref<10240x128xf32, #tpu.memory_space<vmem_shared>> -> memref<128x128xf32, #tpu.memory_space<vmem_shared>>
      tpu.enqueue_dma source(%arg9 : memref<128x128xf32, #tpu.memory_space<vmem>>) target(%dma_start3A_33 : memref<128x128xf32, #tpu.memory_space<vmem_shared>>) target_semaphore(%run_scoped3A : memref<!tpu.dma_semaphore, #tpu.memory_space<semaphore_mem>>)
      %dma_wait3A = arith.constant 0 : i32
      %dma_wait3A_34 = tpu.memref_slice %arg10[%add3A_10, %dma_wait3A] : memref<10240x128xf32, #tpu.memory_space<vmem_shared>> -> memref<128x128xf32, #tpu.memory_space<vmem_shared>>
      %dma_wait3A_35 = arith.constant 0 : i32
      %dma_wait3A_36 = tpu.memref_slice %arg10[%add3A_10, %dma_wait3A_35] : memref<10240x128xf32, #tpu.memory_space<vmem_shared>> -> memref<128x128xf32, #tpu.memory_space<vmem_shared>>
      tpu.wait_dma2 semaphore(%run_scoped3A : memref<!tpu.dma_semaphore, #tpu.memory_space<semaphore_mem>>) src(%arg9 : memref<128x128xf32, #tpu.memory_space<vmem>>) dst(%dma_wait3A_36 : memref<128x128xf32, #tpu.memory_space<vmem_shared>>)
      tpu.yield
    }) : () -> ()
    %add3A_11 = arith.constant 128 : i32
    %add3A_12 = arith.addi %mul3A_8, %add3A_11 : i32
    "tpu.region"() ({
      %run_scoped3A = tpu.sem_alloc : memref<!tpu.dma_semaphore, #tpu.memory_space<semaphore_mem>>
      %dma_start3A = arith.constant 0 : i32
      %dma_start3A_31 = tpu.memref_slice %arg10[%add3A_12, %dma_start3A] : memref<10240x128xf32, #tpu.memory_space<vmem_shared>> -> memref<128x128xf32, #tpu.memory_space<vmem_shared>>
      %dma_start3A_32 = arith.constant 0 : i32
      %dma_start3A_33 = tpu.memref_slice %arg10[%add3A_12, %dma_start3A_32] : memref<10240x128xf32, #tpu.memory_space<vmem_shared>> -> memref<128x128xf32, #tpu.memory_space<vmem_shared>>
      tpu.enqueue_dma source(%arg9 : memref<128x128xf32, #tpu.memory_space<vmem>>) target(%dma_start3A_33 : memref<128x128xf32, #tpu.memory_space<vmem_shared>>) target_semaphore(%run_scoped3A : memref<!tpu.dma_semaphore, #tpu.memory_space<semaphore_mem>>)
      %dma_wait3A = arith.constant 0 : i32
      %dma_wait3A_34 = tpu.memref_slice %arg10[%add3A_12, %dma_wait3A] : memref<10240x128xf32, #tpu.memory_space<vmem_shared>> -> memref<128x128xf32, #tpu.memory_space<vmem_shared>>
      %dma_wait3A_35 = arith.constant 0 : i32
      %dma_wait3A_36 = tpu.memref_slice %arg10[%add3A_12, %dma_wait3A_35] : memref<10240x128xf32, #tpu.memory_space<vmem_shared>> -> memref<128x128xf32, #tpu.memory_space<vmem_shared>>
      tpu.wait_dma2 semaphore(%run_scoped3A : memref<!tpu.dma_semaphore, #tpu.memory_space<semaphore_mem>>) src(%arg9 : memref<128x128xf32, #tpu.memory_space<vmem>>) dst(%dma_wait3A_36 : memref<128x128xf32, #tpu.memory_space<vmem_shared>>)
      tpu.yield
    }) : () -> ()
    %add3A_13 = arith.constant 256 : i32
    %add3A_14 = arith.addi %mul3A_8, %add3A_13 : i32
    "tpu.region"() ({
      %run_scoped3A = tpu.sem_alloc : memref<!tpu.dma_semaphore, #tpu.memory_space<semaphore_mem>>
      %dma_start3A = arith.constant 0 : i32
      %dma_start3A_31 = tpu.memref_slice %arg10[%add3A_14, %dma_start3A] : memref<10240x128xf32, #tpu.memory_space<vmem_shared>> -> memref<128x128xf32, #tpu.memory_space<vmem_shared>>
      %dma_start3A_32 = arith.constant 0 : i32
      %dma_start3A_33 = tpu.memref_slice %arg10[%add3A_14, %dma_start3A_32] : memref<10240x128xf32, #tpu.memory_space<vmem_shared>> -> memref<128x128xf32, #tpu.memory_space<vmem_shared>>
      tpu.enqueue_dma source(%arg9 : memref<128x128xf32, #tpu.memory_space<vmem>>) target(%dma_start3A_33 : memref<128x128xf32, #tpu.memory_space<vmem_shared>>) target_semaphore(%run_scoped3A : memref<!tpu.dma_semaphore, #tpu.memory_space<semaphore_mem>>)
      %dma_wait3A = arith.constant 0 : i32
      %dma_wait3A_34 = tpu.memref_slice %arg10[%add3A_14, %dma_wait3A] : memref<10240x128xf32, #tpu.memory_space<vmem_shared>> -> memref<128x128xf32, #tpu.memory_space<vmem_shared>>
      %dma_wait3A_35 = arith.constant 0 : i32
      %dma_wait3A_36 = tpu.memref_slice %arg10[%add3A_14, %dma_wait3A_35] : memref<10240x128xf32, #tpu.memory_space<vmem_shared>> -> memref<128x128xf32, #tpu.memory_space<vmem_shared>>
      tpu.wait_dma2 semaphore(%run_scoped3A : memref<!tpu.dma_semaphore, #tpu.memory_space<semaphore_mem>>) src(%arg9 : memref<128x128xf32, #tpu.memory_space<vmem>>) dst(%dma_wait3A_36 : memref<128x128xf32, #tpu.memory_space<vmem_shared>>)
      tpu.yield
    }) : () -> ()
    %add3A_15 = arith.constant 384 : i32
    %add3A_16 = arith.addi %mul3A_8, %add3A_15 : i32
    "tpu.region"() ({
      %run_scoped3A = tpu.sem_alloc : memref<!tpu.dma_semaphore, #tpu.memory_space<semaphore_mem>>
      %dma_start3A = arith.constant 0 : i32
      %dma_start3A_31 = tpu.memref_slice %arg10[%add3A_16, %dma_start3A] : memref<10240x128xf32, #tpu.memory_space<vmem_shared>> -> memref<128x128xf32, #tpu.memory_space<vmem_shared>>
      %dma_start3A_32 = arith.constant 0 : i32
      %dma_start3A_33 = tpu.memref_slice %arg10[%add3A_16, %dma_start3A_32] : memref<10240x128xf32, #tpu.memory_space<vmem_shared>> -> memref<128x128xf32, #tpu.memory_space<vmem_shared>>
      tpu.enqueue_dma source(%arg9 : memref<128x128xf32, #tpu.memory_space<vmem>>) target(%dma_start3A_33 : memref<128x128xf32, #tpu.memory_space<vmem_shared>>) target_semaphore(%run_scoped3A : memref<!tpu.dma_semaphore, #tpu.memory_space<semaphore_mem>>)
      %dma_wait3A = arith.constant 0 : i32
      %dma_wait3A_34 = tpu.memref_slice %arg10[%add3A_16, %dma_wait3A] : memref<10240x128xf32, #tpu.memory_space<vmem_shared>> -> memref<128x128xf32, #tpu.memory_space<vmem_shared>>
      %dma_wait3A_35 = arith.constant 0 : i32
      %dma_wait3A_36 = tpu.memref_slice %arg10[%add3A_16, %dma_wait3A_35] : memref<10240x128xf32, #tpu.memory_space<vmem_shared>> -> memref<128x128xf32, #tpu.memory_space<vmem_shared>>
      tpu.wait_dma2 semaphore(%run_scoped3A : memref<!tpu.dma_semaphore, #tpu.memory_space<semaphore_mem>>) src(%arg9 : memref<128x128xf32, #tpu.memory_space<vmem>>) dst(%dma_wait3A_36 : memref<128x128xf32, #tpu.memory_space<vmem_shared>>)
      tpu.yield
    }) : () -> ()
    %add3A_17 = arith.constant 512 : i32
    %add3A_18 = arith.addi %mul3A_8, %add3A_17 : i32
    "tpu.region"() ({
      %run_scoped3A = tpu.sem_alloc : memref<!tpu.dma_semaphore, #tpu.memory_space<semaphore_mem>>
      %dma_start3A = arith.constant 0 : i32
      %dma_start3A_31 = tpu.memref_slice %arg10[%add3A_18, %dma_start3A] : memref<10240x128xf32, #tpu.memory_space<vmem_shared>> -> memref<128x128xf32, #tpu.memory_space<vmem_shared>>
      %dma_start3A_32 = arith.constant 0 : i32
      %dma_start3A_33 = tpu.memref_slice %arg10[%add3A_18, %dma_start3A_32] : memref<10240x128xf32, #tpu.memory_space<vmem_shared>> -> memref<128x128xf32, #tpu.memory_space<vmem_shared>>
      tpu.enqueue_dma source(%arg9 : memref<128x128xf32, #tpu.memory_space<vmem>>) target(%dma_start3A_33 : memref<128x128xf32, #tpu.memory_space<vmem_shared>>) target_semaphore(%run_scoped3A : memref<!tpu.dma_semaphore, #tpu.memory_space<semaphore_mem>>)
      %dma_wait3A = arith.constant 0 : i32
      %dma_wait3A_34 = tpu.memref_slice %arg10[%add3A_18, %dma_wait3A] : memref<10240x128xf32, #tpu.memory_space<vmem_shared>> -> memref<128x128xf32, #tpu.memory_space<vmem_shared>>
      %dma_wait3A_35 = arith.constant 0 : i32
      %dma_wait3A_36 = tpu.memref_slice %arg10[%add3A_18, %dma_wait3A_35] : memref<10240x128xf32, #tpu.memory_space<vmem_shared>> -> memref<128x128xf32, #tpu.memory_space<vmem_shared>>
      tpu.wait_dma2 semaphore(%run_scoped3A : memref<!tpu.dma_semaphore, #tpu.memory_space<semaphore_mem>>) src(%arg9 : memref<128x128xf32, #tpu.memory_space<vmem>>) dst(%dma_wait3A_36 : memref<128x128xf32, #tpu.memory_space<vmem_shared>>)
      tpu.yield
    }) : () -> ()
    %barrier3A = arith.constant 0 : index
    tpu.barrier barrier_id(%barrier3A)
    %mul3A_19 = arith.constant 10000 : i32
    %mul3A_20 = arith.muli %add3A, %mul3A_19 : i32
    %scan3A_21 = arith.constant 0 : i32
    %scan3A_22 = arith.constant 0 : i32
    %scan3A_23 = arith.constant 125 : i32
    %scan3A_24 = arith.addi %scan3A_22, %scan3A_23 : i32
    %scan3A_25 = arith.constant 1 : i32
    scf.for %scan3A_31 = %scan3A_22 to %scan3A_24 step %scan3A_25  : i32 {
      %mul3A_32 = arith.constant 80 : i32
      %mul3A_33 = arith.muli %scan3A_31, %mul3A_32 : i32
      %add3A_34 = arith.addi %mul3A_20, %mul3A_33 : i32
      "tpu.region"() ({
        %run_scoped3A = tpu.sem_alloc : memref<!tpu.dma_semaphore, #tpu.memory_space<semaphore_mem>>
        %dma_start3A_39 = tpu.memref_slice %arg3[%add3A_34] : memref<320000xi32, #tpu.memory_space<hbm>> -> memref<80xi32, #tpu.memory_space<hbm>>
        %dma_start3A_40 = tpu.memref_slice %arg3[%add3A_34] : memref<320000xi32, #tpu.memory_space<hbm>> -> memref<80xi32, #tpu.memory_space<hbm>>
        tpu.enqueue_dma source(%dma_start3A_40 : memref<80xi32, #tpu.memory_space<hbm>>) target(%arg6 : memref<80xi32, #tpu.memory_space<vmem>>) target_semaphore(%run_scoped3A : memref<!tpu.dma_semaphore, #tpu.memory_space<semaphore_mem>>)
        %dma_wait3A_41 = tpu.memref_slice %arg3[%add3A_34] : memref<320000xi32, #tpu.memory_space<hbm>> -> memref<80xi32, #tpu.memory_space<hbm>>
        %dma_wait3A_42 = tpu.memref_slice %arg3[%add3A_34] : memref<320000xi32, #tpu.memory_space<hbm>> -> memref<80xi32, #tpu.memory_space<hbm>>
        tpu.wait_dma2 semaphore(%run_scoped3A : memref<!tpu.dma_semaphore, #tpu.memory_space<semaphore_mem>>) src(%dma_wait3A_42 : memref<80xi32, #tpu.memory_space<hbm>>) dst(%arg6 : memref<80xi32, #tpu.memory_space<vmem>>)
        tpu.yield
      }) : () -> ()
      "tpu.region"() ({
        %run_scoped3A = tpu.sem_alloc : memref<!tpu.dma_semaphore, #tpu.memory_space<semaphore_mem>>
        %dma_start3A_39 = tpu.memref_slice %arg4[%add3A_34] : memref<320000xi32, #tpu.memory_space<hbm>> -> memref<80xi32, #tpu.memory_space<hbm>>
        %dma_start3A_40 = tpu.memref_slice %arg4[%add3A_34] : memref<320000xi32, #tpu.memory_space<hbm>> -> memref<80xi32, #tpu.memory_space<hbm>>
        tpu.enqueue_dma source(%dma_start3A_40 : memref<80xi32, #tpu.memory_space<hbm>>) target(%arg7 : memref<80xi32, #tpu.memory_space<vmem>>) target_semaphore(%run_scoped3A : memref<!tpu.dma_semaphore, #tpu.memory_space<semaphore_mem>>)
        %dma_wait3A_41 = tpu.memref_slice %arg4[%add3A_34] : memref<320000xi32, #tpu.memory_space<hbm>> -> memref<80xi32, #tpu.memory_space<hbm>>
        %dma_wait3A_42 = tpu.memref_slice %arg4[%add3A_34] : memref<320000xi32, #tpu.memory_space<hbm>> -> memref<80xi32, #tpu.memory_space<hbm>>
        tpu.wait_dma2 semaphore(%run_scoped3A : memref<!tpu.dma_semaphore, #tpu.memory_space<semaphore_mem>>) src(%dma_wait3A_42 : memref<80xi32, #tpu.memory_space<hbm>>) dst(%arg7 : memref<80xi32, #tpu.memory_space<vmem>>)
        tpu.yield
      }) : () -> ()
      %dma_start3A = arith.constant 0 : i32
      %dma_start3A_35 = arith.constant 0 : i32
      %dma_start3A_36 = tpu.memref_slice %arg2[%dma_start3A, %dma_start3A_35] : memref<10000x128xf32, #tpu.memory_space<hbm>> -> memref<10000x128xf32, #tpu.memory_space<hbm>>
      tpu.enqueue_indirect_dma source(%dma_start3A_36 : memref<10000x128xf32, #tpu.memory_space<hbm>>) target(%arg8 : memref<80x128xf32, #tpu.memory_space<vmem>>) offsets(%arg6 : memref<80xi32, #tpu.memory_space<vmem>>) semaphore(%arg11 : memref<!tpu.dma_semaphore, #tpu.memory_space<semaphore_mem>>)
      %dma_wait3A = arith.constant 0 : i32
      %dma_wait3A_37 = arith.constant 0 : i32
      %dma_wait3A_38 = tpu.memref_slice %arg2[%dma_wait3A, %dma_wait3A_37] : memref<10000x128xf32, #tpu.memory_space<hbm>> -> memref<10000x128xf32, #tpu.memory_space<hbm>>
      tpu.wait_indirect_dma semaphore(%arg11 : memref<!tpu.dma_semaphore, #tpu.memory_space<semaphore_mem>>) src(%dma_wait3A_38 : memref<10000x128xf32, #tpu.memory_space<hbm>>) dst(%arg8 : memref<80x128xf32, #tpu.memory_space<vmem>>)
      "tpu.region"() ({
        %run_scoped3A = tpu.sem_alloc : memref<!tpu.dma_semaphore, #tpu.memory_space<semaphore_mem>>
        %dma_start3A_39 = arith.constant 0 : i32
        %dma_start3A_40 = arith.constant 0 : i32
        %dma_start3A_41 = tpu.memref_slice %arg10[%dma_start3A_39, %dma_start3A_40] : memref<10240x128xf32, #tpu.memory_space<vmem_shared>> -> memref<10240x128xf32, #tpu.memory_space<vmem_shared>>
        tpu.enqueue_indirect_dma source(%arg8 : memref<80x128xf32, #tpu.memory_space<vmem>>) target(%dma_start3A_41 : memref<10240x128xf32, #tpu.memory_space<vmem_shared>>) offsets(%arg7 : memref<80xi32, #tpu.memory_space<vmem>>) semaphore(%run_scoped3A : memref<!tpu.dma_semaphore, #tpu.memory_space<semaphore_mem>>) {add = true}
        %dma_wait3A_42 = arith.constant 0 : i32
        %dma_wait3A_43 = arith.constant 0 : i32
        %dma_wait3A_44 = tpu.memref_slice %arg10[%dma_wait3A_42, %dma_wait3A_43] : memref<10240x128xf32, #tpu.memory_space<vmem_shared>> -> memref<10240x128xf32, #tpu.memory_space<vmem_shared>>
        tpu.wait_indirect_dma semaphore(%run_scoped3A : memref<!tpu.dma_semaphore, #tpu.memory_space<semaphore_mem>>) src(%arg8 : memref<80x128xf32, #tpu.memory_space<vmem>>) dst(%dma_wait3A_44 : memref<10240x128xf32, #tpu.memory_space<vmem_shared>>)
        tpu.yield
      }) : () -> ()
    }
    %scan3A_26 = arith.constant 125 : i32
    %barrier3A_27 = arith.constant 0 : index
    tpu.barrier barrier_id(%barrier3A_27)
    %mul3A_28 = arith.constant 10240 : i32
    %mul3A_29 = arith.muli %arg0, %mul3A_28 : i32
    %add3A_30 = arith.addi %mul3A_29, %mul3A_8 : i32
    "tpu.region"() ({
      %run_scoped3A = tpu.sem_alloc : memref<!tpu.dma_semaphore, #tpu.memory_space<semaphore_mem>>
      %dma_start3A = arith.constant 0 : i32
      %dma_start3A_31 = tpu.memref_slice %arg5[%add3A_30, %dma_start3A] : memref<20480x128xf32, #tpu.memory_space<hbm>> -> memref<640x128xf32, #tpu.memory_space<hbm>>
      %dma_start3A_32 = arith.constant 0 : i32
      %dma_start3A_33 = tpu.memref_slice %arg10[%mul3A_8, %dma_start3A_32] : memref<10240x128xf32, #tpu.memory_space<vmem_shared>> -> memref<640x128xf32, #tpu.memory_space<vmem_shared>>
      tpu.enqueue_dma source(%dma_start3A_33 : memref<640x128xf32, #tpu.memory_space<vmem_shared>>) target(%dma_start3A_31 : memref<640x128xf32, #tpu.memory_space<hbm>>) target_semaphore(%run_scoped3A : memref<!tpu.dma_semaphore, #tpu.memory_space<semaphore_mem>>)
      %dma_wait3A = arith.constant 0 : i32
      %dma_wait3A_34 = tpu.memref_slice %arg5[%add3A_30, %dma_wait3A] : memref<20480x128xf32, #tpu.memory_space<hbm>> -> memref<640x128xf32, #tpu.memory_space<hbm>>
      %dma_wait3A_35 = arith.constant 0 : i32
      %dma_wait3A_36 = tpu.memref_slice %arg10[%mul3A_8, %dma_wait3A_35] : memref<10240x128xf32, #tpu.memory_space<vmem_shared>> -> memref<640x128xf32, #tpu.memory_space<vmem_shared>>
      tpu.wait_dma2 semaphore(%run_scoped3A : memref<!tpu.dma_semaphore, #tpu.memory_space<semaphore_mem>>) src(%dma_wait3A_36 : memref<640x128xf32, #tpu.memory_space<vmem_shared>>) dst(%dma_wait3A_34 : memref<640x128xf32, #tpu.memory_space<hbm>>)
      tpu.yield
    }) : () -> ()
    return
  }
}

#map = affine_map<(d0, d1) -> (0)>
#map1 = affine_map<(d0, d1) -> (0, 0)>
module attributes {stable_mosaic.version = 14 : i64} {
  func.func @deg(%arg0: i32, %arg1: i32, %arg2: memref<320000xi32, #tpu.memory_space<hbm>>, %arg3: memref<20480x128xf32, #tpu.memory_space<hbm>>, %arg4: memref<80xi32, #tpu.memory_space<vmem>>, %arg5: memref<80x128xf32, #tpu.memory_space<vmem>>, %arg6: memref<128x128xf32, #tpu.memory_space<vmem>>, %arg7: memref<10240x128xf32, #tpu.memory_space<vmem_shared>>) attributes {dimension_semantics = [#tpu.dimension_semantics<core_parallel>, #tpu.dimension_semantics<subcore_parallel>], iteration_bounds = array<i64: 2, 16>, scalar_prefetch = 0 : i64, scratch_operands = 4 : i64, tpu.core_type = #tpu.core_type<sc_vector_subcore>, window_params = [{transform_indices = #map}, {transform_indices = #map1}]} {
    %mul3A = arith.constant 16 : i32
    %mul3A_0 = arith.muli %arg0, %mul3A : i32
    %add3A = arith.addi %mul3A_0, %arg1 : i32
    %broadcast_in_dim3A = arith.constant 0.000000e+00 : f32
    %broadcast_in_dim3A_1 = vector.broadcast %broadcast_in_dim3A : f32 to vector<16xf32>
    %scan3A = arith.constant 0 : i32
    %scan3A_2 = arith.constant 0 : i32
    %scan3A_3 = arith.constant 1024 : i32
    %scan3A_4 = arith.addi %scan3A_2, %scan3A_3 : i32
    %scan3A_5 = arith.constant 1 : i32
    scf.for %scan3A_39 = %scan3A_2 to %scan3A_4 step %scan3A_5  : i32 {
      %jit3A = arith.constant 8 : i32
      %div3A = arith.divsi %scan3A_39, %jit3A : i32
      %sign3A = arith.constant 0 : i32
      %sign3A_40 = arith.cmpi sgt, %scan3A_39, %sign3A : i32
      %sign3A_41 = arith.extui %sign3A_40 : i1 to i32
      %sign3A_42 = arith.constant 0 : i32
      %sign3A_43 = arith.cmpi slt, %scan3A_39, %sign3A_42 : i32
      %sign3A_44 = arith.extui %sign3A_43 : i1 to i32
      %sign3A_45 = arith.subi %sign3A_41, %sign3A_44 : i32
      %sign3A_46 = arith.constant 0 : i32
      %sign3A_47 = arith.cmpi sgt, %jit3A, %sign3A_46 : i32
      %sign3A_48 = arith.extui %sign3A_47 : i1 to i32
      %sign3A_49 = arith.constant 0 : i32
      %sign3A_50 = arith.cmpi slt, %jit3A, %sign3A_49 : i32
      %sign3A_51 = arith.extui %sign3A_50 : i1 to i32
      %sign3A_52 = arith.subi %sign3A_48, %sign3A_51 : i32
      %ne3A = arith.cmpi ne, %sign3A_45, %sign3A_52 : i32
      %rem3A = arith.remsi %scan3A_39, %jit3A : i32
      %ne3A_53 = arith.constant 0 : i32
      %ne3A_54 = arith.cmpi ne, %rem3A, %ne3A_53 : i32
      %and3A = arith.andi %ne3A, %ne3A_54 : i1
      %sub3A = arith.constant 1 : i32
      %sub3A_55 = arith.subi %div3A, %sub3A : i32
      %select_n3A = arith.select %and3A, %sub3A_55, %div3A : i32
      %jit3A_56 = arith.constant 8 : i32
      %eq3A = arith.constant 0 : i32
      %eq3A_57 = arith.cmpi eq, %jit3A_56, %eq3A : i32
      %jit3A_58 = arith.constant 1 : i32
      %select_n3A_59 = arith.select %eq3A_57, %jit3A_58, %jit3A_56 : i32
      %rem3A_60 = arith.remsi %scan3A_39, %select_n3A_59 : i32
      %ne3A_61 = arith.constant 0 : i32
      %ne3A_62 = arith.cmpi ne, %rem3A_60, %ne3A_61 : i32
      %lt3A = arith.constant 0 : i32
      %lt3A_63 = arith.cmpi slt, %rem3A_60, %lt3A : i32
      %lt3A_64 = arith.constant 0 : i32
      %lt3A_65 = arith.cmpi slt, %select_n3A_59, %lt3A_64 : i32
      %ne3A_66 = arith.xori %lt3A_63, %lt3A_65 : i1
      %and3A_67 = arith.andi %ne3A_66, %ne3A_62 : i1
      %add3A_68 = arith.addi %rem3A_60, %select_n3A_59 : i32
      %select_n3A_69 = arith.select %and3A_67, %add3A_68, %rem3A_60 : i32
      %mul3A_70 = arith.constant 16 : i32
      %mul3A_71 = arith.muli %select_n3A_69, %mul3A_70 : i32
      %swap3A = arith.index_cast %select_n3A : i32 to index
      %swap3A_72 = arith.index_cast %mul3A_71 : i32 to index
      %swap3A_73 = tpu.vector_load %arg6[%swap3A, %swap3A_72] {strides = array<i32>} : memref<128x128xf32, #tpu.memory_space<vmem>>, vector<1x16xf32>,
      %swap3A_74 = vector.shape_cast %swap3A_73 : vector<1x16xf32> to vector<16xf32>
      %swap3A_75 = vector.shape_cast %broadcast_in_dim3A_1 : vector<16xf32> to vector<1x16xf32>
      tpu.vector_store %arg6[%swap3A, %swap3A_72], %swap3A_75 {strides = array<i32>} : memref<128x128xf32, #tpu.memory_space<vmem>>, vector<1x16xf32>,
    }
    %scan3A_6 = arith.constant 1024 : i32
    %broadcast_in_dim3A_7 = arith.constant 1.000000e+00 : f32
    %broadcast_in_dim3A_8 = vector.broadcast %broadcast_in_dim3A_7 : f32 to vector<16xf32>
    %scan3A_9 = arith.constant 0 : i32
    %scan3A_10 = arith.constant 0 : i32
    %scan3A_11 = arith.constant 640 : i32
    %scan3A_12 = arith.addi %scan3A_10, %scan3A_11 : i32
    %scan3A_13 = arith.constant 1 : i32
    scf.for %scan3A_39 = %scan3A_10 to %scan3A_12 step %scan3A_13  : i32 {
      %jit3A = arith.constant 8 : i32
      %div3A = arith.divsi %scan3A_39, %jit3A : i32
      %sign3A = arith.constant 0 : i32
      %sign3A_40 = arith.cmpi sgt, %scan3A_39, %sign3A : i32
      %sign3A_41 = arith.extui %sign3A_40 : i1 to i32
      %sign3A_42 = arith.constant 0 : i32
      %sign3A_43 = arith.cmpi slt, %scan3A_39, %sign3A_42 : i32
      %sign3A_44 = arith.extui %sign3A_43 : i1 to i32
      %sign3A_45 = arith.subi %sign3A_41, %sign3A_44 : i32
      %sign3A_46 = arith.constant 0 : i32
      %sign3A_47 = arith.cmpi sgt, %jit3A, %sign3A_46 : i32
      %sign3A_48 = arith.extui %sign3A_47 : i1 to i32
      %sign3A_49 = arith.constant 0 : i32
      %sign3A_50 = arith.cmpi slt, %jit3A, %sign3A_49 : i32
      %sign3A_51 = arith.extui %sign3A_50 : i1 to i32
      %sign3A_52 = arith.subi %sign3A_48, %sign3A_51 : i32
      %ne3A = arith.cmpi ne, %sign3A_45, %sign3A_52 : i32
      %rem3A = arith.remsi %scan3A_39, %jit3A : i32
      %ne3A_53 = arith.constant 0 : i32
      %ne3A_54 = arith.cmpi ne, %rem3A, %ne3A_53 : i32
      %and3A = arith.andi %ne3A, %ne3A_54 : i1
      %sub3A = arith.constant 1 : i32
      %sub3A_55 = arith.subi %div3A, %sub3A : i32
      %select_n3A = arith.select %and3A, %sub3A_55, %div3A : i32
      %jit3A_56 = arith.constant 8 : i32
      %eq3A = arith.constant 0 : i32
      %eq3A_57 = arith.cmpi eq, %jit3A_56, %eq3A : i32
      %jit3A_58 = arith.constant 1 : i32
      %select_n3A_59 = arith.select %eq3A_57, %jit3A_58, %jit3A_56 : i32
      %rem3A_60 = arith.remsi %scan3A_39, %select_n3A_59 : i32
      %ne3A_61 = arith.constant 0 : i32
      %ne3A_62 = arith.cmpi ne, %rem3A_60, %ne3A_61 : i32
      %lt3A = arith.constant 0 : i32
      %lt3A_63 = arith.cmpi slt, %rem3A_60, %lt3A : i32
      %lt3A_64 = arith.constant 0 : i32
      %lt3A_65 = arith.cmpi slt, %select_n3A_59, %lt3A_64 : i32
      %ne3A_66 = arith.xori %lt3A_63, %lt3A_65 : i1
      %and3A_67 = arith.andi %ne3A_66, %ne3A_62 : i1
      %add3A_68 = arith.addi %rem3A_60, %select_n3A_59 : i32
      %select_n3A_69 = arith.select %and3A_67, %add3A_68, %rem3A_60 : i32
      %mul3A_70 = arith.constant 16 : i32
      %mul3A_71 = arith.muli %select_n3A_69, %mul3A_70 : i32
      %swap3A = arith.index_cast %select_n3A : i32 to index
      %swap3A_72 = arith.index_cast %mul3A_71 : i32 to index
      %swap3A_73 = tpu.vector_load %arg5[%swap3A, %swap3A_72] {strides = array<i32>} : memref<80x128xf32, #tpu.memory_space<vmem>>, vector<1x16xf32>,
      %swap3A_74 = vector.shape_cast %swap3A_73 : vector<1x16xf32> to vector<16xf32>
      %swap3A_75 = vector.shape_cast %broadcast_in_dim3A_8 : vector<16xf32> to vector<1x16xf32>
      tpu.vector_store %arg5[%swap3A, %swap3A_72], %swap3A_75 {strides = array<i32>} : memref<80x128xf32, #tpu.memory_space<vmem>>, vector<1x16xf32>,
    }
    %scan3A_14 = arith.constant 640 : i32
    %mul3A_15 = arith.constant 640 : i32
    %mul3A_16 = arith.muli %arg1, %mul3A_15 : i32
    %add3A_17 = arith.constant 0 : i32
    %add3A_18 = arith.addi %mul3A_16, %add3A_17 : i32
    "tpu.region"() ({
      %run_scoped3A = tpu.sem_alloc : memref<!tpu.dma_semaphore, #tpu.memory_space<semaphore_mem>>
      %dma_start3A = arith.constant 0 : i32
      %dma_start3A_39 = tpu.memref_slice %arg7[%add3A_18, %dma_start3A] : memref<10240x128xf32, #tpu.memory_space<vmem_shared>> -> memref<128x128xf32, #tpu.memory_space<vmem_shared>>
      %dma_start3A_40 = arith.constant 0 : i32
      %dma_start3A_41 = tpu.memref_slice %arg7[%add3A_18, %dma_start3A_40] : memref<10240x128xf32, #tpu.memory_space<vmem_shared>> -> memref<128x128xf32, #tpu.memory_space<vmem_shared>>
      tpu.enqueue_dma source(%arg6 : memref<128x128xf32, #tpu.memory_space<vmem>>) target(%dma_start3A_41 : memref<128x128xf32, #tpu.memory_space<vmem_shared>>) target_semaphore(%run_scoped3A : memref<!tpu.dma_semaphore, #tpu.memory_space<semaphore_mem>>)
      %dma_wait3A = arith.constant 0 : i32
      %dma_wait3A_42 = tpu.memref_slice %arg7[%add3A_18, %dma_wait3A] : memref<10240x128xf32, #tpu.memory_space<vmem_shared>> -> memref<128x128xf32, #tpu.memory_space<vmem_shared>>
      %dma_wait3A_43 = arith.constant 0 : i32
      %dma_wait3A_44 = tpu.memref_slice %arg7[%add3A_18, %dma_wait3A_43] : memref<10240x128xf32, #tpu.memory_space<vmem_shared>> -> memref<128x128xf32, #tpu.memory_space<vmem_shared>>
      tpu.wait_dma2 semaphore(%run_scoped3A : memref<!tpu.dma_semaphore, #tpu.memory_space<semaphore_mem>>) src(%arg6 : memref<128x128xf32, #tpu.memory_space<vmem>>) dst(%dma_wait3A_44 : memref<128x128xf32, #tpu.memory_space<vmem_shared>>)
      tpu.yield
    }) : () -> ()
    %add3A_19 = arith.constant 128 : i32
    %add3A_20 = arith.addi %mul3A_16, %add3A_19 : i32
    "tpu.region"() ({
      %run_scoped3A = tpu.sem_alloc : memref<!tpu.dma_semaphore, #tpu.memory_space<semaphore_mem>>
      %dma_start3A = arith.constant 0 : i32
      %dma_start3A_39 = tpu.memref_slice %arg7[%add3A_20, %dma_start3A] : memref<10240x128xf32, #tpu.memory_space<vmem_shared>> -> memref<128x128xf32, #tpu.memory_space<vmem_shared>>
      %dma_start3A_40 = arith.constant 0 : i32
      %dma_start3A_41 = tpu.memref_slice %arg7[%add3A_20, %dma_start3A_40] : memref<10240x128xf32, #tpu.memory_space<vmem_shared>> -> memref<128x128xf32, #tpu.memory_space<vmem_shared>>
      tpu.enqueue_dma source(%arg6 : memref<128x128xf32, #tpu.memory_space<vmem>>) target(%dma_start3A_41 : memref<128x128xf32, #tpu.memory_space<vmem_shared>>) target_semaphore(%run_scoped3A : memref<!tpu.dma_semaphore, #tpu.memory_space<semaphore_mem>>)
      %dma_wait3A = arith.constant 0 : i32
      %dma_wait3A_42 = tpu.memref_slice %arg7[%add3A_20, %dma_wait3A] : memref<10240x128xf32, #tpu.memory_space<vmem_shared>> -> memref<128x128xf32, #tpu.memory_space<vmem_shared>>
      %dma_wait3A_43 = arith.constant 0 : i32
      %dma_wait3A_44 = tpu.memref_slice %arg7[%add3A_20, %dma_wait3A_43] : memref<10240x128xf32, #tpu.memory_space<vmem_shared>> -> memref<128x128xf32, #tpu.memory_space<vmem_shared>>
      tpu.wait_dma2 semaphore(%run_scoped3A : memref<!tpu.dma_semaphore, #tpu.memory_space<semaphore_mem>>) src(%arg6 : memref<128x128xf32, #tpu.memory_space<vmem>>) dst(%dma_wait3A_44 : memref<128x128xf32, #tpu.memory_space<vmem_shared>>)
      tpu.yield
    }) : () -> ()
    %add3A_21 = arith.constant 256 : i32
    %add3A_22 = arith.addi %mul3A_16, %add3A_21 : i32
    "tpu.region"() ({
      %run_scoped3A = tpu.sem_alloc : memref<!tpu.dma_semaphore, #tpu.memory_space<semaphore_mem>>
      %dma_start3A = arith.constant 0 : i32
      %dma_start3A_39 = tpu.memref_slice %arg7[%add3A_22, %dma_start3A] : memref<10240x128xf32, #tpu.memory_space<vmem_shared>> -> memref<128x128xf32, #tpu.memory_space<vmem_shared>>
      %dma_start3A_40 = arith.constant 0 : i32
      %dma_start3A_41 = tpu.memref_slice %arg7[%add3A_22, %dma_start3A_40] : memref<10240x128xf32, #tpu.memory_space<vmem_shared>> -> memref<128x128xf32, #tpu.memory_space<vmem_shared>>
      tpu.enqueue_dma source(%arg6 : memref<128x128xf32, #tpu.memory_space<vmem>>) target(%dma_start3A_41 : memref<128x128xf32, #tpu.memory_space<vmem_shared>>) target_semaphore(%run_scoped3A : memref<!tpu.dma_semaphore, #tpu.memory_space<semaphore_mem>>)
      %dma_wait3A = arith.constant 0 : i32
      %dma_wait3A_42 = tpu.memref_slice %arg7[%add3A_22, %dma_wait3A] : memref<10240x128xf32, #tpu.memory_space<vmem_shared>> -> memref<128x128xf32, #tpu.memory_space<vmem_shared>>
      %dma_wait3A_43 = arith.constant 0 : i32
      %dma_wait3A_44 = tpu.memref_slice %arg7[%add3A_22, %dma_wait3A_43] : memref<10240x128xf32, #tpu.memory_space<vmem_shared>> -> memref<128x128xf32, #tpu.memory_space<vmem_shared>>
      tpu.wait_dma2 semaphore(%run_scoped3A : memref<!tpu.dma_semaphore, #tpu.memory_space<semaphore_mem>>) src(%arg6 : memref<128x128xf32, #tpu.memory_space<vmem>>) dst(%dma_wait3A_44 : memref<128x128xf32, #tpu.memory_space<vmem_shared>>)
      tpu.yield
    }) : () -> ()
    %add3A_23 = arith.constant 384 : i32
    %add3A_24 = arith.addi %mul3A_16, %add3A_23 : i32
    "tpu.region"() ({
      %run_scoped3A = tpu.sem_alloc : memref<!tpu.dma_semaphore, #tpu.memory_space<semaphore_mem>>
      %dma_start3A = arith.constant 0 : i32
      %dma_start3A_39 = tpu.memref_slice %arg7[%add3A_24, %dma_start3A] : memref<10240x128xf32, #tpu.memory_space<vmem_shared>> -> memref<128x128xf32, #tpu.memory_space<vmem_shared>>
      %dma_start3A_40 = arith.constant 0 : i32
      %dma_start3A_41 = tpu.memref_slice %arg7[%add3A_24, %dma_start3A_40] : memref<10240x128xf32, #tpu.memory_space<vmem_shared>> -> memref<128x128xf32, #tpu.memory_space<vmem_shared>>
      tpu.enqueue_dma source(%arg6 : memref<128x128xf32, #tpu.memory_space<vmem>>) target(%dma_start3A_41 : memref<128x128xf32, #tpu.memory_space<vmem_shared>>) target_semaphore(%run_scoped3A : memref<!tpu.dma_semaphore, #tpu.memory_space<semaphore_mem>>)
      %dma_wait3A = arith.constant 0 : i32
      %dma_wait3A_42 = tpu.memref_slice %arg7[%add3A_24, %dma_wait3A] : memref<10240x128xf32, #tpu.memory_space<vmem_shared>> -> memref<128x128xf32, #tpu.memory_space<vmem_shared>>
      %dma_wait3A_43 = arith.constant 0 : i32
      %dma_wait3A_44 = tpu.memref_slice %arg7[%add3A_24, %dma_wait3A_43] : memref<10240x128xf32, #tpu.memory_space<vmem_shared>> -> memref<128x128xf32, #tpu.memory_space<vmem_shared>>
      tpu.wait_dma2 semaphore(%run_scoped3A : memref<!tpu.dma_semaphore, #tpu.memory_space<semaphore_mem>>) src(%arg6 : memref<128x128xf32, #tpu.memory_space<vmem>>) dst(%dma_wait3A_44 : memref<128x128xf32, #tpu.memory_space<vmem_shared>>)
      tpu.yield
    }) : () -> ()
    %add3A_25 = arith.constant 512 : i32
    %add3A_26 = arith.addi %mul3A_16, %add3A_25 : i32
    "tpu.region"() ({
      %run_scoped3A = tpu.sem_alloc : memref<!tpu.dma_semaphore, #tpu.memory_space<semaphore_mem>>
      %dma_start3A = arith.constant 0 : i32
      %dma_start3A_39 = tpu.memref_slice %arg7[%add3A_26, %dma_start3A] : memref<10240x128xf32, #tpu.memory_space<vmem_shared>> -> memref<128x128xf32, #tpu.memory_space<vmem_shared>>
      %dma_start3A_40 = arith.constant 0 : i32
      %dma_start3A_41 = tpu.memref_slice %arg7[%add3A_26, %dma_start3A_40] : memref<10240x128xf32, #tpu.memory_space<vmem_shared>> -> memref<128x128xf32, #tpu.memory_space<vmem_shared>>
      tpu.enqueue_dma source(%arg6 : memref<128x128xf32, #tpu.memory_space<vmem>>) target(%dma_start3A_41 : memref<128x128xf32, #tpu.memory_space<vmem_shared>>) target_semaphore(%run_scoped3A : memref<!tpu.dma_semaphore, #tpu.memory_space<semaphore_mem>>)
      %dma_wait3A = arith.constant 0 : i32
      %dma_wait3A_42 = tpu.memref_slice %arg7[%add3A_26, %dma_wait3A] : memref<10240x128xf32, #tpu.memory_space<vmem_shared>> -> memref<128x128xf32, #tpu.memory_space<vmem_shared>>
      %dma_wait3A_43 = arith.constant 0 : i32
      %dma_wait3A_44 = tpu.memref_slice %arg7[%add3A_26, %dma_wait3A_43] : memref<10240x128xf32, #tpu.memory_space<vmem_shared>> -> memref<128x128xf32, #tpu.memory_space<vmem_shared>>
      tpu.wait_dma2 semaphore(%run_scoped3A : memref<!tpu.dma_semaphore, #tpu.memory_space<semaphore_mem>>) src(%arg6 : memref<128x128xf32, #tpu.memory_space<vmem>>) dst(%dma_wait3A_44 : memref<128x128xf32, #tpu.memory_space<vmem_shared>>)
      tpu.yield
    }) : () -> ()
    %barrier3A = arith.constant 0 : index
    tpu.barrier barrier_id(%barrier3A)
    %mul3A_27 = arith.constant 10000 : i32
    %mul3A_28 = arith.muli %add3A, %mul3A_27 : i32
    %scan3A_29 = arith.constant 0 : i32
    %scan3A_30 = arith.constant 0 : i32
    %scan3A_31 = arith.constant 125 : i32
    %scan3A_32 = arith.addi %scan3A_30, %scan3A_31 : i32
    %scan3A_33 = arith.constant 1 : i32
    scf.for %scan3A_39 = %scan3A_30 to %scan3A_32 step %scan3A_33  : i32 {
      %mul3A_40 = arith.constant 80 : i32
      %mul3A_41 = arith.muli %scan3A_39, %mul3A_40 : i32
      %add3A_42 = arith.addi %mul3A_28, %mul3A_41 : i32
      "tpu.region"() ({
        %run_scoped3A = tpu.sem_alloc : memref<!tpu.dma_semaphore, #tpu.memory_space<semaphore_mem>>
        %dma_start3A = tpu.memref_slice %arg2[%add3A_42] : memref<320000xi32, #tpu.memory_space<hbm>> -> memref<80xi32, #tpu.memory_space<hbm>>
        %dma_start3A_43 = tpu.memref_slice %arg2[%add3A_42] : memref<320000xi32, #tpu.memory_space<hbm>> -> memref<80xi32, #tpu.memory_space<hbm>>
        tpu.enqueue_dma source(%dma_start3A_43 : memref<80xi32, #tpu.memory_space<hbm>>) target(%arg4 : memref<80xi32, #tpu.memory_space<vmem>>) target_semaphore(%run_scoped3A : memref<!tpu.dma_semaphore, #tpu.memory_space<semaphore_mem>>)
        %dma_wait3A = tpu.memref_slice %arg2[%add3A_42] : memref<320000xi32, #tpu.memory_space<hbm>> -> memref<80xi32, #tpu.memory_space<hbm>>
        %dma_wait3A_44 = tpu.memref_slice %arg2[%add3A_42] : memref<320000xi32, #tpu.memory_space<hbm>> -> memref<80xi32, #tpu.memory_space<hbm>>
        tpu.wait_dma2 semaphore(%run_scoped3A : memref<!tpu.dma_semaphore, #tpu.memory_space<semaphore_mem>>) src(%dma_wait3A_44 : memref<80xi32, #tpu.memory_space<hbm>>) dst(%arg4 : memref<80xi32, #tpu.memory_space<vmem>>)
        tpu.yield
      }) : () -> ()
      "tpu.region"() ({
        %run_scoped3A = tpu.sem_alloc : memref<!tpu.dma_semaphore, #tpu.memory_space<semaphore_mem>>
        %dma_start3A = arith.constant 0 : i32
        %dma_start3A_43 = arith.constant 0 : i32
        %dma_start3A_44 = tpu.memref_slice %arg7[%dma_start3A, %dma_start3A_43] : memref<10240x128xf32, #tpu.memory_space<vmem_shared>> -> memref<10240x128xf32, #tpu.memory_space<vmem_shared>>
        tpu.enqueue_indirect_dma source(%arg5 : memref<80x128xf32, #tpu.memory_space<vmem>>) target(%dma_start3A_44 : memref<10240x128xf32, #tpu.memory_space<vmem_shared>>) offsets(%arg4 : memref<80xi32, #tpu.memory_space<vmem>>) semaphore(%run_scoped3A : memref<!tpu.dma_semaphore, #tpu.memory_space<semaphore_mem>>) {add = true}
        %dma_wait3A = arith.constant 0 : i32
        %dma_wait3A_45 = arith.constant 0 : i32
        %dma_wait3A_46 = tpu.memref_slice %arg7[%dma_wait3A, %dma_wait3A_45] : memref<10240x128xf32, #tpu.memory_space<vmem_shared>> -> memref<10240x128xf32, #tpu.memory_space<vmem_shared>>
        tpu.wait_indirect_dma semaphore(%run_scoped3A : memref<!tpu.dma_semaphore, #tpu.memory_space<semaphore_mem>>) src(%arg5 : memref<80x128xf32, #tpu.memory_space<vmem>>) dst(%dma_wait3A_46 : memref<10240x128xf32, #tpu.memory_space<vmem_shared>>)
        tpu.yield
      }) : () -> ()
    }
    %scan3A_34 = arith.constant 125 : i32
    %barrier3A_35 = arith.constant 0 : index
    tpu.barrier barrier_id(%barrier3A_35)
    %mul3A_36 = arith.constant 10240 : i32
    %mul3A_37 = arith.muli %arg0, %mul3A_36 : i32
    %add3A_38 = arith.addi %mul3A_37, %mul3A_16 : i32
    "tpu.region"() ({
      %run_scoped3A = tpu.sem_alloc : memref<!tpu.dma_semaphore, #tpu.memory_space<semaphore_mem>>
      %dma_start3A = arith.constant 0 : i32
      %dma_start3A_39 = tpu.memref_slice %arg3[%add3A_38, %dma_start3A] : memref<20480x128xf32, #tpu.memory_space<hbm>> -> memref<640x128xf32, #tpu.memory_space<hbm>>
      %dma_start3A_40 = arith.constant 0 : i32
      %dma_start3A_41 = tpu.memref_slice %arg7[%mul3A_16, %dma_start3A_40] : memref<10240x128xf32, #tpu.memory_space<vmem_shared>> -> memref<640x128xf32, #tpu.memory_space<vmem_shared>>
      tpu.enqueue_dma source(%dma_start3A_41 : memref<640x128xf32, #tpu.memory_space<vmem_shared>>) target(%dma_start3A_39 : memref<640x128xf32, #tpu.memory_space<hbm>>) target_semaphore(%run_scoped3A : memref<!tpu.dma_semaphore, #tpu.memory_space<semaphore_mem>>)
      %dma_wait3A = arith.constant 0 : i32
      %dma_wait3A_42 = tpu.memref_slice %arg3[%add3A_38, %dma_wait3A] : memref<20480x128xf32, #tpu.memory_space<hbm>> -> memref<640x128xf32, #tpu.memory_space<hbm>>
      %dma_wait3A_43 = arith.constant 0 : i32
      %dma_wait3A_44 = tpu.memref_slice %arg7[%mul3A_16, %dma_wait3A_43] : memref<10240x128xf32, #tpu.memory_space<vmem_shared>> -> memref<640x128xf32, #tpu.memory_space<vmem_shared>>
      tpu.wait_dma2 semaphore(%run_scoped3A : memref<!tpu.dma_semaphore, #tpu.memory_space<semaphore_mem>>) src(%dma_wait3A_44 : memref<640x128xf32, #tpu.memory_space<vmem_shared>>) dst(%dma_wait3A_42 : memref<640x128xf32, #tpu.memory_space<hbm>>)
      tpu.yield
    }) : () -> ()
    return
  }
}

#map = affine_map<(d0, d1) -> (0, 0)>
#map1 = affine_map<(d0, d1) -> (0)>
module attributes {stable_mosaic.version = 14 : i64} {
  func.func @prop(%arg0: i32, %arg1: i32, %arg2: memref<10000x128xf32, #tpu.memory_space<hbm>>, %arg3: memref<320000xi32, #tpu.memory_space<hbm>>, %arg4: memref<320000xi32, #tpu.memory_space<hbm>>, %arg5: memref<20480x128xf32, #tpu.memory_space<hbm>>, %arg6: memref<80xi32, #tpu.memory_space<vmem>>, %arg7: memref<80xi32, #tpu.memory_space<vmem>>, %arg8: memref<80x128xf32, #tpu.memory_space<vmem>>, %arg9: memref<128x128xf32, #tpu.memory_space<vmem>>, %arg10: memref<10240x128xf32, #tpu.memory_space<vmem_shared>>, %arg11: memref<!tpu.dma_semaphore, #tpu.memory_space<semaphore_mem>>) attributes {dimension_semantics = [#tpu.dimension_semantics<core_parallel>, #tpu.dimension_semantics<subcore_parallel>], iteration_bounds = array<i64: 2, 16>, scalar_prefetch = 0 : i64, scratch_operands = 6 : i64, tpu.core_type = #tpu.core_type<sc_vector_subcore>, window_params = [{transform_indices = #map}, {transform_indices = #map1}, {transform_indices = #map1}, {transform_indices = #map}]} {
    %mul3A = arith.constant 16 : i32
    %mul3A_0 = arith.muli %arg0, %mul3A : i32
    %add3A = arith.addi %mul3A_0, %arg1 : i32
    %broadcast_in_dim3A = arith.constant 0.000000e+00 : f32
    %broadcast_in_dim3A_1 = vector.broadcast %broadcast_in_dim3A : f32 to vector<16xf32>
    %scan3A = arith.constant 0 : i32
    %scan3A_2 = arith.constant 0 : i32
    %scan3A_3 = arith.constant 1024 : i32
    %scan3A_4 = arith.addi %scan3A_2, %scan3A_3 : i32
    %scan3A_5 = arith.constant 1 : i32
    scf.for %scan3A_31 = %scan3A_2 to %scan3A_4 step %scan3A_5  : i32 {
      %jit3A = arith.constant 8 : i32
      %div3A = arith.divsi %scan3A_31, %jit3A : i32
      %sign3A = arith.constant 0 : i32
      %sign3A_32 = arith.cmpi sgt, %scan3A_31, %sign3A : i32
      %sign3A_33 = arith.extui %sign3A_32 : i1 to i32
      %sign3A_34 = arith.constant 0 : i32
      %sign3A_35 = arith.cmpi slt, %scan3A_31, %sign3A_34 : i32
      %sign3A_36 = arith.extui %sign3A_35 : i1 to i32
      %sign3A_37 = arith.subi %sign3A_33, %sign3A_36 : i32
      %sign3A_38 = arith.constant 0 : i32
      %sign3A_39 = arith.cmpi sgt, %jit3A, %sign3A_38 : i32
      %sign3A_40 = arith.extui %sign3A_39 : i1 to i32
      %sign3A_41 = arith.constant 0 : i32
      %sign3A_42 = arith.cmpi slt, %jit3A, %sign3A_41 : i32
      %sign3A_43 = arith.extui %sign3A_42 : i1 to i32
      %sign3A_44 = arith.subi %sign3A_40, %sign3A_43 : i32
      %ne3A = arith.cmpi ne, %sign3A_37, %sign3A_44 : i32
      %rem3A = arith.remsi %scan3A_31, %jit3A : i32
      %ne3A_45 = arith.constant 0 : i32
      %ne3A_46 = arith.cmpi ne, %rem3A, %ne3A_45 : i32
      %and3A = arith.andi %ne3A, %ne3A_46 : i1
      %sub3A = arith.constant 1 : i32
      %sub3A_47 = arith.subi %div3A, %sub3A : i32
      %select_n3A = arith.select %and3A, %sub3A_47, %div3A : i32
      %jit3A_48 = arith.constant 8 : i32
      %eq3A = arith.constant 0 : i32
      %eq3A_49 = arith.cmpi eq, %jit3A_48, %eq3A : i32
      %jit3A_50 = arith.constant 1 : i32
      %select_n3A_51 = arith.select %eq3A_49, %jit3A_50, %jit3A_48 : i32
      %rem3A_52 = arith.remsi %scan3A_31, %select_n3A_51 : i32
      %ne3A_53 = arith.constant 0 : i32
      %ne3A_54 = arith.cmpi ne, %rem3A_52, %ne3A_53 : i32
      %lt3A = arith.constant 0 : i32
      %lt3A_55 = arith.cmpi slt, %rem3A_52, %lt3A : i32
      %lt3A_56 = arith.constant 0 : i32
      %lt3A_57 = arith.cmpi slt, %select_n3A_51, %lt3A_56 : i32
      %ne3A_58 = arith.xori %lt3A_55, %lt3A_57 : i1
      %and3A_59 = arith.andi %ne3A_58, %ne3A_54 : i1
      %add3A_60 = arith.addi %rem3A_52, %select_n3A_51 : i32
      %select_n3A_61 = arith.select %and3A_59, %add3A_60, %rem3A_52 : i32
      %mul3A_62 = arith.constant 16 : i32
      %mul3A_63 = arith.muli %select_n3A_61, %mul3A_62 : i32
      %swap3A = arith.index_cast %select_n3A : i32 to index
      %swap3A_64 = arith.index_cast %mul3A_63 : i32 to index
      %swap3A_65 = tpu.vector_load %arg9[%swap3A, %swap3A_64] {strides = array<i32>} : memref<128x128xf32, #tpu.memory_space<vmem>>, vector<1x16xf32>,
      %swap3A_66 = vector.shape_cast %swap3A_65 : vector<1x16xf32> to vector<16xf32>
      %swap3A_67 = vector.shape_cast %broadcast_in_dim3A_1 : vector<16xf32> to vector<1x16xf32>
      tpu.vector_store %arg9[%swap3A, %swap3A_64], %swap3A_67 {strides = array<i32>} : memref<128x128xf32, #tpu.memory_space<vmem>>, vector<1x16xf32>,
    }
    %scan3A_6 = arith.constant 1024 : i32
    %mul3A_7 = arith.constant 640 : i32
    %mul3A_8 = arith.muli %arg1, %mul3A_7 : i32
    %add3A_9 = arith.constant 0 : i32
    %add3A_10 = arith.addi %mul3A_8, %add3A_9 : i32
    "tpu.region"() ({
      %run_scoped3A = tpu.sem_alloc : memref<!tpu.dma_semaphore, #tpu.memory_space<semaphore_mem>>
      %dma_start3A = arith.constant 0 : i32
      %dma_start3A_31 = tpu.memref_slice %arg10[%add3A_10, %dma_start3A] : memref<10240x128xf32, #tpu.memory_space<vmem_shared>> -> memref<128x128xf32, #tpu.memory_space<vmem_shared>>
      %dma_start3A_32 = arith.constant 0 : i32
      %dma_start3A_33 = tpu.memref_slice %arg10[%add3A_10, %dma_start3A_32] : memref<10240x128xf32, #tpu.memory_space<vmem_shared>> -> memref<128x128xf32, #tpu.memory_space<vmem_shared>>
      tpu.enqueue_dma source(%arg9 : memref<128x128xf32, #tpu.memory_space<vmem>>) target(%dma_start3A_33 : memref<128x128xf32, #tpu.memory_space<vmem_shared>>) target_semaphore(%run_scoped3A : memref<!tpu.dma_semaphore, #tpu.memory_space<semaphore_mem>>)
      %dma_wait3A = arith.constant 0 : i32
      %dma_wait3A_34 = tpu.memref_slice %arg10[%add3A_10, %dma_wait3A] : memref<10240x128xf32, #tpu.memory_space<vmem_shared>> -> memref<128x128xf32, #tpu.memory_space<vmem_shared>>
      %dma_wait3A_35 = arith.constant 0 : i32
      %dma_wait3A_36 = tpu.memref_slice %arg10[%add3A_10, %dma_wait3A_35] : memref<10240x128xf32, #tpu.memory_space<vmem_shared>> -> memref<128x128xf32, #tpu.memory_space<vmem_shared>>
      tpu.wait_dma2 semaphore(%run_scoped3A : memref<!tpu.dma_semaphore, #tpu.memory_space<semaphore_mem>>) src(%arg9 : memref<128x128xf32, #tpu.memory_space<vmem>>) dst(%dma_wait3A_36 : memref<128x128xf32, #tpu.memory_space<vmem_shared>>)
      tpu.yield
    }) : () -> ()
    %add3A_11 = arith.constant 128 : i32
    %add3A_12 = arith.addi %mul3A_8, %add3A_11 : i32
    "tpu.region"() ({
      %run_scoped3A = tpu.sem_alloc : memref<!tpu.dma_semaphore, #tpu.memory_space<semaphore_mem>>
      %dma_start3A = arith.constant 0 : i32
      %dma_start3A_31 = tpu.memref_slice %arg10[%add3A_12, %dma_start3A] : memref<10240x128xf32, #tpu.memory_space<vmem_shared>> -> memref<128x128xf32, #tpu.memory_space<vmem_shared>>
      %dma_start3A_32 = arith.constant 0 : i32
      %dma_start3A_33 = tpu.memref_slice %arg10[%add3A_12, %dma_start3A_32] : memref<10240x128xf32, #tpu.memory_space<vmem_shared>> -> memref<128x128xf32, #tpu.memory_space<vmem_shared>>
      tpu.enqueue_dma source(%arg9 : memref<128x128xf32, #tpu.memory_space<vmem>>) target(%dma_start3A_33 : memref<128x128xf32, #tpu.memory_space<vmem_shared>>) target_semaphore(%run_scoped3A : memref<!tpu.dma_semaphore, #tpu.memory_space<semaphore_mem>>)
      %dma_wait3A = arith.constant 0 : i32
      %dma_wait3A_34 = tpu.memref_slice %arg10[%add3A_12, %dma_wait3A] : memref<10240x128xf32, #tpu.memory_space<vmem_shared>> -> memref<128x128xf32, #tpu.memory_space<vmem_shared>>
      %dma_wait3A_35 = arith.constant 0 : i32
      %dma_wait3A_36 = tpu.memref_slice %arg10[%add3A_12, %dma_wait3A_35] : memref<10240x128xf32, #tpu.memory_space<vmem_shared>> -> memref<128x128xf32, #tpu.memory_space<vmem_shared>>
      tpu.wait_dma2 semaphore(%run_scoped3A : memref<!tpu.dma_semaphore, #tpu.memory_space<semaphore_mem>>) src(%arg9 : memref<128x128xf32, #tpu.memory_space<vmem>>) dst(%dma_wait3A_36 : memref<128x128xf32, #tpu.memory_space<vmem_shared>>)
      tpu.yield
    }) : () -> ()
    %add3A_13 = arith.constant 256 : i32
    %add3A_14 = arith.addi %mul3A_8, %add3A_13 : i32
    "tpu.region"() ({
      %run_scoped3A = tpu.sem_alloc : memref<!tpu.dma_semaphore, #tpu.memory_space<semaphore_mem>>
      %dma_start3A = arith.constant 0 : i32
      %dma_start3A_31 = tpu.memref_slice %arg10[%add3A_14, %dma_start3A] : memref<10240x128xf32, #tpu.memory_space<vmem_shared>> -> memref<128x128xf32, #tpu.memory_space<vmem_shared>>
      %dma_start3A_32 = arith.constant 0 : i32
      %dma_start3A_33 = tpu.memref_slice %arg10[%add3A_14, %dma_start3A_32] : memref<10240x128xf32, #tpu.memory_space<vmem_shared>> -> memref<128x128xf32, #tpu.memory_space<vmem_shared>>
      tpu.enqueue_dma source(%arg9 : memref<128x128xf32, #tpu.memory_space<vmem>>) target(%dma_start3A_33 : memref<128x128xf32, #tpu.memory_space<vmem_shared>>) target_semaphore(%run_scoped3A : memref<!tpu.dma_semaphore, #tpu.memory_space<semaphore_mem>>)
      %dma_wait3A = arith.constant 0 : i32
      %dma_wait3A_34 = tpu.memref_slice %arg10[%add3A_14, %dma_wait3A] : memref<10240x128xf32, #tpu.memory_space<vmem_shared>> -> memref<128x128xf32, #tpu.memory_space<vmem_shared>>
      %dma_wait3A_35 = arith.constant 0 : i32
      %dma_wait3A_36 = tpu.memref_slice %arg10[%add3A_14, %dma_wait3A_35] : memref<10240x128xf32, #tpu.memory_space<vmem_shared>> -> memref<128x128xf32, #tpu.memory_space<vmem_shared>>
      tpu.wait_dma2 semaphore(%run_scoped3A : memref<!tpu.dma_semaphore, #tpu.memory_space<semaphore_mem>>) src(%arg9 : memref<128x128xf32, #tpu.memory_space<vmem>>) dst(%dma_wait3A_36 : memref<128x128xf32, #tpu.memory_space<vmem_shared>>)
      tpu.yield
    }) : () -> ()
    %add3A_15 = arith.constant 384 : i32
    %add3A_16 = arith.addi %mul3A_8, %add3A_15 : i32
    "tpu.region"() ({
      %run_scoped3A = tpu.sem_alloc : memref<!tpu.dma_semaphore, #tpu.memory_space<semaphore_mem>>
      %dma_start3A = arith.constant 0 : i32
      %dma_start3A_31 = tpu.memref_slice %arg10[%add3A_16, %dma_start3A] : memref<10240x128xf32, #tpu.memory_space<vmem_shared>> -> memref<128x128xf32, #tpu.memory_space<vmem_shared>>
      %dma_start3A_32 = arith.constant 0 : i32
      %dma_start3A_33 = tpu.memref_slice %arg10[%add3A_16, %dma_start3A_32] : memref<10240x128xf32, #tpu.memory_space<vmem_shared>> -> memref<128x128xf32, #tpu.memory_space<vmem_shared>>
      tpu.enqueue_dma source(%arg9 : memref<128x128xf32, #tpu.memory_space<vmem>>) target(%dma_start3A_33 : memref<128x128xf32, #tpu.memory_space<vmem_shared>>) target_semaphore(%run_scoped3A : memref<!tpu.dma_semaphore, #tpu.memory_space<semaphore_mem>>)
      %dma_wait3A = arith.constant 0 : i32
      %dma_wait3A_34 = tpu.memref_slice %arg10[%add3A_16, %dma_wait3A] : memref<10240x128xf32, #tpu.memory_space<vmem_shared>> -> memref<128x128xf32, #tpu.memory_space<vmem_shared>>
      %dma_wait3A_35 = arith.constant 0 : i32
      %dma_wait3A_36 = tpu.memref_slice %arg10[%add3A_16, %dma_wait3A_35] : memref<10240x128xf32, #tpu.memory_space<vmem_shared>> -> memref<128x128xf32, #tpu.memory_space<vmem_shared>>
      tpu.wait_dma2 semaphore(%run_scoped3A : memref<!tpu.dma_semaphore, #tpu.memory_space<semaphore_mem>>) src(%arg9 : memref<128x128xf32, #tpu.memory_space<vmem>>) dst(%dma_wait3A_36 : memref<128x128xf32, #tpu.memory_space<vmem_shared>>)
      tpu.yield
    }) : () -> ()
    %add3A_17 = arith.constant 512 : i32
    %add3A_18 = arith.addi %mul3A_8, %add3A_17 : i32
    "tpu.region"() ({
      %run_scoped3A = tpu.sem_alloc : memref<!tpu.dma_semaphore, #tpu.memory_space<semaphore_mem>>
      %dma_start3A = arith.constant 0 : i32
      %dma_start3A_31 = tpu.memref_slice %arg10[%add3A_18, %dma_start3A] : memref<10240x128xf32, #tpu.memory_space<vmem_shared>> -> memref<128x128xf32, #tpu.memory_space<vmem_shared>>
      %dma_start3A_32 = arith.constant 0 : i32
      %dma_start3A_33 = tpu.memref_slice %arg10[%add3A_18, %dma_start3A_32] : memref<10240x128xf32, #tpu.memory_space<vmem_shared>> -> memref<128x128xf32, #tpu.memory_space<vmem_shared>>
      tpu.enqueue_dma source(%arg9 : memref<128x128xf32, #tpu.memory_space<vmem>>) target(%dma_start3A_33 : memref<128x128xf32, #tpu.memory_space<vmem_shared>>) target_semaphore(%run_scoped3A : memref<!tpu.dma_semaphore, #tpu.memory_space<semaphore_mem>>)
      %dma_wait3A = arith.constant 0 : i32
      %dma_wait3A_34 = tpu.memref_slice %arg10[%add3A_18, %dma_wait3A] : memref<10240x128xf32, #tpu.memory_space<vmem_shared>> -> memref<128x128xf32, #tpu.memory_space<vmem_shared>>
      %dma_wait3A_35 = arith.constant 0 : i32
      %dma_wait3A_36 = tpu.memref_slice %arg10[%add3A_18, %dma_wait3A_35] : memref<10240x128xf32, #tpu.memory_space<vmem_shared>> -> memref<128x128xf32, #tpu.memory_space<vmem_shared>>
      tpu.wait_dma2 semaphore(%run_scoped3A : memref<!tpu.dma_semaphore, #tpu.memory_space<semaphore_mem>>) src(%arg9 : memref<128x128xf32, #tpu.memory_space<vmem>>) dst(%dma_wait3A_36 : memref<128x128xf32, #tpu.memory_space<vmem_shared>>)
      tpu.yield
    }) : () -> ()
    %barrier3A = arith.constant 0 : index
    tpu.barrier barrier_id(%barrier3A)
    %mul3A_19 = arith.constant 10000 : i32
    %mul3A_20 = arith.muli %add3A, %mul3A_19 : i32
    %scan3A_21 = arith.constant 0 : i32
    %scan3A_22 = arith.constant 0 : i32
    %scan3A_23 = arith.constant 125 : i32
    %scan3A_24 = arith.addi %scan3A_22, %scan3A_23 : i32
    %scan3A_25 = arith.constant 1 : i32
    scf.for %scan3A_31 = %scan3A_22 to %scan3A_24 step %scan3A_25  : i32 {
      %mul3A_32 = arith.constant 80 : i32
      %mul3A_33 = arith.muli %scan3A_31, %mul3A_32 : i32
      %add3A_34 = arith.addi %mul3A_20, %mul3A_33 : i32
      "tpu.region"() ({
        %run_scoped3A = tpu.sem_alloc : memref<!tpu.dma_semaphore, #tpu.memory_space<semaphore_mem>>
        %dma_start3A_39 = tpu.memref_slice %arg3[%add3A_34] : memref<320000xi32, #tpu.memory_space<hbm>> -> memref<80xi32, #tpu.memory_space<hbm>>
        %dma_start3A_40 = tpu.memref_slice %arg3[%add3A_34] : memref<320000xi32, #tpu.memory_space<hbm>> -> memref<80xi32, #tpu.memory_space<hbm>>
        tpu.enqueue_dma source(%dma_start3A_40 : memref<80xi32, #tpu.memory_space<hbm>>) target(%arg6 : memref<80xi32, #tpu.memory_space<vmem>>) target_semaphore(%run_scoped3A : memref<!tpu.dma_semaphore, #tpu.memory_space<semaphore_mem>>)
        %dma_wait3A_41 = tpu.memref_slice %arg3[%add3A_34] : memref<320000xi32, #tpu.memory_space<hbm>> -> memref<80xi32, #tpu.memory_space<hbm>>
        %dma_wait3A_42 = tpu.memref_slice %arg3[%add3A_34] : memref<320000xi32, #tpu.memory_space<hbm>> -> memref<80xi32, #tpu.memory_space<hbm>>
        tpu.wait_dma2 semaphore(%run_scoped3A : memref<!tpu.dma_semaphore, #tpu.memory_space<semaphore_mem>>) src(%dma_wait3A_42 : memref<80xi32, #tpu.memory_space<hbm>>) dst(%arg6 : memref<80xi32, #tpu.memory_space<vmem>>)
        tpu.yield
      }) : () -> ()
      "tpu.region"() ({
        %run_scoped3A = tpu.sem_alloc : memref<!tpu.dma_semaphore, #tpu.memory_space<semaphore_mem>>
        %dma_start3A_39 = tpu.memref_slice %arg4[%add3A_34] : memref<320000xi32, #tpu.memory_space<hbm>> -> memref<80xi32, #tpu.memory_space<hbm>>
        %dma_start3A_40 = tpu.memref_slice %arg4[%add3A_34] : memref<320000xi32, #tpu.memory_space<hbm>> -> memref<80xi32, #tpu.memory_space<hbm>>
        tpu.enqueue_dma source(%dma_start3A_40 : memref<80xi32, #tpu.memory_space<hbm>>) target(%arg7 : memref<80xi32, #tpu.memory_space<vmem>>) target_semaphore(%run_scoped3A : memref<!tpu.dma_semaphore, #tpu.memory_space<semaphore_mem>>)
        %dma_wait3A_41 = tpu.memref_slice %arg4[%add3A_34] : memref<320000xi32, #tpu.memory_space<hbm>> -> memref<80xi32, #tpu.memory_space<hbm>>
        %dma_wait3A_42 = tpu.memref_slice %arg4[%add3A_34] : memref<320000xi32, #tpu.memory_space<hbm>> -> memref<80xi32, #tpu.memory_space<hbm>>
        tpu.wait_dma2 semaphore(%run_scoped3A : memref<!tpu.dma_semaphore, #tpu.memory_space<semaphore_mem>>) src(%dma_wait3A_42 : memref<80xi32, #tpu.memory_space<hbm>>) dst(%arg7 : memref<80xi32, #tpu.memory_space<vmem>>)
        tpu.yield
      }) : () -> ()
      %dma_start3A = arith.constant 0 : i32
      %dma_start3A_35 = arith.constant 0 : i32
      %dma_start3A_36 = tpu.memref_slice %arg2[%dma_start3A, %dma_start3A_35] : memref<10000x128xf32, #tpu.memory_space<hbm>> -> memref<10000x128xf32, #tpu.memory_space<hbm>>
      tpu.enqueue_indirect_dma source(%dma_start3A_36 : memref<10000x128xf32, #tpu.memory_space<hbm>>) target(%arg8 : memref<80x128xf32, #tpu.memory_space<vmem>>) offsets(%arg6 : memref<80xi32, #tpu.memory_space<vmem>>) semaphore(%arg11 : memref<!tpu.dma_semaphore, #tpu.memory_space<semaphore_mem>>)
      %dma_wait3A = arith.constant 0 : i32
      %dma_wait3A_37 = arith.constant 0 : i32
      %dma_wait3A_38 = tpu.memref_slice %arg2[%dma_wait3A, %dma_wait3A_37] : memref<10000x128xf32, #tpu.memory_space<hbm>> -> memref<10000x128xf32, #tpu.memory_space<hbm>>
      tpu.wait_indirect_dma semaphore(%arg11 : memref<!tpu.dma_semaphore, #tpu.memory_space<semaphore_mem>>) src(%dma_wait3A_38 : memref<10000x128xf32, #tpu.memory_space<hbm>>) dst(%arg8 : memref<80x128xf32, #tpu.memory_space<vmem>>)
      "tpu.region"() ({
        %run_scoped3A = tpu.sem_alloc : memref<!tpu.dma_semaphore, #tpu.memory_space<semaphore_mem>>
        %dma_start3A_39 = arith.constant 0 : i32
        %dma_start3A_40 = arith.constant 0 : i32
        %dma_start3A_41 = tpu.memref_slice %arg10[%dma_start3A_39, %dma_start3A_40] : memref<10240x128xf32, #tpu.memory_space<vmem_shared>> -> memref<10240x128xf32, #tpu.memory_space<vmem_shared>>
        tpu.enqueue_indirect_dma source(%arg8 : memref<80x128xf32, #tpu.memory_space<vmem>>) target(%dma_start3A_41 : memref<10240x128xf32, #tpu.memory_space<vmem_shared>>) offsets(%arg7 : memref<80xi32, #tpu.memory_space<vmem>>) semaphore(%run_scoped3A : memref<!tpu.dma_semaphore, #tpu.memory_space<semaphore_mem>>) {add = true}
        %dma_wait3A_42 = arith.constant 0 : i32
        %dma_wait3A_43 = arith.constant 0 : i32
        %dma_wait3A_44 = tpu.memref_slice %arg10[%dma_wait3A_42, %dma_wait3A_43] : memref<10240x128xf32, #tpu.memory_space<vmem_shared>> -> memref<10240x128xf32, #tpu.memory_space<vmem_shared>>
        tpu.wait_indirect_dma semaphore(%run_scoped3A : memref<!tpu.dma_semaphore, #tpu.memory_space<semaphore_mem>>) src(%arg8 : memref<80x128xf32, #tpu.memory_space<vmem>>) dst(%dma_wait3A_44 : memref<10240x128xf32, #tpu.memory_space<vmem_shared>>)
        tpu.yield
      }) : () -> ()
    }
    %scan3A_26 = arith.constant 125 : i32
    %barrier3A_27 = arith.constant 0 : index
    tpu.barrier barrier_id(%barrier3A_27)
    %mul3A_28 = arith.constant 10240 : i32
    %mul3A_29 = arith.muli %arg0, %mul3A_28 : i32
    %add3A_30 = arith.addi %mul3A_29, %mul3A_8 : i32
    "tpu.region"() ({
      %run_scoped3A = tpu.sem_alloc : memref<!tpu.dma_semaphore, #tpu.memory_space<semaphore_mem>>
      %dma_start3A = arith.constant 0 : i32
      %dma_start3A_31 = tpu.memref_slice %arg5[%add3A_30, %dma_start3A] : memref<20480x128xf32, #tpu.memory_space<hbm>> -> memref<640x128xf32, #tpu.memory_space<hbm>>
      %dma_start3A_32 = arith.constant 0 : i32
      %dma_start3A_33 = tpu.memref_slice %arg10[%mul3A_8, %dma_start3A_32] : memref<10240x128xf32, #tpu.memory_space<vmem_shared>> -> memref<640x128xf32, #tpu.memory_space<vmem_shared>>
      tpu.enqueue_dma source(%dma_start3A_33 : memref<640x128xf32, #tpu.memory_space<vmem_shared>>) target(%dma_start3A_31 : memref<640x128xf32, #tpu.memory_space<hbm>>) target_semaphore(%run_scoped3A : memref<!tpu.dma_semaphore, #tpu.memory_space<semaphore_mem>>)
      %dma_wait3A = arith.constant 0 : i32
      %dma_wait3A_34 = tpu.memref_slice %arg5[%add3A_30, %dma_wait3A] : memref<20480x128xf32, #tpu.memory_space<hbm>> -> memref<640x128xf32, #tpu.memory_space<hbm>>
      %dma_wait3A_35 = arith.constant 0 : i32
      %dma_wait3A_36 = tpu.memref_slice %arg10[%mul3A_8, %dma_wait3A_35] : memref<10240x128xf32, #tpu.memory_space<vmem_shared>> -> memref<640x128xf32, #tpu.memory_space<vmem_shared>>
      tpu.wait_dma2 semaphore(%run_scoped3A : memref<!tpu.dma_semaphore, #tpu.memory_space<semaphore_mem>>) src(%dma_wait3A_36 : memref<640x128xf32, #tpu.memory_space<vmem_shared>>) dst(%dma_wait3A_34 : memref<640x128xf32, #tpu.memory_space<hbm>>)
      tpu.yield
    }) : () -> ()
    return
  }
}

#map = affine_map<(d0, d1) -> (0, 0)>
#map1 = affine_map<(d0, d1) -> (0)>
module attributes {stable_mosaic.version = 14 : i64} {
  func.func @prop(%arg0: i32, %arg1: i32, %arg2: memref<10000x128xf32, #tpu.memory_space<hbm>>, %arg3: memref<320000xi32, #tpu.memory_space<hbm>>, %arg4: memref<320000xi32, #tpu.memory_space<hbm>>, %arg5: memref<20480x128xf32, #tpu.memory_space<hbm>>, %arg6: memref<80xi32, #tpu.memory_space<vmem>>, %arg7: memref<80xi32, #tpu.memory_space<vmem>>, %arg8: memref<80x128xf32, #tpu.memory_space<vmem>>, %arg9: memref<128x128xf32, #tpu.memory_space<vmem>>, %arg10: memref<10240x128xf32, #tpu.memory_space<vmem_shared>>, %arg11: memref<!tpu.dma_semaphore, #tpu.memory_space<semaphore_mem>>) attributes {dimension_semantics = [#tpu.dimension_semantics<core_parallel>, #tpu.dimension_semantics<subcore_parallel>], iteration_bounds = array<i64: 2, 16>, scalar_prefetch = 0 : i64, scratch_operands = 6 : i64, tpu.core_type = #tpu.core_type<sc_vector_subcore>, window_params = [{transform_indices = #map}, {transform_indices = #map1}, {transform_indices = #map1}, {transform_indices = #map}]} {
    %mul3A = arith.constant 16 : i32
    %mul3A_0 = arith.muli %arg0, %mul3A : i32
    %add3A = arith.addi %mul3A_0, %arg1 : i32
    %broadcast_in_dim3A = arith.constant 0.000000e+00 : f32
    %broadcast_in_dim3A_1 = vector.broadcast %broadcast_in_dim3A : f32 to vector<16xf32>
    %scan3A = arith.constant 0 : i32
    %scan3A_2 = arith.constant 0 : i32
    %scan3A_3 = arith.constant 1024 : i32
    %scan3A_4 = arith.addi %scan3A_2, %scan3A_3 : i32
    %scan3A_5 = arith.constant 1 : i32
    scf.for %scan3A_31 = %scan3A_2 to %scan3A_4 step %scan3A_5  : i32 {
      %jit3A = arith.constant 8 : i32
      %div3A = arith.divsi %scan3A_31, %jit3A : i32
      %sign3A = arith.constant 0 : i32
      %sign3A_32 = arith.cmpi sgt, %scan3A_31, %sign3A : i32
      %sign3A_33 = arith.extui %sign3A_32 : i1 to i32
      %sign3A_34 = arith.constant 0 : i32
      %sign3A_35 = arith.cmpi slt, %scan3A_31, %sign3A_34 : i32
      %sign3A_36 = arith.extui %sign3A_35 : i1 to i32
      %sign3A_37 = arith.subi %sign3A_33, %sign3A_36 : i32
      %sign3A_38 = arith.constant 0 : i32
      %sign3A_39 = arith.cmpi sgt, %jit3A, %sign3A_38 : i32
      %sign3A_40 = arith.extui %sign3A_39 : i1 to i32
      %sign3A_41 = arith.constant 0 : i32
      %sign3A_42 = arith.cmpi slt, %jit3A, %sign3A_41 : i32
      %sign3A_43 = arith.extui %sign3A_42 : i1 to i32
      %sign3A_44 = arith.subi %sign3A_40, %sign3A_43 : i32
      %ne3A = arith.cmpi ne, %sign3A_37, %sign3A_44 : i32
      %rem3A = arith.remsi %scan3A_31, %jit3A : i32
      %ne3A_45 = arith.constant 0 : i32
      %ne3A_46 = arith.cmpi ne, %rem3A, %ne3A_45 : i32
      %and3A = arith.andi %ne3A, %ne3A_46 : i1
      %sub3A = arith.constant 1 : i32
      %sub3A_47 = arith.subi %div3A, %sub3A : i32
      %select_n3A = arith.select %and3A, %sub3A_47, %div3A : i32
      %jit3A_48 = arith.constant 8 : i32
      %eq3A = arith.constant 0 : i32
      %eq3A_49 = arith.cmpi eq, %jit3A_48, %eq3A : i32
      %jit3A_50 = arith.constant 1 : i32
      %select_n3A_51 = arith.select %eq3A_49, %jit3A_50, %jit3A_48 : i32
      %rem3A_52 = arith.remsi %scan3A_31, %select_n3A_51 : i32
      %ne3A_53 = arith.constant 0 : i32
      %ne3A_54 = arith.cmpi ne, %rem3A_52, %ne3A_53 : i32
      %lt3A = arith.constant 0 : i32
      %lt3A_55 = arith.cmpi slt, %rem3A_52, %lt3A : i32
      %lt3A_56 = arith.constant 0 : i32
      %lt3A_57 = arith.cmpi slt, %select_n3A_51, %lt3A_56 : i32
      %ne3A_58 = arith.xori %lt3A_55, %lt3A_57 : i1
      %and3A_59 = arith.andi %ne3A_58, %ne3A_54 : i1
      %add3A_60 = arith.addi %rem3A_52, %select_n3A_51 : i32
      %select_n3A_61 = arith.select %and3A_59, %add3A_60, %rem3A_52 : i32
      %mul3A_62 = arith.constant 16 : i32
      %mul3A_63 = arith.muli %select_n3A_61, %mul3A_62 : i32
      %swap3A = arith.index_cast %select_n3A : i32 to index
      %swap3A_64 = arith.index_cast %mul3A_63 : i32 to index
      %swap3A_65 = tpu.vector_load %arg9[%swap3A, %swap3A_64] {strides = array<i32>} : memref<128x128xf32, #tpu.memory_space<vmem>>, vector<1x16xf32>,
      %swap3A_66 = vector.shape_cast %swap3A_65 : vector<1x16xf32> to vector<16xf32>
      %swap3A_67 = vector.shape_cast %broadcast_in_dim3A_1 : vector<16xf32> to vector<1x16xf32>
      tpu.vector_store %arg9[%swap3A, %swap3A_64], %swap3A_67 {strides = array<i32>} : memref<128x128xf32, #tpu.memory_space<vmem>>, vector<1x16xf32>,
    }
    %scan3A_6 = arith.constant 1024 : i32
    %mul3A_7 = arith.constant 640 : i32
    %mul3A_8 = arith.muli %arg1, %mul3A_7 : i32
    %add3A_9 = arith.constant 0 : i32
    %add3A_10 = arith.addi %mul3A_8, %add3A_9 : i32
    "tpu.region"() ({
      %run_scoped3A = tpu.sem_alloc : memref<!tpu.dma_semaphore, #tpu.memory_space<semaphore_mem>>
      %dma_start3A = arith.constant 0 : i32
      %dma_start3A_31 = tpu.memref_slice %arg10[%add3A_10, %dma_start3A] : memref<10240x128xf32, #tpu.memory_space<vmem_shared>> -> memref<128x128xf32, #tpu.memory_space<vmem_shared>>
      %dma_start3A_32 = arith.constant 0 : i32
      %dma_start3A_33 = tpu.memref_slice %arg10[%add3A_10, %dma_start3A_32] : memref<10240x128xf32, #tpu.memory_space<vmem_shared>> -> memref<128x128xf32, #tpu.memory_space<vmem_shared>>
      tpu.enqueue_dma source(%arg9 : memref<128x128xf32, #tpu.memory_space<vmem>>) target(%dma_start3A_33 : memref<128x128xf32, #tpu.memory_space<vmem_shared>>) target_semaphore(%run_scoped3A : memref<!tpu.dma_semaphore, #tpu.memory_space<semaphore_mem>>)
      %dma_wait3A = arith.constant 0 : i32
      %dma_wait3A_34 = tpu.memref_slice %arg10[%add3A_10, %dma_wait3A] : memref<10240x128xf32, #tpu.memory_space<vmem_shared>> -> memref<128x128xf32, #tpu.memory_space<vmem_shared>>
      %dma_wait3A_35 = arith.constant 0 : i32
      %dma_wait3A_36 = tpu.memref_slice %arg10[%add3A_10, %dma_wait3A_35] : memref<10240x128xf32, #tpu.memory_space<vmem_shared>> -> memref<128x128xf32, #tpu.memory_space<vmem_shared>>
      tpu.wait_dma2 semaphore(%run_scoped3A : memref<!tpu.dma_semaphore, #tpu.memory_space<semaphore_mem>>) src(%arg9 : memref<128x128xf32, #tpu.memory_space<vmem>>) dst(%dma_wait3A_36 : memref<128x128xf32, #tpu.memory_space<vmem_shared>>)
      tpu.yield
    }) : () -> ()
    %add3A_11 = arith.constant 128 : i32
    %add3A_12 = arith.addi %mul3A_8, %add3A_11 : i32
    "tpu.region"() ({
      %run_scoped3A = tpu.sem_alloc : memref<!tpu.dma_semaphore, #tpu.memory_space<semaphore_mem>>
      %dma_start3A = arith.constant 0 : i32
      %dma_start3A_31 = tpu.memref_slice %arg10[%add3A_12, %dma_start3A] : memref<10240x128xf32, #tpu.memory_space<vmem_shared>> -> memref<128x128xf32, #tpu.memory_space<vmem_shared>>
      %dma_start3A_32 = arith.constant 0 : i32
      %dma_start3A_33 = tpu.memref_slice %arg10[%add3A_12, %dma_start3A_32] : memref<10240x128xf32, #tpu.memory_space<vmem_shared>> -> memref<128x128xf32, #tpu.memory_space<vmem_shared>>
      tpu.enqueue_dma source(%arg9 : memref<128x128xf32, #tpu.memory_space<vmem>>) target(%dma_start3A_33 : memref<128x128xf32, #tpu.memory_space<vmem_shared>>) target_semaphore(%run_scoped3A : memref<!tpu.dma_semaphore, #tpu.memory_space<semaphore_mem>>)
      %dma_wait3A = arith.constant 0 : i32
      %dma_wait3A_34 = tpu.memref_slice %arg10[%add3A_12, %dma_wait3A] : memref<10240x128xf32, #tpu.memory_space<vmem_shared>> -> memref<128x128xf32, #tpu.memory_space<vmem_shared>>
      %dma_wait3A_35 = arith.constant 0 : i32
      %dma_wait3A_36 = tpu.memref_slice %arg10[%add3A_12, %dma_wait3A_35] : memref<10240x128xf32, #tpu.memory_space<vmem_shared>> -> memref<128x128xf32, #tpu.memory_space<vmem_shared>>
      tpu.wait_dma2 semaphore(%run_scoped3A : memref<!tpu.dma_semaphore, #tpu.memory_space<semaphore_mem>>) src(%arg9 : memref<128x128xf32, #tpu.memory_space<vmem>>) dst(%dma_wait3A_36 : memref<128x128xf32, #tpu.memory_space<vmem_shared>>)
      tpu.yield
    }) : () -> ()
    %add3A_13 = arith.constant 256 : i32
    %add3A_14 = arith.addi %mul3A_8, %add3A_13 : i32
    "tpu.region"() ({
      %run_scoped3A = tpu.sem_alloc : memref<!tpu.dma_semaphore, #tpu.memory_space<semaphore_mem>>
      %dma_start3A = arith.constant 0 : i32
      %dma_start3A_31 = tpu.memref_slice %arg10[%add3A_14, %dma_start3A] : memref<10240x128xf32, #tpu.memory_space<vmem_shared>> -> memref<128x128xf32, #tpu.memory_space<vmem_shared>>
      %dma_start3A_32 = arith.constant 0 : i32
      %dma_start3A_33 = tpu.memref_slice %arg10[%add3A_14, %dma_start3A_32] : memref<10240x128xf32, #tpu.memory_space<vmem_shared>> -> memref<128x128xf32, #tpu.memory_space<vmem_shared>>
      tpu.enqueue_dma source(%arg9 : memref<128x128xf32, #tpu.memory_space<vmem>>) target(%dma_start3A_33 : memref<128x128xf32, #tpu.memory_space<vmem_shared>>) target_semaphore(%run_scoped3A : memref<!tpu.dma_semaphore, #tpu.memory_space<semaphore_mem>>)
      %dma_wait3A = arith.constant 0 : i32
      %dma_wait3A_34 = tpu.memref_slice %arg10[%add3A_14, %dma_wait3A] : memref<10240x128xf32, #tpu.memory_space<vmem_shared>> -> memref<128x128xf32, #tpu.memory_space<vmem_shared>>
      %dma_wait3A_35 = arith.constant 0 : i32
      %dma_wait3A_36 = tpu.memref_slice %arg10[%add3A_14, %dma_wait3A_35] : memref<10240x128xf32, #tpu.memory_space<vmem_shared>> -> memref<128x128xf32, #tpu.memory_space<vmem_shared>>
      tpu.wait_dma2 semaphore(%run_scoped3A : memref<!tpu.dma_semaphore, #tpu.memory_space<semaphore_mem>>) src(%arg9 : memref<128x128xf32, #tpu.memory_space<vmem>>) dst(%dma_wait3A_36 : memref<128x128xf32, #tpu.memory_space<vmem_shared>>)
      tpu.yield
    }) : () -> ()
    %add3A_15 = arith.constant 384 : i32
    %add3A_16 = arith.addi %mul3A_8, %add3A_15 : i32
    "tpu.region"() ({
      %run_scoped3A = tpu.sem_alloc : memref<!tpu.dma_semaphore, #tpu.memory_space<semaphore_mem>>
      %dma_start3A = arith.constant 0 : i32
      %dma_start3A_31 = tpu.memref_slice %arg10[%add3A_16, %dma_start3A] : memref<10240x128xf32, #tpu.memory_space<vmem_shared>> -> memref<128x128xf32, #tpu.memory_space<vmem_shared>>
      %dma_start3A_32 = arith.constant 0 : i32
      %dma_start3A_33 = tpu.memref_slice %arg10[%add3A_16, %dma_start3A_32] : memref<10240x128xf32, #tpu.memory_space<vmem_shared>> -> memref<128x128xf32, #tpu.memory_space<vmem_shared>>
      tpu.enqueue_dma source(%arg9 : memref<128x128xf32, #tpu.memory_space<vmem>>) target(%dma_start3A_33 : memref<128x128xf32, #tpu.memory_space<vmem_shared>>) target_semaphore(%run_scoped3A : memref<!tpu.dma_semaphore, #tpu.memory_space<semaphore_mem>>)
      %dma_wait3A = arith.constant 0 : i32
      %dma_wait3A_34 = tpu.memref_slice %arg10[%add3A_16, %dma_wait3A] : memref<10240x128xf32, #tpu.memory_space<vmem_shared>> -> memref<128x128xf32, #tpu.memory_space<vmem_shared>>
      %dma_wait3A_35 = arith.constant 0 : i32
      %dma_wait3A_36 = tpu.memref_slice %arg10[%add3A_16, %dma_wait3A_35] : memref<10240x128xf32, #tpu.memory_space<vmem_shared>> -> memref<128x128xf32, #tpu.memory_space<vmem_shared>>
      tpu.wait_dma2 semaphore(%run_scoped3A : memref<!tpu.dma_semaphore, #tpu.memory_space<semaphore_mem>>) src(%arg9 : memref<128x128xf32, #tpu.memory_space<vmem>>) dst(%dma_wait3A_36 : memref<128x128xf32, #tpu.memory_space<vmem_shared>>)
      tpu.yield
    }) : () -> ()
    %add3A_17 = arith.constant 512 : i32
    %add3A_18 = arith.addi %mul3A_8, %add3A_17 : i32
    "tpu.region"() ({
      %run_scoped3A = tpu.sem_alloc : memref<!tpu.dma_semaphore, #tpu.memory_space<semaphore_mem>>
      %dma_start3A = arith.constant 0 : i32
      %dma_start3A_31 = tpu.memref_slice %arg10[%add3A_18, %dma_start3A] : memref<10240x128xf32, #tpu.memory_space<vmem_shared>> -> memref<128x128xf32, #tpu.memory_space<vmem_shared>>
      %dma_start3A_32 = arith.constant 0 : i32
      %dma_start3A_33 = tpu.memref_slice %arg10[%add3A_18, %dma_start3A_32] : memref<10240x128xf32, #tpu.memory_space<vmem_shared>> -> memref<128x128xf32, #tpu.memory_space<vmem_shared>>
      tpu.enqueue_dma source(%arg9 : memref<128x128xf32, #tpu.memory_space<vmem>>) target(%dma_start3A_33 : memref<128x128xf32, #tpu.memory_space<vmem_shared>>) target_semaphore(%run_scoped3A : memref<!tpu.dma_semaphore, #tpu.memory_space<semaphore_mem>>)
      %dma_wait3A = arith.constant 0 : i32
      %dma_wait3A_34 = tpu.memref_slice %arg10[%add3A_18, %dma_wait3A] : memref<10240x128xf32, #tpu.memory_space<vmem_shared>> -> memref<128x128xf32, #tpu.memory_space<vmem_shared>>
      %dma_wait3A_35 = arith.constant 0 : i32
      %dma_wait3A_36 = tpu.memref_slice %arg10[%add3A_18, %dma_wait3A_35] : memref<10240x128xf32, #tpu.memory_space<vmem_shared>> -> memref<128x128xf32, #tpu.memory_space<vmem_shared>>
      tpu.wait_dma2 semaphore(%run_scoped3A : memref<!tpu.dma_semaphore, #tpu.memory_space<semaphore_mem>>) src(%arg9 : memref<128x128xf32, #tpu.memory_space<vmem>>) dst(%dma_wait3A_36 : memref<128x128xf32, #tpu.memory_space<vmem_shared>>)
      tpu.yield
    }) : () -> ()
    %barrier3A = arith.constant 0 : index
    tpu.barrier barrier_id(%barrier3A)
    %mul3A_19 = arith.constant 10000 : i32
    %mul3A_20 = arith.muli %add3A, %mul3A_19 : i32
    %scan3A_21 = arith.constant 0 : i32
    %scan3A_22 = arith.constant 0 : i32
    %scan3A_23 = arith.constant 125 : i32
    %scan3A_24 = arith.addi %scan3A_22, %scan3A_23 : i32
    %scan3A_25 = arith.constant 1 : i32
    scf.for %scan3A_31 = %scan3A_22 to %scan3A_24 step %scan3A_25  : i32 {
      %mul3A_32 = arith.constant 80 : i32
      %mul3A_33 = arith.muli %scan3A_31, %mul3A_32 : i32
      %add3A_34 = arith.addi %mul3A_20, %mul3A_33 : i32
      "tpu.region"() ({
        %run_scoped3A = tpu.sem_alloc : memref<!tpu.dma_semaphore, #tpu.memory_space<semaphore_mem>>
        %dma_start3A_39 = tpu.memref_slice %arg3[%add3A_34] : memref<320000xi32, #tpu.memory_space<hbm>> -> memref<80xi32, #tpu.memory_space<hbm>>
        %dma_start3A_40 = tpu.memref_slice %arg3[%add3A_34] : memref<320000xi32, #tpu.memory_space<hbm>> -> memref<80xi32, #tpu.memory_space<hbm>>
        tpu.enqueue_dma source(%dma_start3A_40 : memref<80xi32, #tpu.memory_space<hbm>>) target(%arg6 : memref<80xi32, #tpu.memory_space<vmem>>) target_semaphore(%run_scoped3A : memref<!tpu.dma_semaphore, #tpu.memory_space<semaphore_mem>>)
        %dma_wait3A_41 = tpu.memref_slice %arg3[%add3A_34] : memref<320000xi32, #tpu.memory_space<hbm>> -> memref<80xi32, #tpu.memory_space<hbm>>
        %dma_wait3A_42 = tpu.memref_slice %arg3[%add3A_34] : memref<320000xi32, #tpu.memory_space<hbm>> -> memref<80xi32, #tpu.memory_space<hbm>>
        tpu.wait_dma2 semaphore(%run_scoped3A : memref<!tpu.dma_semaphore, #tpu.memory_space<semaphore_mem>>) src(%dma_wait3A_42 : memref<80xi32, #tpu.memory_space<hbm>>) dst(%arg6 : memref<80xi32, #tpu.memory_space<vmem>>)
        tpu.yield
      }) : () -> ()
      "tpu.region"() ({
        %run_scoped3A = tpu.sem_alloc : memref<!tpu.dma_semaphore, #tpu.memory_space<semaphore_mem>>
        %dma_start3A_39 = tpu.memref_slice %arg4[%add3A_34] : memref<320000xi32, #tpu.memory_space<hbm>> -> memref<80xi32, #tpu.memory_space<hbm>>
        %dma_start3A_40 = tpu.memref_slice %arg4[%add3A_34] : memref<320000xi32, #tpu.memory_space<hbm>> -> memref<80xi32, #tpu.memory_space<hbm>>
        tpu.enqueue_dma source(%dma_start3A_40 : memref<80xi32, #tpu.memory_space<hbm>>) target(%arg7 : memref<80xi32, #tpu.memory_space<vmem>>) target_semaphore(%run_scoped3A : memref<!tpu.dma_semaphore, #tpu.memory_space<semaphore_mem>>)
        %dma_wait3A_41 = tpu.memref_slice %arg4[%add3A_34] : memref<320000xi32, #tpu.memory_space<hbm>> -> memref<80xi32, #tpu.memory_space<hbm>>
        %dma_wait3A_42 = tpu.memref_slice %arg4[%add3A_34] : memref<320000xi32, #tpu.memory_space<hbm>> -> memref<80xi32, #tpu.memory_space<hbm>>
        tpu.wait_dma2 semaphore(%run_scoped3A : memref<!tpu.dma_semaphore, #tpu.memory_space<semaphore_mem>>) src(%dma_wait3A_42 : memref<80xi32, #tpu.memory_space<hbm>>) dst(%arg7 : memref<80xi32, #tpu.memory_space<vmem>>)
        tpu.yield
      }) : () -> ()
      %dma_start3A = arith.constant 0 : i32
      %dma_start3A_35 = arith.constant 0 : i32
      %dma_start3A_36 = tpu.memref_slice %arg2[%dma_start3A, %dma_start3A_35] : memref<10000x128xf32, #tpu.memory_space<hbm>> -> memref<10000x128xf32, #tpu.memory_space<hbm>>
      tpu.enqueue_indirect_dma source(%dma_start3A_36 : memref<10000x128xf32, #tpu.memory_space<hbm>>) target(%arg8 : memref<80x128xf32, #tpu.memory_space<vmem>>) offsets(%arg6 : memref<80xi32, #tpu.memory_space<vmem>>) semaphore(%arg11 : memref<!tpu.dma_semaphore, #tpu.memory_space<semaphore_mem>>)
      %dma_wait3A = arith.constant 0 : i32
      %dma_wait3A_37 = arith.constant 0 : i32
      %dma_wait3A_38 = tpu.memref_slice %arg2[%dma_wait3A, %dma_wait3A_37] : memref<10000x128xf32, #tpu.memory_space<hbm>> -> memref<10000x128xf32, #tpu.memory_space<hbm>>
      tpu.wait_indirect_dma semaphore(%arg11 : memref<!tpu.dma_semaphore, #tpu.memory_space<semaphore_mem>>) src(%dma_wait3A_38 : memref<10000x128xf32, #tpu.memory_space<hbm>>) dst(%arg8 : memref<80x128xf32, #tpu.memory_space<vmem>>)
      "tpu.region"() ({
        %run_scoped3A = tpu.sem_alloc : memref<!tpu.dma_semaphore, #tpu.memory_space<semaphore_mem>>
        %dma_start3A_39 = arith.constant 0 : i32
        %dma_start3A_40 = arith.constant 0 : i32
        %dma_start3A_41 = tpu.memref_slice %arg10[%dma_start3A_39, %dma_start3A_40] : memref<10240x128xf32, #tpu.memory_space<vmem_shared>> -> memref<10240x128xf32, #tpu.memory_space<vmem_shared>>
        tpu.enqueue_indirect_dma source(%arg8 : memref<80x128xf32, #tpu.memory_space<vmem>>) target(%dma_start3A_41 : memref<10240x128xf32, #tpu.memory_space<vmem_shared>>) offsets(%arg7 : memref<80xi32, #tpu.memory_space<vmem>>) semaphore(%run_scoped3A : memref<!tpu.dma_semaphore, #tpu.memory_space<semaphore_mem>>) {add = true}
        %dma_wait3A_42 = arith.constant 0 : i32
        %dma_wait3A_43 = arith.constant 0 : i32
        %dma_wait3A_44 = tpu.memref_slice %arg10[%dma_wait3A_42, %dma_wait3A_43] : memref<10240x128xf32, #tpu.memory_space<vmem_shared>> -> memref<10240x128xf32, #tpu.memory_space<vmem_shared>>
        tpu.wait_indirect_dma semaphore(%run_scoped3A : memref<!tpu.dma_semaphore, #tpu.memory_space<semaphore_mem>>) src(%arg8 : memref<80x128xf32, #tpu.memory_space<vmem>>) dst(%dma_wait3A_44 : memref<10240x128xf32, #tpu.memory_space<vmem_shared>>)
        tpu.yield
      }) : () -> ()
    }
    %scan3A_26 = arith.constant 125 : i32
    %barrier3A_27 = arith.constant 0 : index
    tpu.barrier barrier_id(%barrier3A_27)
    %mul3A_28 = arith.constant 10240 : i32
    %mul3A_29 = arith.muli %arg0, %mul3A_28 : i32
    %add3A_30 = arith.addi %mul3A_29, %mul3A_8 : i32
    "tpu.region"() ({
      %run_scoped3A = tpu.sem_alloc : memref<!tpu.dma_semaphore, #tpu.memory_space<semaphore_mem>>
      %dma_start3A = arith.constant 0 : i32
      %dma_start3A_31 = tpu.memref_slice %arg5[%add3A_30, %dma_start3A] : memref<20480x128xf32, #tpu.memory_space<hbm>> -> memref<640x128xf32, #tpu.memory_space<hbm>>
      %dma_start3A_32 = arith.constant 0 : i32
      %dma_start3A_33 = tpu.memref_slice %arg10[%mul3A_8, %dma_start3A_32] : memref<10240x128xf32, #tpu.memory_space<vmem_shared>> -> memref<640x128xf32, #tpu.memory_space<vmem_shared>>
      tpu.enqueue_dma source(%dma_start3A_33 : memref<640x128xf32, #tpu.memory_space<vmem_shared>>) target(%dma_start3A_31 : memref<640x128xf32, #tpu.memory_space<hbm>>) target_semaphore(%run_scoped3A : memref<!tpu.dma_semaphore, #tpu.memory_space<semaphore_mem>>)
      %dma_wait3A = arith.constant 0 : i32
      %dma_wait3A_34 = tpu.memref_slice %arg5[%add3A_30, %dma_wait3A] : memref<20480x128xf32, #tpu.memory_space<hbm>> -> memref<640x128xf32, #tpu.memory_space<hbm>>
      %dma_wait3A_35 = arith.constant 0 : i32
      %dma_wait3A_36 = tpu.memref_slice %arg10[%mul3A_8, %dma_wait3A_35] : memref<10240x128xf32, #tpu.memory_space<vmem_shared>> -> memref<640x128xf32, #tpu.memory_space<vmem_shared>>
      tpu.wait_dma2 semaphore(%run_scoped3A : memref<!tpu.dma_semaphore, #tpu.memory_space<semaphore_mem>>) src(%dma_wait3A_36 : memref<640x128xf32, #tpu.memory_space<vmem_shared>>) dst(%dma_wait3A_34 : memref<640x128xf32, #tpu.memory_space<hbm>>)
      tpu.yield
    }) : () -> ()
    return
  }
}

#map = affine_map<(d0, d1) -> (0, 0)>
#map1 = affine_map<(d0, d1) -> (0)>
module attributes {stable_mosaic.version = 14 : i64} {
  func.func @prop(%arg0: i32, %arg1: i32, %arg2: memref<10000x128xf32, #tpu.memory_space<hbm>>, %arg3: memref<320000xi32, #tpu.memory_space<hbm>>, %arg4: memref<320000xi32, #tpu.memory_space<hbm>>, %arg5: memref<20480x128xf32, #tpu.memory_space<hbm>>, %arg6: memref<80xi32, #tpu.memory_space<vmem>>, %arg7: memref<80xi32, #tpu.memory_space<vmem>>, %arg8: memref<80x128xf32, #tpu.memory_space<vmem>>, %arg9: memref<128x128xf32, #tpu.memory_space<vmem>>, %arg10: memref<10240x128xf32, #tpu.memory_space<vmem_shared>>, %arg11: memref<!tpu.dma_semaphore, #tpu.memory_space<semaphore_mem>>) attributes {dimension_semantics = [#tpu.dimension_semantics<core_parallel>, #tpu.dimension_semantics<subcore_parallel>], iteration_bounds = array<i64: 2, 16>, scalar_prefetch = 0 : i64, scratch_operands = 6 : i64, tpu.core_type = #tpu.core_type<sc_vector_subcore>, window_params = [{transform_indices = #map}, {transform_indices = #map1}, {transform_indices = #map1}, {transform_indices = #map}]} {
    %mul3A = arith.constant 16 : i32
    %mul3A_0 = arith.muli %arg0, %mul3A : i32
    %add3A = arith.addi %mul3A_0, %arg1 : i32
    %broadcast_in_dim3A = arith.constant 0.000000e+00 : f32
    %broadcast_in_dim3A_1 = vector.broadcast %broadcast_in_dim3A : f32 to vector<16xf32>
    %scan3A = arith.constant 0 : i32
    %scan3A_2 = arith.constant 0 : i32
    %scan3A_3 = arith.constant 1024 : i32
    %scan3A_4 = arith.addi %scan3A_2, %scan3A_3 : i32
    %scan3A_5 = arith.constant 1 : i32
    scf.for %scan3A_31 = %scan3A_2 to %scan3A_4 step %scan3A_5  : i32 {
      %jit3A = arith.constant 8 : i32
      %div3A = arith.divsi %scan3A_31, %jit3A : i32
      %sign3A = arith.constant 0 : i32
      %sign3A_32 = arith.cmpi sgt, %scan3A_31, %sign3A : i32
      %sign3A_33 = arith.extui %sign3A_32 : i1 to i32
      %sign3A_34 = arith.constant 0 : i32
      %sign3A_35 = arith.cmpi slt, %scan3A_31, %sign3A_34 : i32
      %sign3A_36 = arith.extui %sign3A_35 : i1 to i32
      %sign3A_37 = arith.subi %sign3A_33, %sign3A_36 : i32
      %sign3A_38 = arith.constant 0 : i32
      %sign3A_39 = arith.cmpi sgt, %jit3A, %sign3A_38 : i32
      %sign3A_40 = arith.extui %sign3A_39 : i1 to i32
      %sign3A_41 = arith.constant 0 : i32
      %sign3A_42 = arith.cmpi slt, %jit3A, %sign3A_41 : i32
      %sign3A_43 = arith.extui %sign3A_42 : i1 to i32
      %sign3A_44 = arith.subi %sign3A_40, %sign3A_43 : i32
      %ne3A = arith.cmpi ne, %sign3A_37, %sign3A_44 : i32
      %rem3A = arith.remsi %scan3A_31, %jit3A : i32
      %ne3A_45 = arith.constant 0 : i32
      %ne3A_46 = arith.cmpi ne, %rem3A, %ne3A_45 : i32
      %and3A = arith.andi %ne3A, %ne3A_46 : i1
      %sub3A = arith.constant 1 : i32
      %sub3A_47 = arith.subi %div3A, %sub3A : i32
      %select_n3A = arith.select %and3A, %sub3A_47, %div3A : i32
      %jit3A_48 = arith.constant 8 : i32
      %eq3A = arith.constant 0 : i32
      %eq3A_49 = arith.cmpi eq, %jit3A_48, %eq3A : i32
      %jit3A_50 = arith.constant 1 : i32
      %select_n3A_51 = arith.select %eq3A_49, %jit3A_50, %jit3A_48 : i32
      %rem3A_52 = arith.remsi %scan3A_31, %select_n3A_51 : i32
      %ne3A_53 = arith.constant 0 : i32
      %ne3A_54 = arith.cmpi ne, %rem3A_52, %ne3A_53 : i32
      %lt3A = arith.constant 0 : i32
      %lt3A_55 = arith.cmpi slt, %rem3A_52, %lt3A : i32
      %lt3A_56 = arith.constant 0 : i32
      %lt3A_57 = arith.cmpi slt, %select_n3A_51, %lt3A_56 : i32
      %ne3A_58 = arith.xori %lt3A_55, %lt3A_57 : i1
      %and3A_59 = arith.andi %ne3A_58, %ne3A_54 : i1
      %add3A_60 = arith.addi %rem3A_52, %select_n3A_51 : i32
      %select_n3A_61 = arith.select %and3A_59, %add3A_60, %rem3A_52 : i32
      %mul3A_62 = arith.constant 16 : i32
      %mul3A_63 = arith.muli %select_n3A_61, %mul3A_62 : i32
      %swap3A = arith.index_cast %select_n3A : i32 to index
      %swap3A_64 = arith.index_cast %mul3A_63 : i32 to index
      %swap3A_65 = tpu.vector_load %arg9[%swap3A, %swap3A_64] {strides = array<i32>} : memref<128x128xf32, #tpu.memory_space<vmem>>, vector<1x16xf32>,
      %swap3A_66 = vector.shape_cast %swap3A_65 : vector<1x16xf32> to vector<16xf32>
      %swap3A_67 = vector.shape_cast %broadcast_in_dim3A_1 : vector<16xf32> to vector<1x16xf32>
      tpu.vector_store %arg9[%swap3A, %swap3A_64], %swap3A_67 {strides = array<i32>} : memref<128x128xf32, #tpu.memory_space<vmem>>, vector<1x16xf32>,
    }
    %scan3A_6 = arith.constant 1024 : i32
    %mul3A_7 = arith.constant 640 : i32
    %mul3A_8 = arith.muli %arg1, %mul3A_7 : i32
    %add3A_9 = arith.constant 0 : i32
    %add3A_10 = arith.addi %mul3A_8, %add3A_9 : i32
    "tpu.region"() ({
      %run_scoped3A = tpu.sem_alloc : memref<!tpu.dma_semaphore, #tpu.memory_space<semaphore_mem>>
      %dma_start3A = arith.constant 0 : i32
      %dma_start3A_31 = tpu.memref_slice %arg10[%add3A_10, %dma_start3A] : memref<10240x128xf32, #tpu.memory_space<vmem_shared>> -> memref<128x128xf32, #tpu.memory_space<vmem_shared>>
      %dma_start3A_32 = arith.constant 0 : i32
      %dma_start3A_33 = tpu.memref_slice %arg10[%add3A_10, %dma_start3A_32] : memref<10240x128xf32, #tpu.memory_space<vmem_shared>> -> memref<128x128xf32, #tpu.memory_space<vmem_shared>>
      tpu.enqueue_dma source(%arg9 : memref<128x128xf32, #tpu.memory_space<vmem>>) target(%dma_start3A_33 : memref<128x128xf32, #tpu.memory_space<vmem_shared>>) target_semaphore(%run_scoped3A : memref<!tpu.dma_semaphore, #tpu.memory_space<semaphore_mem>>)
      %dma_wait3A = arith.constant 0 : i32
      %dma_wait3A_34 = tpu.memref_slice %arg10[%add3A_10, %dma_wait3A] : memref<10240x128xf32, #tpu.memory_space<vmem_shared>> -> memref<128x128xf32, #tpu.memory_space<vmem_shared>>
      %dma_wait3A_35 = arith.constant 0 : i32
      %dma_wait3A_36 = tpu.memref_slice %arg10[%add3A_10, %dma_wait3A_35] : memref<10240x128xf32, #tpu.memory_space<vmem_shared>> -> memref<128x128xf32, #tpu.memory_space<vmem_shared>>
      tpu.wait_dma2 semaphore(%run_scoped3A : memref<!tpu.dma_semaphore, #tpu.memory_space<semaphore_mem>>) src(%arg9 : memref<128x128xf32, #tpu.memory_space<vmem>>) dst(%dma_wait3A_36 : memref<128x128xf32, #tpu.memory_space<vmem_shared>>)
      tpu.yield
    }) : () -> ()
    %add3A_11 = arith.constant 128 : i32
    %add3A_12 = arith.addi %mul3A_8, %add3A_11 : i32
    "tpu.region"() ({
      %run_scoped3A = tpu.sem_alloc : memref<!tpu.dma_semaphore, #tpu.memory_space<semaphore_mem>>
      %dma_start3A = arith.constant 0 : i32
      %dma_start3A_31 = tpu.memref_slice %arg10[%add3A_12, %dma_start3A] : memref<10240x128xf32, #tpu.memory_space<vmem_shared>> -> memref<128x128xf32, #tpu.memory_space<vmem_shared>>
      %dma_start3A_32 = arith.constant 0 : i32
      %dma_start3A_33 = tpu.memref_slice %arg10[%add3A_12, %dma_start3A_32] : memref<10240x128xf32, #tpu.memory_space<vmem_shared>> -> memref<128x128xf32, #tpu.memory_space<vmem_shared>>
      tpu.enqueue_dma source(%arg9 : memref<128x128xf32, #tpu.memory_space<vmem>>) target(%dma_start3A_33 : memref<128x128xf32, #tpu.memory_space<vmem_shared>>) target_semaphore(%run_scoped3A : memref<!tpu.dma_semaphore, #tpu.memory_space<semaphore_mem>>)
      %dma_wait3A = arith.constant 0 : i32
      %dma_wait3A_34 = tpu.memref_slice %arg10[%add3A_12, %dma_wait3A] : memref<10240x128xf32, #tpu.memory_space<vmem_shared>> -> memref<128x128xf32, #tpu.memory_space<vmem_shared>>
      %dma_wait3A_35 = arith.constant 0 : i32
      %dma_wait3A_36 = tpu.memref_slice %arg10[%add3A_12, %dma_wait3A_35] : memref<10240x128xf32, #tpu.memory_space<vmem_shared>> -> memref<128x128xf32, #tpu.memory_space<vmem_shared>>
      tpu.wait_dma2 semaphore(%run_scoped3A : memref<!tpu.dma_semaphore, #tpu.memory_space<semaphore_mem>>) src(%arg9 : memref<128x128xf32, #tpu.memory_space<vmem>>) dst(%dma_wait3A_36 : memref<128x128xf32, #tpu.memory_space<vmem_shared>>)
      tpu.yield
    }) : () -> ()
    %add3A_13 = arith.constant 256 : i32
    %add3A_14 = arith.addi %mul3A_8, %add3A_13 : i32
    "tpu.region"() ({
      %run_scoped3A = tpu.sem_alloc : memref<!tpu.dma_semaphore, #tpu.memory_space<semaphore_mem>>
      %dma_start3A = arith.constant 0 : i32
      %dma_start3A_31 = tpu.memref_slice %arg10[%add3A_14, %dma_start3A] : memref<10240x128xf32, #tpu.memory_space<vmem_shared>> -> memref<128x128xf32, #tpu.memory_space<vmem_shared>>
      %dma_start3A_32 = arith.constant 0 : i32
      %dma_start3A_33 = tpu.memref_slice %arg10[%add3A_14, %dma_start3A_32] : memref<10240x128xf32, #tpu.memory_space<vmem_shared>> -> memref<128x128xf32, #tpu.memory_space<vmem_shared>>
      tpu.enqueue_dma source(%arg9 : memref<128x128xf32, #tpu.memory_space<vmem>>) target(%dma_start3A_33 : memref<128x128xf32, #tpu.memory_space<vmem_shared>>) target_semaphore(%run_scoped3A : memref<!tpu.dma_semaphore, #tpu.memory_space<semaphore_mem>>)
      %dma_wait3A = arith.constant 0 : i32
      %dma_wait3A_34 = tpu.memref_slice %arg10[%add3A_14, %dma_wait3A] : memref<10240x128xf32, #tpu.memory_space<vmem_shared>> -> memref<128x128xf32, #tpu.memory_space<vmem_shared>>
      %dma_wait3A_35 = arith.constant 0 : i32
      %dma_wait3A_36 = tpu.memref_slice %arg10[%add3A_14, %dma_wait3A_35] : memref<10240x128xf32, #tpu.memory_space<vmem_shared>> -> memref<128x128xf32, #tpu.memory_space<vmem_shared>>
      tpu.wait_dma2 semaphore(%run_scoped3A : memref<!tpu.dma_semaphore, #tpu.memory_space<semaphore_mem>>) src(%arg9 : memref<128x128xf32, #tpu.memory_space<vmem>>) dst(%dma_wait3A_36 : memref<128x128xf32, #tpu.memory_space<vmem_shared>>)
      tpu.yield
    }) : () -> ()
    %add3A_15 = arith.constant 384 : i32
    %add3A_16 = arith.addi %mul3A_8, %add3A_15 : i32
    "tpu.region"() ({
      %run_scoped3A = tpu.sem_alloc : memref<!tpu.dma_semaphore, #tpu.memory_space<semaphore_mem>>
      %dma_start3A = arith.constant 0 : i32
      %dma_start3A_31 = tpu.memref_slice %arg10[%add3A_16, %dma_start3A] : memref<10240x128xf32, #tpu.memory_space<vmem_shared>> -> memref<128x128xf32, #tpu.memory_space<vmem_shared>>
      %dma_start3A_32 = arith.constant 0 : i32
      %dma_start3A_33 = tpu.memref_slice %arg10[%add3A_16, %dma_start3A_32] : memref<10240x128xf32, #tpu.memory_space<vmem_shared>> -> memref<128x128xf32, #tpu.memory_space<vmem_shared>>
      tpu.enqueue_dma source(%arg9 : memref<128x128xf32, #tpu.memory_space<vmem>>) target(%dma_start3A_33 : memref<128x128xf32, #tpu.memory_space<vmem_shared>>) target_semaphore(%run_scoped3A : memref<!tpu.dma_semaphore, #tpu.memory_space<semaphore_mem>>)
      %dma_wait3A = arith.constant 0 : i32
      %dma_wait3A_34 = tpu.memref_slice %arg10[%add3A_16, %dma_wait3A] : memref<10240x128xf32, #tpu.memory_space<vmem_shared>> -> memref<128x128xf32, #tpu.memory_space<vmem_shared>>
      %dma_wait3A_35 = arith.constant 0 : i32
      %dma_wait3A_36 = tpu.memref_slice %arg10[%add3A_16, %dma_wait3A_35] : memref<10240x128xf32, #tpu.memory_space<vmem_shared>> -> memref<128x128xf32, #tpu.memory_space<vmem_shared>>
      tpu.wait_dma2 semaphore(%run_scoped3A : memref<!tpu.dma_semaphore, #tpu.memory_space<semaphore_mem>>) src(%arg9 : memref<128x128xf32, #tpu.memory_space<vmem>>) dst(%dma_wait3A_36 : memref<128x128xf32, #tpu.memory_space<vmem_shared>>)
      tpu.yield
    }) : () -> ()
    %add3A_17 = arith.constant 512 : i32
    %add3A_18 = arith.addi %mul3A_8, %add3A_17 : i32
    "tpu.region"() ({
      %run_scoped3A = tpu.sem_alloc : memref<!tpu.dma_semaphore, #tpu.memory_space<semaphore_mem>>
      %dma_start3A = arith.constant 0 : i32
      %dma_start3A_31 = tpu.memref_slice %arg10[%add3A_18, %dma_start3A] : memref<10240x128xf32, #tpu.memory_space<vmem_shared>> -> memref<128x128xf32, #tpu.memory_space<vmem_shared>>
      %dma_start3A_32 = arith.constant 0 : i32
      %dma_start3A_33 = tpu.memref_slice %arg10[%add3A_18, %dma_start3A_32] : memref<10240x128xf32, #tpu.memory_space<vmem_shared>> -> memref<128x128xf32, #tpu.memory_space<vmem_shared>>
      tpu.enqueue_dma source(%arg9 : memref<128x128xf32, #tpu.memory_space<vmem>>) target(%dma_start3A_33 : memref<128x128xf32, #tpu.memory_space<vmem_shared>>) target_semaphore(%run_scoped3A : memref<!tpu.dma_semaphore, #tpu.memory_space<semaphore_mem>>)
      %dma_wait3A = arith.constant 0 : i32
      %dma_wait3A_34 = tpu.memref_slice %arg10[%add3A_18, %dma_wait3A] : memref<10240x128xf32, #tpu.memory_space<vmem_shared>> -> memref<128x128xf32, #tpu.memory_space<vmem_shared>>
      %dma_wait3A_35 = arith.constant 0 : i32
      %dma_wait3A_36 = tpu.memref_slice %arg10[%add3A_18, %dma_wait3A_35] : memref<10240x128xf32, #tpu.memory_space<vmem_shared>> -> memref<128x128xf32, #tpu.memory_space<vmem_shared>>
      tpu.wait_dma2 semaphore(%run_scoped3A : memref<!tpu.dma_semaphore, #tpu.memory_space<semaphore_mem>>) src(%arg9 : memref<128x128xf32, #tpu.memory_space<vmem>>) dst(%dma_wait3A_36 : memref<128x128xf32, #tpu.memory_space<vmem_shared>>)
      tpu.yield
    }) : () -> ()
    %barrier3A = arith.constant 0 : index
    tpu.barrier barrier_id(%barrier3A)
    %mul3A_19 = arith.constant 10000 : i32
    %mul3A_20 = arith.muli %add3A, %mul3A_19 : i32
    %scan3A_21 = arith.constant 0 : i32
    %scan3A_22 = arith.constant 0 : i32
    %scan3A_23 = arith.constant 125 : i32
    %scan3A_24 = arith.addi %scan3A_22, %scan3A_23 : i32
    %scan3A_25 = arith.constant 1 : i32
    scf.for %scan3A_31 = %scan3A_22 to %scan3A_24 step %scan3A_25  : i32 {
      %mul3A_32 = arith.constant 80 : i32
      %mul3A_33 = arith.muli %scan3A_31, %mul3A_32 : i32
      %add3A_34 = arith.addi %mul3A_20, %mul3A_33 : i32
      "tpu.region"() ({
        %run_scoped3A = tpu.sem_alloc : memref<!tpu.dma_semaphore, #tpu.memory_space<semaphore_mem>>
        %dma_start3A_39 = tpu.memref_slice %arg3[%add3A_34] : memref<320000xi32, #tpu.memory_space<hbm>> -> memref<80xi32, #tpu.memory_space<hbm>>
        %dma_start3A_40 = tpu.memref_slice %arg3[%add3A_34] : memref<320000xi32, #tpu.memory_space<hbm>> -> memref<80xi32, #tpu.memory_space<hbm>>
        tpu.enqueue_dma source(%dma_start3A_40 : memref<80xi32, #tpu.memory_space<hbm>>) target(%arg6 : memref<80xi32, #tpu.memory_space<vmem>>) target_semaphore(%run_scoped3A : memref<!tpu.dma_semaphore, #tpu.memory_space<semaphore_mem>>)
        %dma_wait3A_41 = tpu.memref_slice %arg3[%add3A_34] : memref<320000xi32, #tpu.memory_space<hbm>> -> memref<80xi32, #tpu.memory_space<hbm>>
        %dma_wait3A_42 = tpu.memref_slice %arg3[%add3A_34] : memref<320000xi32, #tpu.memory_space<hbm>> -> memref<80xi32, #tpu.memory_space<hbm>>
        tpu.wait_dma2 semaphore(%run_scoped3A : memref<!tpu.dma_semaphore, #tpu.memory_space<semaphore_mem>>) src(%dma_wait3A_42 : memref<80xi32, #tpu.memory_space<hbm>>) dst(%arg6 : memref<80xi32, #tpu.memory_space<vmem>>)
        tpu.yield
      }) : () -> ()
      "tpu.region"() ({
        %run_scoped3A = tpu.sem_alloc : memref<!tpu.dma_semaphore, #tpu.memory_space<semaphore_mem>>
        %dma_start3A_39 = tpu.memref_slice %arg4[%add3A_34] : memref<320000xi32, #tpu.memory_space<hbm>> -> memref<80xi32, #tpu.memory_space<hbm>>
        %dma_start3A_40 = tpu.memref_slice %arg4[%add3A_34] : memref<320000xi32, #tpu.memory_space<hbm>> -> memref<80xi32, #tpu.memory_space<hbm>>
        tpu.enqueue_dma source(%dma_start3A_40 : memref<80xi32, #tpu.memory_space<hbm>>) target(%arg7 : memref<80xi32, #tpu.memory_space<vmem>>) target_semaphore(%run_scoped3A : memref<!tpu.dma_semaphore, #tpu.memory_space<semaphore_mem>>)
        %dma_wait3A_41 = tpu.memref_slice %arg4[%add3A_34] : memref<320000xi32, #tpu.memory_space<hbm>> -> memref<80xi32, #tpu.memory_space<hbm>>
        %dma_wait3A_42 = tpu.memref_slice %arg4[%add3A_34] : memref<320000xi32, #tpu.memory_space<hbm>> -> memref<80xi32, #tpu.memory_space<hbm>>
        tpu.wait_dma2 semaphore(%run_scoped3A : memref<!tpu.dma_semaphore, #tpu.memory_space<semaphore_mem>>) src(%dma_wait3A_42 : memref<80xi32, #tpu.memory_space<hbm>>) dst(%arg7 : memref<80xi32, #tpu.memory_space<vmem>>)
        tpu.yield
      }) : () -> ()
      %dma_start3A = arith.constant 0 : i32
      %dma_start3A_35 = arith.constant 0 : i32
      %dma_start3A_36 = tpu.memref_slice %arg2[%dma_start3A, %dma_start3A_35] : memref<10000x128xf32, #tpu.memory_space<hbm>> -> memref<10000x128xf32, #tpu.memory_space<hbm>>
      tpu.enqueue_indirect_dma source(%dma_start3A_36 : memref<10000x128xf32, #tpu.memory_space<hbm>>) target(%arg8 : memref<80x128xf32, #tpu.memory_space<vmem>>) offsets(%arg6 : memref<80xi32, #tpu.memory_space<vmem>>) semaphore(%arg11 : memref<!tpu.dma_semaphore, #tpu.memory_space<semaphore_mem>>)
      %dma_wait3A = arith.constant 0 : i32
      %dma_wait3A_37 = arith.constant 0 : i32
      %dma_wait3A_38 = tpu.memref_slice %arg2[%dma_wait3A, %dma_wait3A_37] : memref<10000x128xf32, #tpu.memory_space<hbm>> -> memref<10000x128xf32, #tpu.memory_space<hbm>>
      tpu.wait_indirect_dma semaphore(%arg11 : memref<!tpu.dma_semaphore, #tpu.memory_space<semaphore_mem>>) src(%dma_wait3A_38 : memref<10000x128xf32, #tpu.memory_space<hbm>>) dst(%arg8 : memref<80x128xf32, #tpu.memory_space<vmem>>)
      "tpu.region"() ({
        %run_scoped3A = tpu.sem_alloc : memref<!tpu.dma_semaphore, #tpu.memory_space<semaphore_mem>>
        %dma_start3A_39 = arith.constant 0 : i32
        %dma_start3A_40 = arith.constant 0 : i32
        %dma_start3A_41 = tpu.memref_slice %arg10[%dma_start3A_39, %dma_start3A_40] : memref<10240x128xf32, #tpu.memory_space<vmem_shared>> -> memref<10240x128xf32, #tpu.memory_space<vmem_shared>>
        tpu.enqueue_indirect_dma source(%arg8 : memref<80x128xf32, #tpu.memory_space<vmem>>) target(%dma_start3A_41 : memref<10240x128xf32, #tpu.memory_space<vmem_shared>>) offsets(%arg7 : memref<80xi32, #tpu.memory_space<vmem>>) semaphore(%run_scoped3A : memref<!tpu.dma_semaphore, #tpu.memory_space<semaphore_mem>>) {add = true}
        %dma_wait3A_42 = arith.constant 0 : i32
        %dma_wait3A_43 = arith.constant 0 : i32
        %dma_wait3A_44 = tpu.memref_slice %arg10[%dma_wait3A_42, %dma_wait3A_43] : memref<10240x128xf32, #tpu.memory_space<vmem_shared>> -> memref<10240x128xf32, #tpu.memory_space<vmem_shared>>
        tpu.wait_indirect_dma semaphore(%run_scoped3A : memref<!tpu.dma_semaphore, #tpu.memory_space<semaphore_mem>>) src(%arg8 : memref<80x128xf32, #tpu.memory_space<vmem>>) dst(%dma_wait3A_44 : memref<10240x128xf32, #tpu.memory_space<vmem_shared>>)
        tpu.yield
      }) : () -> ()
    }
    %scan3A_26 = arith.constant 125 : i32
    %barrier3A_27 = arith.constant 0 : index
    tpu.barrier barrier_id(%barrier3A_27)
    %mul3A_28 = arith.constant 10240 : i32
    %mul3A_29 = arith.muli %arg0, %mul3A_28 : i32
    %add3A_30 = arith.addi %mul3A_29, %mul3A_8 : i32
    "tpu.region"() ({
      %run_scoped3A = tpu.sem_alloc : memref<!tpu.dma_semaphore, #tpu.memory_space<semaphore_mem>>
      %dma_start3A = arith.constant 0 : i32
      %dma_start3A_31 = tpu.memref_slice %arg5[%add3A_30, %dma_start3A] : memref<20480x128xf32, #tpu.memory_space<hbm>> -> memref<640x128xf32, #tpu.memory_space<hbm>>
      %dma_start3A_32 = arith.constant 0 : i32
      %dma_start3A_33 = tpu.memref_slice %arg10[%mul3A_8, %dma_start3A_32] : memref<10240x128xf32, #tpu.memory_space<vmem_shared>> -> memref<640x128xf32, #tpu.memory_space<vmem_shared>>
      tpu.enqueue_dma source(%dma_start3A_33 : memref<640x128xf32, #tpu.memory_space<vmem_shared>>) target(%dma_start3A_31 : memref<640x128xf32, #tpu.memory_space<hbm>>) target_semaphore(%run_scoped3A : memref<!tpu.dma_semaphore, #tpu.memory_space<semaphore_mem>>)
      %dma_wait3A = arith.constant 0 : i32
      %dma_wait3A_34 = tpu.memref_slice %arg5[%add3A_30, %dma_wait3A] : memref<20480x128xf32, #tpu.memory_space<hbm>> -> memref<640x128xf32, #tpu.memory_space<hbm>>
      %dma_wait3A_35 = arith.constant 0 : i32
      %dma_wait3A_36 = tpu.memref_slice %arg10[%mul3A_8, %dma_wait3A_35] : memref<10240x128xf32, #tpu.memory_space<vmem_shared>> -> memref<640x128xf32, #tpu.memory_space<vmem_shared>>
      tpu.wait_dma2 semaphore(%run_scoped3A : memref<!tpu.dma_semaphore, #tpu.memory_space<semaphore_mem>>) src(%dma_wait3A_36 : memref<640x128xf32, #tpu.memory_space<vmem_shared>>) dst(%dma_wait3A_34 : memref<640x128xf32, #tpu.memory_space<hbm>>)
      tpu.yield
    }) : () -> ()
    return
  }
}

#map = affine_map<(d0, d1) -> (0, 0)>
#map1 = affine_map<(d0, d1) -> (0)>
module attributes {stable_mosaic.version = 14 : i64} {
  func.func @prop(%arg0: i32, %arg1: i32, %arg2: memref<10000x128xf32, #tpu.memory_space<hbm>>, %arg3: memref<320000xi32, #tpu.memory_space<hbm>>, %arg4: memref<320000xi32, #tpu.memory_space<hbm>>, %arg5: memref<20480x128xf32, #tpu.memory_space<hbm>>, %arg6: memref<80xi32, #tpu.memory_space<vmem>>, %arg7: memref<80xi32, #tpu.memory_space<vmem>>, %arg8: memref<80x128xf32, #tpu.memory_space<vmem>>, %arg9: memref<128x128xf32, #tpu.memory_space<vmem>>, %arg10: memref<10240x128xf32, #tpu.memory_space<vmem_shared>>, %arg11: memref<!tpu.dma_semaphore, #tpu.memory_space<semaphore_mem>>) attributes {dimension_semantics = [#tpu.dimension_semantics<core_parallel>, #tpu.dimension_semantics<subcore_parallel>], iteration_bounds = array<i64: 2, 16>, scalar_prefetch = 0 : i64, scratch_operands = 6 : i64, tpu.core_type = #tpu.core_type<sc_vector_subcore>, window_params = [{transform_indices = #map}, {transform_indices = #map1}, {transform_indices = #map1}, {transform_indices = #map}]} {
    %mul3A = arith.constant 16 : i32
    %mul3A_0 = arith.muli %arg0, %mul3A : i32
    %add3A = arith.addi %mul3A_0, %arg1 : i32
    %broadcast_in_dim3A = arith.constant 0.000000e+00 : f32
    %broadcast_in_dim3A_1 = vector.broadcast %broadcast_in_dim3A : f32 to vector<16xf32>
    %scan3A = arith.constant 0 : i32
    %scan3A_2 = arith.constant 0 : i32
    %scan3A_3 = arith.constant 1024 : i32
    %scan3A_4 = arith.addi %scan3A_2, %scan3A_3 : i32
    %scan3A_5 = arith.constant 1 : i32
    scf.for %scan3A_31 = %scan3A_2 to %scan3A_4 step %scan3A_5  : i32 {
      %jit3A = arith.constant 8 : i32
      %div3A = arith.divsi %scan3A_31, %jit3A : i32
      %sign3A = arith.constant 0 : i32
      %sign3A_32 = arith.cmpi sgt, %scan3A_31, %sign3A : i32
      %sign3A_33 = arith.extui %sign3A_32 : i1 to i32
      %sign3A_34 = arith.constant 0 : i32
      %sign3A_35 = arith.cmpi slt, %scan3A_31, %sign3A_34 : i32
      %sign3A_36 = arith.extui %sign3A_35 : i1 to i32
      %sign3A_37 = arith.subi %sign3A_33, %sign3A_36 : i32
      %sign3A_38 = arith.constant 0 : i32
      %sign3A_39 = arith.cmpi sgt, %jit3A, %sign3A_38 : i32
      %sign3A_40 = arith.extui %sign3A_39 : i1 to i32
      %sign3A_41 = arith.constant 0 : i32
      %sign3A_42 = arith.cmpi slt, %jit3A, %sign3A_41 : i32
      %sign3A_43 = arith.extui %sign3A_42 : i1 to i32
      %sign3A_44 = arith.subi %sign3A_40, %sign3A_43 : i32
      %ne3A = arith.cmpi ne, %sign3A_37, %sign3A_44 : i32
      %rem3A = arith.remsi %scan3A_31, %jit3A : i32
      %ne3A_45 = arith.constant 0 : i32
      %ne3A_46 = arith.cmpi ne, %rem3A, %ne3A_45 : i32
      %and3A = arith.andi %ne3A, %ne3A_46 : i1
      %sub3A = arith.constant 1 : i32
      %sub3A_47 = arith.subi %div3A, %sub3A : i32
      %select_n3A = arith.select %and3A, %sub3A_47, %div3A : i32
      %jit3A_48 = arith.constant 8 : i32
      %eq3A = arith.constant 0 : i32
      %eq3A_49 = arith.cmpi eq, %jit3A_48, %eq3A : i32
      %jit3A_50 = arith.constant 1 : i32
      %select_n3A_51 = arith.select %eq3A_49, %jit3A_50, %jit3A_48 : i32
      %rem3A_52 = arith.remsi %scan3A_31, %select_n3A_51 : i32
      %ne3A_53 = arith.constant 0 : i32
      %ne3A_54 = arith.cmpi ne, %rem3A_52, %ne3A_53 : i32
      %lt3A = arith.constant 0 : i32
      %lt3A_55 = arith.cmpi slt, %rem3A_52, %lt3A : i32
      %lt3A_56 = arith.constant 0 : i32
      %lt3A_57 = arith.cmpi slt, %select_n3A_51, %lt3A_56 : i32
      %ne3A_58 = arith.xori %lt3A_55, %lt3A_57 : i1
      %and3A_59 = arith.andi %ne3A_58, %ne3A_54 : i1
      %add3A_60 = arith.addi %rem3A_52, %select_n3A_51 : i32
      %select_n3A_61 = arith.select %and3A_59, %add3A_60, %rem3A_52 : i32
      %mul3A_62 = arith.constant 16 : i32
      %mul3A_63 = arith.muli %select_n3A_61, %mul3A_62 : i32
      %swap3A = arith.index_cast %select_n3A : i32 to index
      %swap3A_64 = arith.index_cast %mul3A_63 : i32 to index
      %swap3A_65 = tpu.vector_load %arg9[%swap3A, %swap3A_64] {strides = array<i32>} : memref<128x128xf32, #tpu.memory_space<vmem>>, vector<1x16xf32>,
      %swap3A_66 = vector.shape_cast %swap3A_65 : vector<1x16xf32> to vector<16xf32>
      %swap3A_67 = vector.shape_cast %broadcast_in_dim3A_1 : vector<16xf32> to vector<1x16xf32>
      tpu.vector_store %arg9[%swap3A, %swap3A_64], %swap3A_67 {strides = array<i32>} : memref<128x128xf32, #tpu.memory_space<vmem>>, vector<1x16xf32>,
    }
    %scan3A_6 = arith.constant 1024 : i32
    %mul3A_7 = arith.constant 640 : i32
    %mul3A_8 = arith.muli %arg1, %mul3A_7 : i32
    %add3A_9 = arith.constant 0 : i32
    %add3A_10 = arith.addi %mul3A_8, %add3A_9 : i32
    "tpu.region"() ({
      %run_scoped3A = tpu.sem_alloc : memref<!tpu.dma_semaphore, #tpu.memory_space<semaphore_mem>>
      %dma_start3A = arith.constant 0 : i32
      %dma_start3A_31 = tpu.memref_slice %arg10[%add3A_10, %dma_start3A] : memref<10240x128xf32, #tpu.memory_space<vmem_shared>> -> memref<128x128xf32, #tpu.memory_space<vmem_shared>>
      %dma_start3A_32 = arith.constant 0 : i32
      %dma_start3A_33 = tpu.memref_slice %arg10[%add3A_10, %dma_start3A_32] : memref<10240x128xf32, #tpu.memory_space<vmem_shared>> -> memref<128x128xf32, #tpu.memory_space<vmem_shared>>
      tpu.enqueue_dma source(%arg9 : memref<128x128xf32, #tpu.memory_space<vmem>>) target(%dma_start3A_33 : memref<128x128xf32, #tpu.memory_space<vmem_shared>>) target_semaphore(%run_scoped3A : memref<!tpu.dma_semaphore, #tpu.memory_space<semaphore_mem>>)
      %dma_wait3A = arith.constant 0 : i32
      %dma_wait3A_34 = tpu.memref_slice %arg10[%add3A_10, %dma_wait3A] : memref<10240x128xf32, #tpu.memory_space<vmem_shared>> -> memref<128x128xf32, #tpu.memory_space<vmem_shared>>
      %dma_wait3A_35 = arith.constant 0 : i32
      %dma_wait3A_36 = tpu.memref_slice %arg10[%add3A_10, %dma_wait3A_35] : memref<10240x128xf32, #tpu.memory_space<vmem_shared>> -> memref<128x128xf32, #tpu.memory_space<vmem_shared>>
      tpu.wait_dma2 semaphore(%run_scoped3A : memref<!tpu.dma_semaphore, #tpu.memory_space<semaphore_mem>>) src(%arg9 : memref<128x128xf32, #tpu.memory_space<vmem>>) dst(%dma_wait3A_36 : memref<128x128xf32, #tpu.memory_space<vmem_shared>>)
      tpu.yield
    }) : () -> ()
    %add3A_11 = arith.constant 128 : i32
    %add3A_12 = arith.addi %mul3A_8, %add3A_11 : i32
    "tpu.region"() ({
      %run_scoped3A = tpu.sem_alloc : memref<!tpu.dma_semaphore, #tpu.memory_space<semaphore_mem>>
      %dma_start3A = arith.constant 0 : i32
      %dma_start3A_31 = tpu.memref_slice %arg10[%add3A_12, %dma_start3A] : memref<10240x128xf32, #tpu.memory_space<vmem_shared>> -> memref<128x128xf32, #tpu.memory_space<vmem_shared>>
      %dma_start3A_32 = arith.constant 0 : i32
      %dma_start3A_33 = tpu.memref_slice %arg10[%add3A_12, %dma_start3A_32] : memref<10240x128xf32, #tpu.memory_space<vmem_shared>> -> memref<128x128xf32, #tpu.memory_space<vmem_shared>>
      tpu.enqueue_dma source(%arg9 : memref<128x128xf32, #tpu.memory_space<vmem>>) target(%dma_start3A_33 : memref<128x128xf32, #tpu.memory_space<vmem_shared>>) target_semaphore(%run_scoped3A : memref<!tpu.dma_semaphore, #tpu.memory_space<semaphore_mem>>)
      %dma_wait3A = arith.constant 0 : i32
      %dma_wait3A_34 = tpu.memref_slice %arg10[%add3A_12, %dma_wait3A] : memref<10240x128xf32, #tpu.memory_space<vmem_shared>> -> memref<128x128xf32, #tpu.memory_space<vmem_shared>>
      %dma_wait3A_35 = arith.constant 0 : i32
      %dma_wait3A_36 = tpu.memref_slice %arg10[%add3A_12, %dma_wait3A_35] : memref<10240x128xf32, #tpu.memory_space<vmem_shared>> -> memref<128x128xf32, #tpu.memory_space<vmem_shared>>
      tpu.wait_dma2 semaphore(%run_scoped3A : memref<!tpu.dma_semaphore, #tpu.memory_space<semaphore_mem>>) src(%arg9 : memref<128x128xf32, #tpu.memory_space<vmem>>) dst(%dma_wait3A_36 : memref<128x128xf32, #tpu.memory_space<vmem_shared>>)
      tpu.yield
    }) : () -> ()
    %add3A_13 = arith.constant 256 : i32
    %add3A_14 = arith.addi %mul3A_8, %add3A_13 : i32
    "tpu.region"() ({
      %run_scoped3A = tpu.sem_alloc : memref<!tpu.dma_semaphore, #tpu.memory_space<semaphore_mem>>
      %dma_start3A = arith.constant 0 : i32
      %dma_start3A_31 = tpu.memref_slice %arg10[%add3A_14, %dma_start3A] : memref<10240x128xf32, #tpu.memory_space<vmem_shared>> -> memref<128x128xf32, #tpu.memory_space<vmem_shared>>
      %dma_start3A_32 = arith.constant 0 : i32
      %dma_start3A_33 = tpu.memref_slice %arg10[%add3A_14, %dma_start3A_32] : memref<10240x128xf32, #tpu.memory_space<vmem_shared>> -> memref<128x128xf32, #tpu.memory_space<vmem_shared>>
      tpu.enqueue_dma source(%arg9 : memref<128x128xf32, #tpu.memory_space<vmem>>) target(%dma_start3A_33 : memref<128x128xf32, #tpu.memory_space<vmem_shared>>) target_semaphore(%run_scoped3A : memref<!tpu.dma_semaphore, #tpu.memory_space<semaphore_mem>>)
      %dma_wait3A = arith.constant 0 : i32
      %dma_wait3A_34 = tpu.memref_slice %arg10[%add3A_14, %dma_wait3A] : memref<10240x128xf32, #tpu.memory_space<vmem_shared>> -> memref<128x128xf32, #tpu.memory_space<vmem_shared>>
      %dma_wait3A_35 = arith.constant 0 : i32
      %dma_wait3A_36 = tpu.memref_slice %arg10[%add3A_14, %dma_wait3A_35] : memref<10240x128xf32, #tpu.memory_space<vmem_shared>> -> memref<128x128xf32, #tpu.memory_space<vmem_shared>>
      tpu.wait_dma2 semaphore(%run_scoped3A : memref<!tpu.dma_semaphore, #tpu.memory_space<semaphore_mem>>) src(%arg9 : memref<128x128xf32, #tpu.memory_space<vmem>>) dst(%dma_wait3A_36 : memref<128x128xf32, #tpu.memory_space<vmem_shared>>)
      tpu.yield
    }) : () -> ()
    %add3A_15 = arith.constant 384 : i32
    %add3A_16 = arith.addi %mul3A_8, %add3A_15 : i32
    "tpu.region"() ({
      %run_scoped3A = tpu.sem_alloc : memref<!tpu.dma_semaphore, #tpu.memory_space<semaphore_mem>>
      %dma_start3A = arith.constant 0 : i32
      %dma_start3A_31 = tpu.memref_slice %arg10[%add3A_16, %dma_start3A] : memref<10240x128xf32, #tpu.memory_space<vmem_shared>> -> memref<128x128xf32, #tpu.memory_space<vmem_shared>>
      %dma_start3A_32 = arith.constant 0 : i32
      %dma_start3A_33 = tpu.memref_slice %arg10[%add3A_16, %dma_start3A_32] : memref<10240x128xf32, #tpu.memory_space<vmem_shared>> -> memref<128x128xf32, #tpu.memory_space<vmem_shared>>
      tpu.enqueue_dma source(%arg9 : memref<128x128xf32, #tpu.memory_space<vmem>>) target(%dma_start3A_33 : memref<128x128xf32, #tpu.memory_space<vmem_shared>>) target_semaphore(%run_scoped3A : memref<!tpu.dma_semaphore, #tpu.memory_space<semaphore_mem>>)
      %dma_wait3A = arith.constant 0 : i32
      %dma_wait3A_34 = tpu.memref_slice %arg10[%add3A_16, %dma_wait3A] : memref<10240x128xf32, #tpu.memory_space<vmem_shared>> -> memref<128x128xf32, #tpu.memory_space<vmem_shared>>
      %dma_wait3A_35 = arith.constant 0 : i32
      %dma_wait3A_36 = tpu.memref_slice %arg10[%add3A_16, %dma_wait3A_35] : memref<10240x128xf32, #tpu.memory_space<vmem_shared>> -> memref<128x128xf32, #tpu.memory_space<vmem_shared>>
      tpu.wait_dma2 semaphore(%run_scoped3A : memref<!tpu.dma_semaphore, #tpu.memory_space<semaphore_mem>>) src(%arg9 : memref<128x128xf32, #tpu.memory_space<vmem>>) dst(%dma_wait3A_36 : memref<128x128xf32, #tpu.memory_space<vmem_shared>>)
      tpu.yield
    }) : () -> ()
    %add3A_17 = arith.constant 512 : i32
    %add3A_18 = arith.addi %mul3A_8, %add3A_17 : i32
    "tpu.region"() ({
      %run_scoped3A = tpu.sem_alloc : memref<!tpu.dma_semaphore, #tpu.memory_space<semaphore_mem>>
      %dma_start3A = arith.constant 0 : i32
      %dma_start3A_31 = tpu.memref_slice %arg10[%add3A_18, %dma_start3A] : memref<10240x128xf32, #tpu.memory_space<vmem_shared>> -> memref<128x128xf32, #tpu.memory_space<vmem_shared>>
      %dma_start3A_32 = arith.constant 0 : i32
      %dma_start3A_33 = tpu.memref_slice %arg10[%add3A_18, %dma_start3A_32] : memref<10240x128xf32, #tpu.memory_space<vmem_shared>> -> memref<128x128xf32, #tpu.memory_space<vmem_shared>>
      tpu.enqueue_dma source(%arg9 : memref<128x128xf32, #tpu.memory_space<vmem>>) target(%dma_start3A_33 : memref<128x128xf32, #tpu.memory_space<vmem_shared>>) target_semaphore(%run_scoped3A : memref<!tpu.dma_semaphore, #tpu.memory_space<semaphore_mem>>)
      %dma_wait3A = arith.constant 0 : i32
      %dma_wait3A_34 = tpu.memref_slice %arg10[%add3A_18, %dma_wait3A] : memref<10240x128xf32, #tpu.memory_space<vmem_shared>> -> memref<128x128xf32, #tpu.memory_space<vmem_shared>>
      %dma_wait3A_35 = arith.constant 0 : i32
      %dma_wait3A_36 = tpu.memref_slice %arg10[%add3A_18, %dma_wait3A_35] : memref<10240x128xf32, #tpu.memory_space<vmem_shared>> -> memref<128x128xf32, #tpu.memory_space<vmem_shared>>
      tpu.wait_dma2 semaphore(%run_scoped3A : memref<!tpu.dma_semaphore, #tpu.memory_space<semaphore_mem>>) src(%arg9 : memref<128x128xf32, #tpu.memory_space<vmem>>) dst(%dma_wait3A_36 : memref<128x128xf32, #tpu.memory_space<vmem_shared>>)
      tpu.yield
    }) : () -> ()
    %barrier3A = arith.constant 0 : index
    tpu.barrier barrier_id(%barrier3A)
    %mul3A_19 = arith.constant 10000 : i32
    %mul3A_20 = arith.muli %add3A, %mul3A_19 : i32
    %scan3A_21 = arith.constant 0 : i32
    %scan3A_22 = arith.constant 0 : i32
    %scan3A_23 = arith.constant 125 : i32
    %scan3A_24 = arith.addi %scan3A_22, %scan3A_23 : i32
    %scan3A_25 = arith.constant 1 : i32
    scf.for %scan3A_31 = %scan3A_22 to %scan3A_24 step %scan3A_25  : i32 {
      %mul3A_32 = arith.constant 80 : i32
      %mul3A_33 = arith.muli %scan3A_31, %mul3A_32 : i32
      %add3A_34 = arith.addi %mul3A_20, %mul3A_33 : i32
      "tpu.region"() ({
        %run_scoped3A = tpu.sem_alloc : memref<!tpu.dma_semaphore, #tpu.memory_space<semaphore_mem>>
        %dma_start3A_39 = tpu.memref_slice %arg3[%add3A_34] : memref<320000xi32, #tpu.memory_space<hbm>> -> memref<80xi32, #tpu.memory_space<hbm>>
        %dma_start3A_40 = tpu.memref_slice %arg3[%add3A_34] : memref<320000xi32, #tpu.memory_space<hbm>> -> memref<80xi32, #tpu.memory_space<hbm>>
        tpu.enqueue_dma source(%dma_start3A_40 : memref<80xi32, #tpu.memory_space<hbm>>) target(%arg6 : memref<80xi32, #tpu.memory_space<vmem>>) target_semaphore(%run_scoped3A : memref<!tpu.dma_semaphore, #tpu.memory_space<semaphore_mem>>)
        %dma_wait3A_41 = tpu.memref_slice %arg3[%add3A_34] : memref<320000xi32, #tpu.memory_space<hbm>> -> memref<80xi32, #tpu.memory_space<hbm>>
        %dma_wait3A_42 = tpu.memref_slice %arg3[%add3A_34] : memref<320000xi32, #tpu.memory_space<hbm>> -> memref<80xi32, #tpu.memory_space<hbm>>
        tpu.wait_dma2 semaphore(%run_scoped3A : memref<!tpu.dma_semaphore, #tpu.memory_space<semaphore_mem>>) src(%dma_wait3A_42 : memref<80xi32, #tpu.memory_space<hbm>>) dst(%arg6 : memref<80xi32, #tpu.memory_space<vmem>>)
        tpu.yield
      }) : () -> ()
      "tpu.region"() ({
        %run_scoped3A = tpu.sem_alloc : memref<!tpu.dma_semaphore, #tpu.memory_space<semaphore_mem>>
        %dma_start3A_39 = tpu.memref_slice %arg4[%add3A_34] : memref<320000xi32, #tpu.memory_space<hbm>> -> memref<80xi32, #tpu.memory_space<hbm>>
        %dma_start3A_40 = tpu.memref_slice %arg4[%add3A_34] : memref<320000xi32, #tpu.memory_space<hbm>> -> memref<80xi32, #tpu.memory_space<hbm>>
        tpu.enqueue_dma source(%dma_start3A_40 : memref<80xi32, #tpu.memory_space<hbm>>) target(%arg7 : memref<80xi32, #tpu.memory_space<vmem>>) target_semaphore(%run_scoped3A : memref<!tpu.dma_semaphore, #tpu.memory_space<semaphore_mem>>)
        %dma_wait3A_41 = tpu.memref_slice %arg4[%add3A_34] : memref<320000xi32, #tpu.memory_space<hbm>> -> memref<80xi32, #tpu.memory_space<hbm>>
        %dma_wait3A_42 = tpu.memref_slice %arg4[%add3A_34] : memref<320000xi32, #tpu.memory_space<hbm>> -> memref<80xi32, #tpu.memory_space<hbm>>
        tpu.wait_dma2 semaphore(%run_scoped3A : memref<!tpu.dma_semaphore, #tpu.memory_space<semaphore_mem>>) src(%dma_wait3A_42 : memref<80xi32, #tpu.memory_space<hbm>>) dst(%arg7 : memref<80xi32, #tpu.memory_space<vmem>>)
        tpu.yield
      }) : () -> ()
      %dma_start3A = arith.constant 0 : i32
      %dma_start3A_35 = arith.constant 0 : i32
      %dma_start3A_36 = tpu.memref_slice %arg2[%dma_start3A, %dma_start3A_35] : memref<10000x128xf32, #tpu.memory_space<hbm>> -> memref<10000x128xf32, #tpu.memory_space<hbm>>
      tpu.enqueue_indirect_dma source(%dma_start3A_36 : memref<10000x128xf32, #tpu.memory_space<hbm>>) target(%arg8 : memref<80x128xf32, #tpu.memory_space<vmem>>) offsets(%arg6 : memref<80xi32, #tpu.memory_space<vmem>>) semaphore(%arg11 : memref<!tpu.dma_semaphore, #tpu.memory_space<semaphore_mem>>)
      %dma_wait3A = arith.constant 0 : i32
      %dma_wait3A_37 = arith.constant 0 : i32
      %dma_wait3A_38 = tpu.memref_slice %arg2[%dma_wait3A, %dma_wait3A_37] : memref<10000x128xf32, #tpu.memory_space<hbm>> -> memref<10000x128xf32, #tpu.memory_space<hbm>>
      tpu.wait_indirect_dma semaphore(%arg11 : memref<!tpu.dma_semaphore, #tpu.memory_space<semaphore_mem>>) src(%dma_wait3A_38 : memref<10000x128xf32, #tpu.memory_space<hbm>>) dst(%arg8 : memref<80x128xf32, #tpu.memory_space<vmem>>)
      "tpu.region"() ({
        %run_scoped3A = tpu.sem_alloc : memref<!tpu.dma_semaphore, #tpu.memory_space<semaphore_mem>>
        %dma_start3A_39 = arith.constant 0 : i32
        %dma_start3A_40 = arith.constant 0 : i32
        %dma_start3A_41 = tpu.memref_slice %arg10[%dma_start3A_39, %dma_start3A_40] : memref<10240x128xf32, #tpu.memory_space<vmem_shared>> -> memref<10240x128xf32, #tpu.memory_space<vmem_shared>>
        tpu.enqueue_indirect_dma source(%arg8 : memref<80x128xf32, #tpu.memory_space<vmem>>) target(%dma_start3A_41 : memref<10240x128xf32, #tpu.memory_space<vmem_shared>>) offsets(%arg7 : memref<80xi32, #tpu.memory_space<vmem>>) semaphore(%run_scoped3A : memref<!tpu.dma_semaphore, #tpu.memory_space<semaphore_mem>>) {add = true}
        %dma_wait3A_42 = arith.constant 0 : i32
        %dma_wait3A_43 = arith.constant 0 : i32
        %dma_wait3A_44 = tpu.memref_slice %arg10[%dma_wait3A_42, %dma_wait3A_43] : memref<10240x128xf32, #tpu.memory_space<vmem_shared>> -> memref<10240x128xf32, #tpu.memory_space<vmem_shared>>
        tpu.wait_indirect_dma semaphore(%run_scoped3A : memref<!tpu.dma_semaphore, #tpu.memory_space<semaphore_mem>>) src(%arg8 : memref<80x128xf32, #tpu.memory_space<vmem>>) dst(%dma_wait3A_44 : memref<10240x128xf32, #tpu.memory_space<vmem_shared>>)
        tpu.yield
      }) : () -> ()
    }
    %scan3A_26 = arith.constant 125 : i32
    %barrier3A_27 = arith.constant 0 : index
    tpu.barrier barrier_id(%barrier3A_27)
    %mul3A_28 = arith.constant 10240 : i32
    %mul3A_29 = arith.muli %arg0, %mul3A_28 : i32
    %add3A_30 = arith.addi %mul3A_29, %mul3A_8 : i32
    "tpu.region"() ({
      %run_scoped3A = tpu.sem_alloc : memref<!tpu.dma_semaphore, #tpu.memory_space<semaphore_mem>>
      %dma_start3A = arith.constant 0 : i32
      %dma_start3A_31 = tpu.memref_slice %arg5[%add3A_30, %dma_start3A] : memref<20480x128xf32, #tpu.memory_space<hbm>> -> memref<640x128xf32, #tpu.memory_space<hbm>>
      %dma_start3A_32 = arith.constant 0 : i32
      %dma_start3A_33 = tpu.memref_slice %arg10[%mul3A_8, %dma_start3A_32] : memref<10240x128xf32, #tpu.memory_space<vmem_shared>> -> memref<640x128xf32, #tpu.memory_space<vmem_shared>>
      tpu.enqueue_dma source(%dma_start3A_33 : memref<640x128xf32, #tpu.memory_space<vmem_shared>>) target(%dma_start3A_31 : memref<640x128xf32, #tpu.memory_space<hbm>>) target_semaphore(%run_scoped3A : memref<!tpu.dma_semaphore, #tpu.memory_space<semaphore_mem>>)
      %dma_wait3A = arith.constant 0 : i32
      %dma_wait3A_34 = tpu.memref_slice %arg5[%add3A_30, %dma_wait3A] : memref<20480x128xf32, #tpu.memory_space<hbm>> -> memref<640x128xf32, #tpu.memory_space<hbm>>
      %dma_wait3A_35 = arith.constant 0 : i32
      %dma_wait3A_36 = tpu.memref_slice %arg10[%mul3A_8, %dma_wait3A_35] : memref<10240x128xf32, #tpu.memory_space<vmem_shared>> -> memref<640x128xf32, #tpu.memory_space<vmem_shared>>
      tpu.wait_dma2 semaphore(%run_scoped3A : memref<!tpu.dma_semaphore, #tpu.memory_space<semaphore_mem>>) src(%dma_wait3A_36 : memref<640x128xf32, #tpu.memory_space<vmem_shared>>) dst(%dma_wait3A_34 : memref<640x128xf32, #tpu.memory_space<hbm>>)
      tpu.yield
    }) : () -> ()
    return
  }
}

#map = affine_map<(d0, d1) -> (0, 0)>
#map1 = affine_map<(d0, d1) -> (0)>
module attributes {stable_mosaic.version = 14 : i64} {
  func.func @prop(%arg0: i32, %arg1: i32, %arg2: memref<10000x128xf32, #tpu.memory_space<hbm>>, %arg3: memref<320000xi32, #tpu.memory_space<hbm>>, %arg4: memref<320000xi32, #tpu.memory_space<hbm>>, %arg5: memref<20480x128xf32, #tpu.memory_space<hbm>>, %arg6: memref<80xi32, #tpu.memory_space<vmem>>, %arg7: memref<80xi32, #tpu.memory_space<vmem>>, %arg8: memref<80x128xf32, #tpu.memory_space<vmem>>, %arg9: memref<128x128xf32, #tpu.memory_space<vmem>>, %arg10: memref<10240x128xf32, #tpu.memory_space<vmem_shared>>, %arg11: memref<!tpu.dma_semaphore, #tpu.memory_space<semaphore_mem>>) attributes {dimension_semantics = [#tpu.dimension_semantics<core_parallel>, #tpu.dimension_semantics<subcore_parallel>], iteration_bounds = array<i64: 2, 16>, scalar_prefetch = 0 : i64, scratch_operands = 6 : i64, tpu.core_type = #tpu.core_type<sc_vector_subcore>, window_params = [{transform_indices = #map}, {transform_indices = #map1}, {transform_indices = #map1}, {transform_indices = #map}]} {
    %mul3A = arith.constant 16 : i32
    %mul3A_0 = arith.muli %arg0, %mul3A : i32
    %add3A = arith.addi %mul3A_0, %arg1 : i32
    %broadcast_in_dim3A = arith.constant 0.000000e+00 : f32
    %broadcast_in_dim3A_1 = vector.broadcast %broadcast_in_dim3A : f32 to vector<16xf32>
    %scan3A = arith.constant 0 : i32
    %scan3A_2 = arith.constant 0 : i32
    %scan3A_3 = arith.constant 1024 : i32
    %scan3A_4 = arith.addi %scan3A_2, %scan3A_3 : i32
    %scan3A_5 = arith.constant 1 : i32
    scf.for %scan3A_31 = %scan3A_2 to %scan3A_4 step %scan3A_5  : i32 {
      %jit3A = arith.constant 8 : i32
      %div3A = arith.divsi %scan3A_31, %jit3A : i32
      %sign3A = arith.constant 0 : i32
      %sign3A_32 = arith.cmpi sgt, %scan3A_31, %sign3A : i32
      %sign3A_33 = arith.extui %sign3A_32 : i1 to i32
      %sign3A_34 = arith.constant 0 : i32
      %sign3A_35 = arith.cmpi slt, %scan3A_31, %sign3A_34 : i32
      %sign3A_36 = arith.extui %sign3A_35 : i1 to i32
      %sign3A_37 = arith.subi %sign3A_33, %sign3A_36 : i32
      %sign3A_38 = arith.constant 0 : i32
      %sign3A_39 = arith.cmpi sgt, %jit3A, %sign3A_38 : i32
      %sign3A_40 = arith.extui %sign3A_39 : i1 to i32
      %sign3A_41 = arith.constant 0 : i32
      %sign3A_42 = arith.cmpi slt, %jit3A, %sign3A_41 : i32
      %sign3A_43 = arith.extui %sign3A_42 : i1 to i32
      %sign3A_44 = arith.subi %sign3A_40, %sign3A_43 : i32
      %ne3A = arith.cmpi ne, %sign3A_37, %sign3A_44 : i32
      %rem3A = arith.remsi %scan3A_31, %jit3A : i32
      %ne3A_45 = arith.constant 0 : i32
      %ne3A_46 = arith.cmpi ne, %rem3A, %ne3A_45 : i32
      %and3A = arith.andi %ne3A, %ne3A_46 : i1
      %sub3A = arith.constant 1 : i32
      %sub3A_47 = arith.subi %div3A, %sub3A : i32
      %select_n3A = arith.select %and3A, %sub3A_47, %div3A : i32
      %jit3A_48 = arith.constant 8 : i32
      %eq3A = arith.constant 0 : i32
      %eq3A_49 = arith.cmpi eq, %jit3A_48, %eq3A : i32
      %jit3A_50 = arith.constant 1 : i32
      %select_n3A_51 = arith.select %eq3A_49, %jit3A_50, %jit3A_48 : i32
      %rem3A_52 = arith.remsi %scan3A_31, %select_n3A_51 : i32
      %ne3A_53 = arith.constant 0 : i32
      %ne3A_54 = arith.cmpi ne, %rem3A_52, %ne3A_53 : i32
      %lt3A = arith.constant 0 : i32
      %lt3A_55 = arith.cmpi slt, %rem3A_52, %lt3A : i32
      %lt3A_56 = arith.constant 0 : i32
      %lt3A_57 = arith.cmpi slt, %select_n3A_51, %lt3A_56 : i32
      %ne3A_58 = arith.xori %lt3A_55, %lt3A_57 : i1
      %and3A_59 = arith.andi %ne3A_58, %ne3A_54 : i1
      %add3A_60 = arith.addi %rem3A_52, %select_n3A_51 : i32
      %select_n3A_61 = arith.select %and3A_59, %add3A_60, %rem3A_52 : i32
      %mul3A_62 = arith.constant 16 : i32
      %mul3A_63 = arith.muli %select_n3A_61, %mul3A_62 : i32
      %swap3A = arith.index_cast %select_n3A : i32 to index
      %swap3A_64 = arith.index_cast %mul3A_63 : i32 to index
      %swap3A_65 = tpu.vector_load %arg9[%swap3A, %swap3A_64] {strides = array<i32>} : memref<128x128xf32, #tpu.memory_space<vmem>>, vector<1x16xf32>,
      %swap3A_66 = vector.shape_cast %swap3A_65 : vector<1x16xf32> to vector<16xf32>
      %swap3A_67 = vector.shape_cast %broadcast_in_dim3A_1 : vector<16xf32> to vector<1x16xf32>
      tpu.vector_store %arg9[%swap3A, %swap3A_64], %swap3A_67 {strides = array<i32>} : memref<128x128xf32, #tpu.memory_space<vmem>>, vector<1x16xf32>,
    }
    %scan3A_6 = arith.constant 1024 : i32
    %mul3A_7 = arith.constant 640 : i32
    %mul3A_8 = arith.muli %arg1, %mul3A_7 : i32
    %add3A_9 = arith.constant 0 : i32
    %add3A_10 = arith.addi %mul3A_8, %add3A_9 : i32
    "tpu.region"() ({
      %run_scoped3A = tpu.sem_alloc : memref<!tpu.dma_semaphore, #tpu.memory_space<semaphore_mem>>
      %dma_start3A = arith.constant 0 : i32
      %dma_start3A_31 = tpu.memref_slice %arg10[%add3A_10, %dma_start3A] : memref<10240x128xf32, #tpu.memory_space<vmem_shared>> -> memref<128x128xf32, #tpu.memory_space<vmem_shared>>
      %dma_start3A_32 = arith.constant 0 : i32
      %dma_start3A_33 = tpu.memref_slice %arg10[%add3A_10, %dma_start3A_32] : memref<10240x128xf32, #tpu.memory_space<vmem_shared>> -> memref<128x128xf32, #tpu.memory_space<vmem_shared>>
      tpu.enqueue_dma source(%arg9 : memref<128x128xf32, #tpu.memory_space<vmem>>) target(%dma_start3A_33 : memref<128x128xf32, #tpu.memory_space<vmem_shared>>) target_semaphore(%run_scoped3A : memref<!tpu.dma_semaphore, #tpu.memory_space<semaphore_mem>>)
      %dma_wait3A = arith.constant 0 : i32
      %dma_wait3A_34 = tpu.memref_slice %arg10[%add3A_10, %dma_wait3A] : memref<10240x128xf32, #tpu.memory_space<vmem_shared>> -> memref<128x128xf32, #tpu.memory_space<vmem_shared>>
      %dma_wait3A_35 = arith.constant 0 : i32
      %dma_wait3A_36 = tpu.memref_slice %arg10[%add3A_10, %dma_wait3A_35] : memref<10240x128xf32, #tpu.memory_space<vmem_shared>> -> memref<128x128xf32, #tpu.memory_space<vmem_shared>>
      tpu.wait_dma2 semaphore(%run_scoped3A : memref<!tpu.dma_semaphore, #tpu.memory_space<semaphore_mem>>) src(%arg9 : memref<128x128xf32, #tpu.memory_space<vmem>>) dst(%dma_wait3A_36 : memref<128x128xf32, #tpu.memory_space<vmem_shared>>)
      tpu.yield
    }) : () -> ()
    %add3A_11 = arith.constant 128 : i32
    %add3A_12 = arith.addi %mul3A_8, %add3A_11 : i32
    "tpu.region"() ({
      %run_scoped3A = tpu.sem_alloc : memref<!tpu.dma_semaphore, #tpu.memory_space<semaphore_mem>>
      %dma_start3A = arith.constant 0 : i32
      %dma_start3A_31 = tpu.memref_slice %arg10[%add3A_12, %dma_start3A] : memref<10240x128xf32, #tpu.memory_space<vmem_shared>> -> memref<128x128xf32, #tpu.memory_space<vmem_shared>>
      %dma_start3A_32 = arith.constant 0 : i32
      %dma_start3A_33 = tpu.memref_slice %arg10[%add3A_12, %dma_start3A_32] : memref<10240x128xf32, #tpu.memory_space<vmem_shared>> -> memref<128x128xf32, #tpu.memory_space<vmem_shared>>
      tpu.enqueue_dma source(%arg9 : memref<128x128xf32, #tpu.memory_space<vmem>>) target(%dma_start3A_33 : memref<128x128xf32, #tpu.memory_space<vmem_shared>>) target_semaphore(%run_scoped3A : memref<!tpu.dma_semaphore, #tpu.memory_space<semaphore_mem>>)
      %dma_wait3A = arith.constant 0 : i32
      %dma_wait3A_34 = tpu.memref_slice %arg10[%add3A_12, %dma_wait3A] : memref<10240x128xf32, #tpu.memory_space<vmem_shared>> -> memref<128x128xf32, #tpu.memory_space<vmem_shared>>
      %dma_wait3A_35 = arith.constant 0 : i32
      %dma_wait3A_36 = tpu.memref_slice %arg10[%add3A_12, %dma_wait3A_35] : memref<10240x128xf32, #tpu.memory_space<vmem_shared>> -> memref<128x128xf32, #tpu.memory_space<vmem_shared>>
      tpu.wait_dma2 semaphore(%run_scoped3A : memref<!tpu.dma_semaphore, #tpu.memory_space<semaphore_mem>>) src(%arg9 : memref<128x128xf32, #tpu.memory_space<vmem>>) dst(%dma_wait3A_36 : memref<128x128xf32, #tpu.memory_space<vmem_shared>>)
      tpu.yield
    }) : () -> ()
    %add3A_13 = arith.constant 256 : i32
    %add3A_14 = arith.addi %mul3A_8, %add3A_13 : i32
    "tpu.region"() ({
      %run_scoped3A = tpu.sem_alloc : memref<!tpu.dma_semaphore, #tpu.memory_space<semaphore_mem>>
      %dma_start3A = arith.constant 0 : i32
      %dma_start3A_31 = tpu.memref_slice %arg10[%add3A_14, %dma_start3A] : memref<10240x128xf32, #tpu.memory_space<vmem_shared>> -> memref<128x128xf32, #tpu.memory_space<vmem_shared>>
      %dma_start3A_32 = arith.constant 0 : i32
      %dma_start3A_33 = tpu.memref_slice %arg10[%add3A_14, %dma_start3A_32] : memref<10240x128xf32, #tpu.memory_space<vmem_shared>> -> memref<128x128xf32, #tpu.memory_space<vmem_shared>>
      tpu.enqueue_dma source(%arg9 : memref<128x128xf32, #tpu.memory_space<vmem>>) target(%dma_start3A_33 : memref<128x128xf32, #tpu.memory_space<vmem_shared>>) target_semaphore(%run_scoped3A : memref<!tpu.dma_semaphore, #tpu.memory_space<semaphore_mem>>)
      %dma_wait3A = arith.constant 0 : i32
      %dma_wait3A_34 = tpu.memref_slice %arg10[%add3A_14, %dma_wait3A] : memref<10240x128xf32, #tpu.memory_space<vmem_shared>> -> memref<128x128xf32, #tpu.memory_space<vmem_shared>>
      %dma_wait3A_35 = arith.constant 0 : i32
      %dma_wait3A_36 = tpu.memref_slice %arg10[%add3A_14, %dma_wait3A_35] : memref<10240x128xf32, #tpu.memory_space<vmem_shared>> -> memref<128x128xf32, #tpu.memory_space<vmem_shared>>
      tpu.wait_dma2 semaphore(%run_scoped3A : memref<!tpu.dma_semaphore, #tpu.memory_space<semaphore_mem>>) src(%arg9 : memref<128x128xf32, #tpu.memory_space<vmem>>) dst(%dma_wait3A_36 : memref<128x128xf32, #tpu.memory_space<vmem_shared>>)
      tpu.yield
    }) : () -> ()
    %add3A_15 = arith.constant 384 : i32
    %add3A_16 = arith.addi %mul3A_8, %add3A_15 : i32
    "tpu.region"() ({
      %run_scoped3A = tpu.sem_alloc : memref<!tpu.dma_semaphore, #tpu.memory_space<semaphore_mem>>
      %dma_start3A = arith.constant 0 : i32
      %dma_start3A_31 = tpu.memref_slice %arg10[%add3A_16, %dma_start3A] : memref<10240x128xf32, #tpu.memory_space<vmem_shared>> -> memref<128x128xf32, #tpu.memory_space<vmem_shared>>
      %dma_start3A_32 = arith.constant 0 : i32
      %dma_start3A_33 = tpu.memref_slice %arg10[%add3A_16, %dma_start3A_32] : memref<10240x128xf32, #tpu.memory_space<vmem_shared>> -> memref<128x128xf32, #tpu.memory_space<vmem_shared>>
      tpu.enqueue_dma source(%arg9 : memref<128x128xf32, #tpu.memory_space<vmem>>) target(%dma_start3A_33 : memref<128x128xf32, #tpu.memory_space<vmem_shared>>) target_semaphore(%run_scoped3A : memref<!tpu.dma_semaphore, #tpu.memory_space<semaphore_mem>>)
      %dma_wait3A = arith.constant 0 : i32
      %dma_wait3A_34 = tpu.memref_slice %arg10[%add3A_16, %dma_wait3A] : memref<10240x128xf32, #tpu.memory_space<vmem_shared>> -> memref<128x128xf32, #tpu.memory_space<vmem_shared>>
      %dma_wait3A_35 = arith.constant 0 : i32
      %dma_wait3A_36 = tpu.memref_slice %arg10[%add3A_16, %dma_wait3A_35] : memref<10240x128xf32, #tpu.memory_space<vmem_shared>> -> memref<128x128xf32, #tpu.memory_space<vmem_shared>>
      tpu.wait_dma2 semaphore(%run_scoped3A : memref<!tpu.dma_semaphore, #tpu.memory_space<semaphore_mem>>) src(%arg9 : memref<128x128xf32, #tpu.memory_space<vmem>>) dst(%dma_wait3A_36 : memref<128x128xf32, #tpu.memory_space<vmem_shared>>)
      tpu.yield
    }) : () -> ()
    %add3A_17 = arith.constant 512 : i32
    %add3A_18 = arith.addi %mul3A_8, %add3A_17 : i32
    "tpu.region"() ({
      %run_scoped3A = tpu.sem_alloc : memref<!tpu.dma_semaphore, #tpu.memory_space<semaphore_mem>>
      %dma_start3A = arith.constant 0 : i32
      %dma_start3A_31 = tpu.memref_slice %arg10[%add3A_18, %dma_start3A] : memref<10240x128xf32, #tpu.memory_space<vmem_shared>> -> memref<128x128xf32, #tpu.memory_space<vmem_shared>>
      %dma_start3A_32 = arith.constant 0 : i32
      %dma_start3A_33 = tpu.memref_slice %arg10[%add3A_18, %dma_start3A_32] : memref<10240x128xf32, #tpu.memory_space<vmem_shared>> -> memref<128x128xf32, #tpu.memory_space<vmem_shared>>
      tpu.enqueue_dma source(%arg9 : memref<128x128xf32, #tpu.memory_space<vmem>>) target(%dma_start3A_33 : memref<128x128xf32, #tpu.memory_space<vmem_shared>>) target_semaphore(%run_scoped3A : memref<!tpu.dma_semaphore, #tpu.memory_space<semaphore_mem>>)
      %dma_wait3A = arith.constant 0 : i32
      %dma_wait3A_34 = tpu.memref_slice %arg10[%add3A_18, %dma_wait3A] : memref<10240x128xf32, #tpu.memory_space<vmem_shared>> -> memref<128x128xf32, #tpu.memory_space<vmem_shared>>
      %dma_wait3A_35 = arith.constant 0 : i32
      %dma_wait3A_36 = tpu.memref_slice %arg10[%add3A_18, %dma_wait3A_35] : memref<10240x128xf32, #tpu.memory_space<vmem_shared>> -> memref<128x128xf32, #tpu.memory_space<vmem_shared>>
      tpu.wait_dma2 semaphore(%run_scoped3A : memref<!tpu.dma_semaphore, #tpu.memory_space<semaphore_mem>>) src(%arg9 : memref<128x128xf32, #tpu.memory_space<vmem>>) dst(%dma_wait3A_36 : memref<128x128xf32, #tpu.memory_space<vmem_shared>>)
      tpu.yield
    }) : () -> ()
    %barrier3A = arith.constant 0 : index
    tpu.barrier barrier_id(%barrier3A)
    %mul3A_19 = arith.constant 10000 : i32
    %mul3A_20 = arith.muli %add3A, %mul3A_19 : i32
    %scan3A_21 = arith.constant 0 : i32
    %scan3A_22 = arith.constant 0 : i32
    %scan3A_23 = arith.constant 125 : i32
    %scan3A_24 = arith.addi %scan3A_22, %scan3A_23 : i32
    %scan3A_25 = arith.constant 1 : i32
    scf.for %scan3A_31 = %scan3A_22 to %scan3A_24 step %scan3A_25  : i32 {
      %mul3A_32 = arith.constant 80 : i32
      %mul3A_33 = arith.muli %scan3A_31, %mul3A_32 : i32
      %add3A_34 = arith.addi %mul3A_20, %mul3A_33 : i32
      "tpu.region"() ({
        %run_scoped3A = tpu.sem_alloc : memref<!tpu.dma_semaphore, #tpu.memory_space<semaphore_mem>>
        %dma_start3A_39 = tpu.memref_slice %arg3[%add3A_34] : memref<320000xi32, #tpu.memory_space<hbm>> -> memref<80xi32, #tpu.memory_space<hbm>>
        %dma_start3A_40 = tpu.memref_slice %arg3[%add3A_34] : memref<320000xi32, #tpu.memory_space<hbm>> -> memref<80xi32, #tpu.memory_space<hbm>>
        tpu.enqueue_dma source(%dma_start3A_40 : memref<80xi32, #tpu.memory_space<hbm>>) target(%arg6 : memref<80xi32, #tpu.memory_space<vmem>>) target_semaphore(%run_scoped3A : memref<!tpu.dma_semaphore, #tpu.memory_space<semaphore_mem>>)
        %dma_wait3A_41 = tpu.memref_slice %arg3[%add3A_34] : memref<320000xi32, #tpu.memory_space<hbm>> -> memref<80xi32, #tpu.memory_space<hbm>>
        %dma_wait3A_42 = tpu.memref_slice %arg3[%add3A_34] : memref<320000xi32, #tpu.memory_space<hbm>> -> memref<80xi32, #tpu.memory_space<hbm>>
        tpu.wait_dma2 semaphore(%run_scoped3A : memref<!tpu.dma_semaphore, #tpu.memory_space<semaphore_mem>>) src(%dma_wait3A_42 : memref<80xi32, #tpu.memory_space<hbm>>) dst(%arg6 : memref<80xi32, #tpu.memory_space<vmem>>)
        tpu.yield
      }) : () -> ()
      "tpu.region"() ({
        %run_scoped3A = tpu.sem_alloc : memref<!tpu.dma_semaphore, #tpu.memory_space<semaphore_mem>>
        %dma_start3A_39 = tpu.memref_slice %arg4[%add3A_34] : memref<320000xi32, #tpu.memory_space<hbm>> -> memref<80xi32, #tpu.memory_space<hbm>>
        %dma_start3A_40 = tpu.memref_slice %arg4[%add3A_34] : memref<320000xi32, #tpu.memory_space<hbm>> -> memref<80xi32, #tpu.memory_space<hbm>>
        tpu.enqueue_dma source(%dma_start3A_40 : memref<80xi32, #tpu.memory_space<hbm>>) target(%arg7 : memref<80xi32, #tpu.memory_space<vmem>>) target_semaphore(%run_scoped3A : memref<!tpu.dma_semaphore, #tpu.memory_space<semaphore_mem>>)
        %dma_wait3A_41 = tpu.memref_slice %arg4[%add3A_34] : memref<320000xi32, #tpu.memory_space<hbm>> -> memref<80xi32, #tpu.memory_space<hbm>>
        %dma_wait3A_42 = tpu.memref_slice %arg4[%add3A_34] : memref<320000xi32, #tpu.memory_space<hbm>> -> memref<80xi32, #tpu.memory_space<hbm>>
        tpu.wait_dma2 semaphore(%run_scoped3A : memref<!tpu.dma_semaphore, #tpu.memory_space<semaphore_mem>>) src(%dma_wait3A_42 : memref<80xi32, #tpu.memory_space<hbm>>) dst(%arg7 : memref<80xi32, #tpu.memory_space<vmem>>)
        tpu.yield
      }) : () -> ()
      %dma_start3A = arith.constant 0 : i32
      %dma_start3A_35 = arith.constant 0 : i32
      %dma_start3A_36 = tpu.memref_slice %arg2[%dma_start3A, %dma_start3A_35] : memref<10000x128xf32, #tpu.memory_space<hbm>> -> memref<10000x128xf32, #tpu.memory_space<hbm>>
      tpu.enqueue_indirect_dma source(%dma_start3A_36 : memref<10000x128xf32, #tpu.memory_space<hbm>>) target(%arg8 : memref<80x128xf32, #tpu.memory_space<vmem>>) offsets(%arg6 : memref<80xi32, #tpu.memory_space<vmem>>) semaphore(%arg11 : memref<!tpu.dma_semaphore, #tpu.memory_space<semaphore_mem>>)
      %dma_wait3A = arith.constant 0 : i32
      %dma_wait3A_37 = arith.constant 0 : i32
      %dma_wait3A_38 = tpu.memref_slice %arg2[%dma_wait3A, %dma_wait3A_37] : memref<10000x128xf32, #tpu.memory_space<hbm>> -> memref<10000x128xf32, #tpu.memory_space<hbm>>
      tpu.wait_indirect_dma semaphore(%arg11 : memref<!tpu.dma_semaphore, #tpu.memory_space<semaphore_mem>>) src(%dma_wait3A_38 : memref<10000x128xf32, #tpu.memory_space<hbm>>) dst(%arg8 : memref<80x128xf32, #tpu.memory_space<vmem>>)
      "tpu.region"() ({
        %run_scoped3A = tpu.sem_alloc : memref<!tpu.dma_semaphore, #tpu.memory_space<semaphore_mem>>
        %dma_start3A_39 = arith.constant 0 : i32
        %dma_start3A_40 = arith.constant 0 : i32
        %dma_start3A_41 = tpu.memref_slice %arg10[%dma_start3A_39, %dma_start3A_40] : memref<10240x128xf32, #tpu.memory_space<vmem_shared>> -> memref<10240x128xf32, #tpu.memory_space<vmem_shared>>
        tpu.enqueue_indirect_dma source(%arg8 : memref<80x128xf32, #tpu.memory_space<vmem>>) target(%dma_start3A_41 : memref<10240x128xf32, #tpu.memory_space<vmem_shared>>) offsets(%arg7 : memref<80xi32, #tpu.memory_space<vmem>>) semaphore(%run_scoped3A : memref<!tpu.dma_semaphore, #tpu.memory_space<semaphore_mem>>) {add = true}
        %dma_wait3A_42 = arith.constant 0 : i32
        %dma_wait3A_43 = arith.constant 0 : i32
        %dma_wait3A_44 = tpu.memref_slice %arg10[%dma_wait3A_42, %dma_wait3A_43] : memref<10240x128xf32, #tpu.memory_space<vmem_shared>> -> memref<10240x128xf32, #tpu.memory_space<vmem_shared>>
        tpu.wait_indirect_dma semaphore(%run_scoped3A : memref<!tpu.dma_semaphore, #tpu.memory_space<semaphore_mem>>) src(%arg8 : memref<80x128xf32, #tpu.memory_space<vmem>>) dst(%dma_wait3A_44 : memref<10240x128xf32, #tpu.memory_space<vmem_shared>>)
        tpu.yield
      }) : () -> ()
    }
    %scan3A_26 = arith.constant 125 : i32
    %barrier3A_27 = arith.constant 0 : index
    tpu.barrier barrier_id(%barrier3A_27)
    %mul3A_28 = arith.constant 10240 : i32
    %mul3A_29 = arith.muli %arg0, %mul3A_28 : i32
    %add3A_30 = arith.addi %mul3A_29, %mul3A_8 : i32
    "tpu.region"() ({
      %run_scoped3A = tpu.sem_alloc : memref<!tpu.dma_semaphore, #tpu.memory_space<semaphore_mem>>
      %dma_start3A = arith.constant 0 : i32
      %dma_start3A_31 = tpu.memref_slice %arg5[%add3A_30, %dma_start3A] : memref<20480x128xf32, #tpu.memory_space<hbm>> -> memref<640x128xf32, #tpu.memory_space<hbm>>
      %dma_start3A_32 = arith.constant 0 : i32
      %dma_start3A_33 = tpu.memref_slice %arg10[%mul3A_8, %dma_start3A_32] : memref<10240x128xf32, #tpu.memory_space<vmem_shared>> -> memref<640x128xf32, #tpu.memory_space<vmem_shared>>
      tpu.enqueue_dma source(%dma_start3A_33 : memref<640x128xf32, #tpu.memory_space<vmem_shared>>) target(%dma_start3A_31 : memref<640x128xf32, #tpu.memory_space<hbm>>) target_semaphore(%run_scoped3A : memref<!tpu.dma_semaphore, #tpu.memory_space<semaphore_mem>>)
      %dma_wait3A = arith.constant 0 : i32
      %dma_wait3A_34 = tpu.memref_slice %arg5[%add3A_30, %dma_wait3A] : memref<20480x128xf32, #tpu.memory_space<hbm>> -> memref<640x128xf32, #tpu.memory_space<hbm>>
      %dma_wait3A_35 = arith.constant 0 : i32
      %dma_wait3A_36 = tpu.memref_slice %arg10[%mul3A_8, %dma_wait3A_35] : memref<10240x128xf32, #tpu.memory_space<vmem_shared>> -> memref<640x128xf32, #tpu.memory_space<vmem_shared>>
      tpu.wait_dma2 semaphore(%run_scoped3A : memref<!tpu.dma_semaphore, #tpu.memory_space<semaphore_mem>>) src(%dma_wait3A_36 : memref<640x128xf32, #tpu.memory_space<vmem_shared>>) dst(%dma_wait3A_34 : memref<640x128xf32, #tpu.memory_space<hbm>>)
      tpu.yield
    }) : () -> ()
    return
  }
}

module attributes {stable_mosaic.version = 14 : i64} {
  func.func @_tc_first(%arg0: memref<10000x144xf32, #tpu.memory_space<vmem>>, %arg1: memref<144x128xf32, #tpu.memory_space<vmem>>, %arg2: memref<20480x128xf32, #tpu.memory_space<vmem>>, %arg3: memref<10000x128xf32, #tpu.memory_space<vmem>>) attributes {dimension_semantics = [], scalar_prefetch = 0 : i64, scratch_operands = 0 : i64, tpu.core_type = #tpu.core_type<tc>} {
    %get3A = arith.constant 0 : index
    %get3A_0 = arith.constant 0 : index
    %get3A_1 = vector.load %arg2[%get3A, %get3A_0] : memref<20480x128xf32, #tpu.memory_space<vmem>>, vector<10000x1xf32>
    %get3A_2 = arith.constant 10240 : index
    %get3A_3 = arith.constant 0 : index
    %get3A_4 = vector.load %arg2[%get3A_2, %get3A_3] : memref<20480x128xf32, #tpu.memory_space<vmem>>, vector<10000x1xf32>
    %add3A = arith.constant 1.000000e+00 : f32
    %add3A_5 = vector.broadcast %add3A : f32 to vector<10000x1xf32>
    %add3A_6 = arith.addf %add3A_5, %get3A_1 : vector<10000x1xf32>
    %add3A_7 = arith.addf %add3A_6, %get3A_4 : vector<10000x1xf32>
    %rsqrt3A = math.rsqrt %add3A_7 : vector<10000x1xf32>
    %get3A_8 = arith.constant 0 : index
    %get3A_9 = arith.constant 0 : index
    %get3A_10 = vector.load %arg0[%get3A_8, %get3A_9] : memref<10000x144xf32, #tpu.memory_space<vmem>>, vector<10000x144xf32>
    %get3A_11 = arith.constant 0 : index
    %get3A_12 = arith.constant 0 : index
    %get3A_13 = vector.load %arg1[%get3A_11, %get3A_12] : memref<144x128xf32, #tpu.memory_space<vmem>>, vector<144x128xf32>
    %dot_general3A = arith.constant dense<0.000000e+00> : vector<10000x128xf32>
    %dot_general3A_14 = tpu.matmul %get3A_10, %get3A_13, %dot_general3A {dimension_numbers = #tpu.dot_dimension_numbers<[1], [0], [0], [1], [0, 0, 1, 1], [], []>, transpose_lhs_hint = false} : vector<10000x144xf32>, vector<144x128xf32>, vector<10000x128xf32> -> vector<10000x128xf32>
    %mul3A = vector.broadcast %rsqrt3A : vector<10000x1xf32> to vector<10000x128xf32>
    %mul3A_15 = arith.mulf %mul3A, %dot_general3A_14 : vector<10000x128xf32>
    %swap3A = arith.constant 0 : index
    %swap3A_16 = arith.constant 0 : index
    %swap3A_17 = vector.load %arg3[%swap3A, %swap3A_16] : memref<10000x128xf32, #tpu.memory_space<vmem>>, vector<10000x128xf32>
    tpu.vector_store %arg3[%swap3A, %swap3A_16], %mul3A_15 {strides = array<i32>} : memref<10000x128xf32, #tpu.memory_space<vmem>>, vector<10000x128xf32>,
    return
  }
}

module attributes {stable_mosaic.version = 14 : i64} {
  func.func @_tc_mid(%arg0: memref<10000x128xf32, #tpu.memory_space<vmem>>, %arg1: memref<20480x128xf32, #tpu.memory_space<vmem>>, %arg2: memref<20480x128xf32, #tpu.memory_space<vmem>>, %arg3: memref<128x128xf32, #tpu.memory_space<vmem>>, %arg4: memref<1x128xf32, #tpu.memory_space<vmem>>, %arg5: memref<10000x128xf32, #tpu.memory_space<vmem>>) attributes {dimension_semantics = [], scalar_prefetch = 0 : i64, scratch_operands = 0 : i64, tpu.core_type = #tpu.core_type<tc>} {
    %get3A = arith.constant 0 : index
    %get3A_0 = arith.constant 0 : index
    %get3A_1 = vector.load %arg2[%get3A, %get3A_0] : memref<20480x128xf32, #tpu.memory_space<vmem>>, vector<10000x1xf32>
    %get3A_2 = arith.constant 10240 : index
    %get3A_3 = arith.constant 0 : index
    %get3A_4 = vector.load %arg2[%get3A_2, %get3A_3] : memref<20480x128xf32, #tpu.memory_space<vmem>>, vector<10000x1xf32>
    %add3A = arith.constant 1.000000e+00 : f32
    %add3A_5 = vector.broadcast %add3A : f32 to vector<10000x1xf32>
    %add3A_6 = arith.addf %add3A_5, %get3A_1 : vector<10000x1xf32>
    %add3A_7 = arith.addf %add3A_6, %get3A_4 : vector<10000x1xf32>
    %rsqrt3A = math.rsqrt %add3A_7 : vector<10000x1xf32>
    %get3A_8 = arith.constant 0 : index
    %get3A_9 = arith.constant 0 : index
    %get3A_10 = vector.load %arg0[%get3A_8, %get3A_9] : memref<10000x128xf32, #tpu.memory_space<vmem>>, vector<10000x128xf32>
    %get3A_11 = arith.constant 0 : index
    %get3A_12 = arith.constant 0 : index
    %get3A_13 = vector.load %arg1[%get3A_11, %get3A_12] : memref<20480x128xf32, #tpu.memory_space<vmem>>, vector<10000x128xf32>
    %get3A_14 = arith.constant 10240 : index
    %get3A_15 = arith.constant 0 : index
    %get3A_16 = vector.load %arg1[%get3A_14, %get3A_15] : memref<20480x128xf32, #tpu.memory_space<vmem>>, vector<10000x128xf32>
    %add3A_17 = arith.addf %get3A_13, %get3A_16 : vector<10000x128xf32>
    %add3A_18 = arith.addf %get3A_10, %add3A_17 : vector<10000x128xf32>
    %mul3A = vector.broadcast %rsqrt3A : vector<10000x1xf32> to vector<10000x128xf32>
    %mul3A_19 = arith.mulf %mul3A, %add3A_18 : vector<10000x128xf32>
    %get3A_20 = arith.constant 0 : index
    %get3A_21 = arith.constant 0 : index
    %get3A_22 = vector.load %arg4[%get3A_20, %get3A_21] : memref<1x128xf32, #tpu.memory_space<vmem>>, vector<1x128xf32>
    %add3A_23 = vector.broadcast %get3A_22 : vector<1x128xf32> to vector<10000x128xf32>
    %add3A_24 = arith.addf %mul3A_19, %add3A_23 : vector<10000x128xf32>
    %tanh3A = math.tanh %add3A_24 : vector<10000x128xf32>
    %get3A_25 = arith.constant 0 : index
    %get3A_26 = arith.constant 0 : index
    %get3A_27 = vector.load %arg3[%get3A_25, %get3A_26] : memref<128x128xf32, #tpu.memory_space<vmem>>, vector<128x128xf32>
    %dot_general3A = arith.constant dense<0.000000e+00> : vector<10000x128xf32>
    %dot_general3A_28 = tpu.matmul %tanh3A, %get3A_27, %dot_general3A {dimension_numbers = #tpu.dot_dimension_numbers<[1], [0], [0], [1], [0, 0, 1, 1], [], []>, transpose_lhs_hint = false} : vector<10000x128xf32>, vector<128x128xf32>, vector<10000x128xf32> -> vector<10000x128xf32>
    %mul3A_29 = vector.broadcast %rsqrt3A : vector<10000x1xf32> to vector<10000x128xf32>
    %mul3A_30 = arith.mulf %mul3A_29, %dot_general3A_28 : vector<10000x128xf32>
    %swap3A = arith.constant 0 : index
    %swap3A_31 = arith.constant 0 : index
    %swap3A_32 = vector.load %arg5[%swap3A, %swap3A_31] : memref<10000x128xf32, #tpu.memory_space<vmem>>, vector<10000x128xf32>
    tpu.vector_store %arg5[%swap3A, %swap3A_31], %mul3A_30 {strides = array<i32>} : memref<10000x128xf32, #tpu.memory_space<vmem>>, vector<10000x128xf32>,
    return
  }
}

module attributes {stable_mosaic.version = 14 : i64} {
  func.func @_tc_lat(%arg0: memref<10000x128xf32, #tpu.memory_space<vmem>>, %arg1: memref<20480x128xf32, #tpu.memory_space<vmem>>, %arg2: memref<20480x128xf32, #tpu.memory_space<vmem>>, %arg3: memref<1x128xf32, #tpu.memory_space<vmem>>, %arg4: memref<10000x128xf32, #tpu.memory_space<vmem>>, %arg5: memref<10000x128xf32, #tpu.memory_space<vmem>>) attributes {dimension_semantics = [], scalar_prefetch = 0 : i64, scratch_operands = 0 : i64, tpu.core_type = #tpu.core_type<tc>} {
    %get3A = arith.constant 0 : index
    %get3A_0 = arith.constant 0 : index
    %get3A_1 = vector.load %arg2[%get3A, %get3A_0] : memref<20480x128xf32, #tpu.memory_space<vmem>>, vector<10000x1xf32>
    %get3A_2 = arith.constant 10240 : index
    %get3A_3 = arith.constant 0 : index
    %get3A_4 = vector.load %arg2[%get3A_2, %get3A_3] : memref<20480x128xf32, #tpu.memory_space<vmem>>, vector<10000x1xf32>
    %add3A = arith.constant 1.000000e+00 : f32
    %add3A_5 = vector.broadcast %add3A : f32 to vector<10000x1xf32>
    %add3A_6 = arith.addf %add3A_5, %get3A_1 : vector<10000x1xf32>
    %add3A_7 = arith.addf %add3A_6, %get3A_4 : vector<10000x1xf32>
    %rsqrt3A = math.rsqrt %add3A_7 : vector<10000x1xf32>
    %get3A_8 = arith.constant 0 : index
    %get3A_9 = arith.constant 0 : index
    %get3A_10 = vector.load %arg0[%get3A_8, %get3A_9] : memref<10000x128xf32, #tpu.memory_space<vmem>>, vector<10000x128xf32>
    %get3A_11 = arith.constant 0 : index
    %get3A_12 = arith.constant 0 : index
    %get3A_13 = vector.load %arg1[%get3A_11, %get3A_12] : memref<20480x128xf32, #tpu.memory_space<vmem>>, vector<10000x128xf32>
    %get3A_14 = arith.constant 10240 : index
    %get3A_15 = arith.constant 0 : index
    %get3A_16 = vector.load %arg1[%get3A_14, %get3A_15] : memref<20480x128xf32, #tpu.memory_space<vmem>>, vector<10000x128xf32>
    %add3A_17 = arith.addf %get3A_13, %get3A_16 : vector<10000x128xf32>
    %add3A_18 = arith.addf %get3A_10, %add3A_17 : vector<10000x128xf32>
    %mul3A = vector.broadcast %rsqrt3A : vector<10000x1xf32> to vector<10000x128xf32>
    %mul3A_19 = arith.mulf %mul3A, %add3A_18 : vector<10000x128xf32>
    %get3A_20 = arith.constant 0 : index
    %get3A_21 = arith.constant 0 : index
    %get3A_22 = vector.load %arg3[%get3A_20, %get3A_21] : memref<1x128xf32, #tpu.memory_space<vmem>>, vector<1x128xf32>
    %add3A_23 = vector.broadcast %get3A_22 : vector<1x128xf32> to vector<10000x128xf32>
    %add3A_24 = arith.addf %mul3A_19, %add3A_23 : vector<10000x128xf32>
    %get3A_25 = arith.constant 0 : index
    %get3A_26 = arith.constant 0 : index
    %get3A_27 = vector.load %arg4[%get3A_25, %get3A_26] : memref<10000x128xf32, #tpu.memory_space<vmem>>, vector<10000x128xf32>
    %add3A_28 = arith.addf %add3A_24, %get3A_27 : vector<10000x128xf32>
    %mul3A_29 = vector.broadcast %rsqrt3A : vector<10000x1xf32> to vector<10000x128xf32>
    %mul3A_30 = arith.mulf %mul3A_29, %add3A_28 : vector<10000x128xf32>
    %swap3A = arith.constant 0 : index
    %swap3A_31 = arith.constant 0 : index
    %swap3A_32 = vector.load %arg5[%swap3A, %swap3A_31] : memref<10000x128xf32, #tpu.memory_space<vmem>>, vector<10000x128xf32>
    tpu.vector_store %arg5[%swap3A, %swap3A_31], %mul3A_30 {strides = array<i32>} : memref<10000x128xf32, #tpu.memory_space<vmem>>, vector<10000x128xf32>,
    return
  }
}

module attributes {stable_mosaic.version = 14 : i64} {
  func.func @_tc_dec1(%arg0: memref<10000x128xf32, #tpu.memory_space<vmem>>, %arg1: memref<20480x128xf32, #tpu.memory_space<vmem>>, %arg2: memref<20480x128xf32, #tpu.memory_space<vmem>>, %arg3: memref<128x128xf32, #tpu.memory_space<vmem>>, %arg4: memref<1x128xf32, #tpu.memory_space<vmem>>, %arg5: memref<128x128xf32, #tpu.memory_space<vmem>>, %arg6: memref<10000x128xf32, #tpu.memory_space<vmem>>) attributes {dimension_semantics = [], scalar_prefetch = 0 : i64, scratch_operands = 0 : i64, tpu.core_type = #tpu.core_type<tc>} {
    %get3A = arith.constant 0 : index
    %get3A_0 = arith.constant 0 : index
    %get3A_1 = vector.load %arg2[%get3A, %get3A_0] : memref<20480x128xf32, #tpu.memory_space<vmem>>, vector<10000x1xf32>
    %get3A_2 = arith.constant 10240 : index
    %get3A_3 = arith.constant 0 : index
    %get3A_4 = vector.load %arg2[%get3A_2, %get3A_3] : memref<20480x128xf32, #tpu.memory_space<vmem>>, vector<10000x1xf32>
    %add3A = arith.constant 1.000000e+00 : f32
    %add3A_5 = vector.broadcast %add3A : f32 to vector<10000x1xf32>
    %add3A_6 = arith.addf %add3A_5, %get3A_1 : vector<10000x1xf32>
    %add3A_7 = arith.addf %add3A_6, %get3A_4 : vector<10000x1xf32>
    %rsqrt3A = math.rsqrt %add3A_7 : vector<10000x1xf32>
    %get3A_8 = arith.constant 0 : index
    %get3A_9 = arith.constant 0 : index
    %get3A_10 = vector.load %arg0[%get3A_8, %get3A_9] : memref<10000x128xf32, #tpu.memory_space<vmem>>, vector<10000x128xf32>
    %get3A_11 = arith.constant 0 : index
    %get3A_12 = arith.constant 0 : index
    %get3A_13 = vector.load %arg1[%get3A_11, %get3A_12] : memref<20480x128xf32, #tpu.memory_space<vmem>>, vector<10000x128xf32>
    %get3A_14 = arith.constant 10240 : index
    %get3A_15 = arith.constant 0 : index
    %get3A_16 = vector.load %arg1[%get3A_14, %get3A_15] : memref<20480x128xf32, #tpu.memory_space<vmem>>, vector<10000x128xf32>
    %add3A_17 = arith.addf %get3A_13, %get3A_16 : vector<10000x128xf32>
    %add3A_18 = arith.addf %get3A_10, %add3A_17 : vector<10000x128xf32>
    %mul3A = vector.broadcast %rsqrt3A : vector<10000x1xf32> to vector<10000x128xf32>
    %mul3A_19 = arith.mulf %mul3A, %add3A_18 : vector<10000x128xf32>
    %get3A_20 = arith.constant 0 : index
    %get3A_21 = arith.constant 0 : index
    %get3A_22 = vector.load %arg3[%get3A_20, %get3A_21] : memref<128x128xf32, #tpu.memory_space<vmem>>, vector<128x128xf32>
    %dot_general3A = arith.constant dense<0.000000e+00> : vector<10000x128xf32>
    %dot_general3A_23 = tpu.matmul %mul3A_19, %get3A_22, %dot_general3A {dimension_numbers = #tpu.dot_dimension_numbers<[1], [0], [0], [1], [0, 0, 1, 1], [], []>, transpose_lhs_hint = false} : vector<10000x128xf32>, vector<128x128xf32>, vector<10000x128xf32> -> vector<10000x128xf32>
    %get3A_24 = arith.constant 0 : index
    %get3A_25 = arith.constant 0 : index
    %get3A_26 = vector.load %arg4[%get3A_24, %get3A_25] : memref<1x128xf32, #tpu.memory_space<vmem>>, vector<1x128xf32>
    %add3A_27 = vector.broadcast %get3A_26 : vector<1x128xf32> to vector<10000x128xf32>
    %add3A_28 = arith.addf %dot_general3A_23, %add3A_27 : vector<10000x128xf32>
    %tanh3A = math.tanh %add3A_28 : vector<10000x128xf32>
    %get3A_29 = arith.constant 0 : index
    %get3A_30 = arith.constant 0 : index
    %get3A_31 = vector.load %arg5[%get3A_29, %get3A_30] : memref<128x128xf32, #tpu.memory_space<vmem>>, vector<128x128xf32>
    %dot_general3A_32 = arith.constant dense<0.000000e+00> : vector<10000x128xf32>
    %dot_general3A_33 = tpu.matmul %tanh3A, %get3A_31, %dot_general3A_32 {dimension_numbers = #tpu.dot_dimension_numbers<[1], [0], [0], [1], [0, 0, 1, 1], [], []>, transpose_lhs_hint = false} : vector<10000x128xf32>, vector<128x128xf32>, vector<10000x128xf32> -> vector<10000x128xf32>
    %mul3A_34 = vector.broadcast %rsqrt3A : vector<10000x1xf32> to vector<10000x128xf32>
    %mul3A_35 = arith.mulf %mul3A_34, %dot_general3A_33 : vector<10000x128xf32>
    %swap3A = arith.constant 0 : index
    %swap3A_36 = arith.constant 0 : index
    %swap3A_37 = vector.load %arg6[%swap3A, %swap3A_36] : memref<10000x128xf32, #tpu.memory_space<vmem>>, vector<10000x128xf32>
    tpu.vector_store %arg6[%swap3A, %swap3A_36], %mul3A_35 {strides = array<i32>} : memref<10000x128xf32, #tpu.memory_space<vmem>>, vector<10000x128xf32>,
    return
  }
}

module attributes {stable_mosaic.version = 14 : i64} {
  func.func @_tc_last(%arg0: memref<10000x128xf32, #tpu.memory_space<vmem>>, %arg1: memref<20480x128xf32, #tpu.memory_space<vmem>>, %arg2: memref<20480x128xf32, #tpu.memory_space<vmem>>, %arg3: memref<1x128xf32, #tpu.memory_space<vmem>>, %arg4: memref<10000x128xf32, #tpu.memory_space<vmem>>) attributes {dimension_semantics = [], scalar_prefetch = 0 : i64, scratch_operands = 0 : i64, tpu.core_type = #tpu.core_type<tc>} {
    %get3A = arith.constant 0 : index
    %get3A_0 = arith.constant 0 : index
    %get3A_1 = vector.load %arg2[%get3A, %get3A_0] : memref<20480x128xf32, #tpu.memory_space<vmem>>, vector<10000x1xf32>
    %get3A_2 = arith.constant 10240 : index
    %get3A_3 = arith.constant 0 : index
    %get3A_4 = vector.load %arg2[%get3A_2, %get3A_3] : memref<20480x128xf32, #tpu.memory_space<vmem>>, vector<10000x1xf32>
    %add3A = arith.constant 1.000000e+00 : f32
    %add3A_5 = vector.broadcast %add3A : f32 to vector<10000x1xf32>
    %add3A_6 = arith.addf %add3A_5, %get3A_1 : vector<10000x1xf32>
    %add3A_7 = arith.addf %add3A_6, %get3A_4 : vector<10000x1xf32>
    %rsqrt3A = math.rsqrt %add3A_7 : vector<10000x1xf32>
    %get3A_8 = arith.constant 0 : index
    %get3A_9 = arith.constant 0 : index
    %get3A_10 = vector.load %arg0[%get3A_8, %get3A_9] : memref<10000x128xf32, #tpu.memory_space<vmem>>, vector<10000x128xf32>
    %get3A_11 = arith.constant 0 : index
    %get3A_12 = arith.constant 0 : index
    %get3A_13 = vector.load %arg1[%get3A_11, %get3A_12] : memref<20480x128xf32, #tpu.memory_space<vmem>>, vector<10000x128xf32>
    %get3A_14 = arith.constant 10240 : index
    %get3A_15 = arith.constant 0 : index
    %get3A_16 = vector.load %arg1[%get3A_14, %get3A_15] : memref<20480x128xf32, #tpu.memory_space<vmem>>, vector<10000x128xf32>
    %add3A_17 = arith.addf %get3A_13, %get3A_16 : vector<10000x128xf32>
    %add3A_18 = arith.addf %get3A_10, %add3A_17 : vector<10000x128xf32>
    %mul3A = vector.broadcast %rsqrt3A : vector<10000x1xf32> to vector<10000x128xf32>
    %mul3A_19 = arith.mulf %mul3A, %add3A_18 : vector<10000x128xf32>
    %get3A_20 = arith.constant 0 : index
    %get3A_21 = arith.constant 0 : index
    %get3A_22 = vector.load %arg3[%get3A_20, %get3A_21] : memref<1x128xf32, #tpu.memory_space<vmem>>, vector<1x128xf32>
    %add3A_23 = vector.broadcast %get3A_22 : vector<1x128xf32> to vector<10000x128xf32>
    %add3A_24 = arith.addf %mul3A_19, %add3A_23 : vector<10000x128xf32>
    %swap3A = arith.constant 0 : index
    %swap3A_25 = arith.constant 0 : index
    %swap3A_26 = vector.load %arg4[%swap3A, %swap3A_25] : memref<10000x128xf32, #tpu.memory_space<vmem>>, vector<10000x128xf32>
    tpu.vector_store %arg4[%swap3A, %swap3A_25], %add3A_24 {strides = array<i32>} : memref<10000x128xf32, #tpu.memory_space<vmem>>, vector<10000x128xf32>,
    return
  }
}

</mosaic_0001>

<sc_bundles>
// kernel: kernel.16.cloned.1.call-start
scs
__scs_entry_jumppad:
0x0: {  	(pc) =	sbr.rel $0x88, $3  }
0x1: {  	(tag) =	ssettag $0x0;
	lr =	simm.s32 $0x1  }
0x2: {  	[smem:$0x3F92] =	sst lr;
	_ =	strace $0xD0000000  }
0x3: {  	_ = 	snop  }
0x4: {  	_ = 	snop  }
0x5: {  	_ = 	snop  }
0x6: {  	_ = 	snop  }
0x7: {  	_ = 	snop  }
__scs_overlays_trampoline_lowered:
0x8: {  	[smem:$0x3FA1] =	sst s0  }
0x9: {  	[smem:$0x3FA2] =	sst s1  }
0xa: {  	[smem:$0x3FA3] =	sst s2  }
0xb: {  	[smem:$0x3FA4] =	sst s3  }
0xc: {  	[smem:$0x3FA5] =	sst s4  }
0xd: {  	[smem:$0x3FA6] =	sst s5  }
0xe: {  	[smem:$0x3FA7] =	sst s6  }
0xf: {  	[smem:$0x3FA8] =	sst s7  }
0x10: {  	[smem:$0x3FA9] =	sst s8  }
0x11: {  	[smem:$0x3FAA] =	sst s9;
	s0 =	simm.s32 @!p0 $0x0  }
0x12: {  	s1 =	sld [smem:$0x3F90];
	s0 =	simm.s32 @p0 $0x1  }
0x13: {  	[smem:$0x3FAB] =	sst s0;
	s0 =	simm.s32 @!p1 $0x0  }
0x14: {  	s2 =	sld [smem:$0x3F8F];
	s0 =	simm.s32 @p1 $0x1  }
0x15: {  	[smem:$0x3FAC] =	sst s0;
	s0 =	simm.s32 @!p2 $0x0  }
0x16: {  	s3 =	sld [smem:$0x3FDB];
	s0 =	simm.s32 @p2 $0x1  }
0x17: {  	s4 =	simm.s32 $0x1BF5;
	[smem:$0x3FAE] =	sst s0  }
0x18: {  	s0 =	sld [smem:$0x3F91];
	_ =	swait.ge [sflag:s4], $0x0  }
0x19: {  	s7 =	sld [smem:$0x3F92]  }
0x1a: {  	s8 =	sadd.s32 $0xFFFFE003, lr  }
0x1b: {  	s9 =	sadd.s32 $0xFFFFFEF7, lr;
	s5 =	simm.s32 $0xFFFFFFFF;
	p2 =	slt.u32 s8, $0xFFFFF086  }
0x1c: {  	p1 =	slt.u32 s9, $0xF7A;
	s5 =	simm.s32 @!p2 $0x0  }
0x1d: {  	s5 =	simm.s32 @p1 $0x1;
	p0 =	seq.s32 s7, s2  }
0x1e: {  	s7 =	smul.u32 @!p0 $0xF7A, s2;
	p2 =	seq.s32 @!p0 s5, $0x0  }
0x1f: {  	s9 =	smul.u32 $0xF7A, s1;
	s8 =	simm.s32 @!p0 $0x1BF5;
	p2 =	por !p2, p0  }
0x20: {  	[sflag:s8] =	ssyncset.s32 @!p0 $0xFFFFF086;
	s6 =	sadd.s32 @!p0 s3, s7;
	s7 =	simm.s32 @!p0 $0x108  }
0x21: {  	s3 =	sadd.s32 s3, s9;
	s6 =	sadd.s32 @!p0 $0x88, s6;
	s7 =	simm.s32 @p2 $0x1082  }
0x22: {  	[simem:s7], [sflag:s8] =	dma.local @!p0 [hbm:s6], $0xF7A  }
0x23: {  	s9 =	sor.u32 $0xD0000000, s2;
	s6 =	simm.s32 $0x108;
	_ =	swait.ge @!p0 [sflag:s8], $0x0  }
0x24: {  	s3 =	sadd.s32 $0x88, s3;
	s6 =	simm.s32 @!p1 $0x1082;
	[sflag:s4] =	ssyncset.s32 $0xFFFFF086  }
0x25: {  	[simem:s6], [sflag:s4] =	dma.local [hbm:s3], $0xF7A  }
0x26: {  	[smem:$0x3F92] =	sst s1;
	(tag) =	ssettag s2;
	_ =	strace s9  }
0x27: {  	s1 =	sld [smem:$0x3FA2]  }
0x28: {  	s2 =	sld [smem:$0x3FA3]  }
0x29: {  	s4 =	sld [smem:$0x3FA5]  }
0x2a: {  	p0 =	seq.s32 s5, $0x0;
	s5 =	sld [smem:$0x3FA6]  }
0x2b: {  	s6 =	sld [smem:$0x3FA7]  }
0x2c: {  	s7 =	sld [smem:$0x3FA8]  }
0x2d: {  	s3 =	simm.s32 $0x108;
	s8 =	sld [smem:$0x3FA9]  }
0x2e: {  	s3 =	simm.s32 @!p0 $0x1082;
	s9 =	sld [smem:$0x3FAA]  }
0x2f: {  	lr =	sadd.s32 s0, s3;
	s0 =	sld [smem:$0x3FA1]  }
0x30: {  	s3 =	sld [smem:$0x3FA4]  }
0x31: {  	[smem:$0x3FAD] =	sst s10  }
0x32: {  	s10 =	sld [smem:$0x3FAB];
	_ =	sdelay $0x3  }
0x33: {  	p0 =	seq.s32 s10, $0x1;
	s10 =	sld [smem:$0x3FAD];
	_ =	sdelay $0x3  }
0x34: {  	[smem:$0x3FAD] =	sst s10  }
0x35: {  	s10 =	sld [smem:$0x3FAC];
	_ =	sdelay $0x3  }
0x36: {  	p1 =	seq.s32 s10, $0x1;
	s10 =	sld [smem:$0x3FAD];
	_ =	sdelay $0x3  }
0x37: {  	[smem:$0x3FAD] =	sst s10  }
0x38: {  	s10 =	sld [smem:$0x3FAE]  }
0x39: {  	_ = 	snop;
	(pc) =	sbr.ind lr, $3  }
0x3a: {  	_ = 	snop  }
0x3b: {  	_ = 	snop  }
0x3c: {  	p2 =	seq.s32 s10, $0x1;
	s10 =	sld [smem:$0x3FAD]  }
0x3d: {  	_ =	shalt  }
0x3e: {  	_ =	shalt  }
0x3f: {  	_ =	shalt  }
0x40: {  	_ =	shalt  }
0x41: {  	_ =	shalt  }
0x42: {  	_ =	shalt  }
0x43: {  	_ =	shalt  }
0x44: {  	_ =	shalt  }
0x45: {  	_ =	shalt  }
0x46: {  	_ =	shalt  }
0x47: {  	_ =	shalt  }
0x48: {  	_ =	shalt  }
0x49: {  	_ =	shalt  }
0x4a: {  	_ =	shalt  }
0x4b: {  	_ =	shalt  }
0x4c: {  	_ =	shalt  }
0x4d: {  	_ =	shalt  }
0x4e: {  	_ =	shalt  }
0x4f: {  	_ =	shalt  }
0x50: {  	_ =	shalt  }
0x51: {  	_ =	shalt  }
0x52: {  	_ =	shalt  }
0x53: {  	_ =	shalt  }
0x54: {  	_ =	shalt  }
0x55: {  	_ =	shalt  }
0x56: {  	_ =	shalt  }
0x57: {  	_ =	shalt  }
0x58: {  	_ =	shalt  }
0x59: {  	_ =	shalt  }
0x5a: {  	_ =	shalt  }
0x5b: {  	_ =	shalt  }
0x5c: {  	_ =	shalt  }
0x5d: {  	_ =	shalt  }
0x5e: {  	_ =	shalt  }
0x5f: {  	_ =	shalt  }
0x60: {  	_ =	shalt  }
0x61: {  	_ =	shalt  }
0x62: {  	_ =	shalt  }
0x63: {  	_ =	shalt  }
0x64: {  	_ =	shalt  }
0x65: {  	_ =	shalt  }
0x66: {  	_ =	shalt  }
0x67: {  	_ =	shalt  }
0x68: {  	_ =	shalt  }
0x69: {  	_ =	shalt  }
0x6a: {  	_ =	shalt  }
0x6b: {  	_ =	shalt  }
0x6c: {  	_ =	shalt  }
0x6d: {  	_ =	shalt  }
0x6e: {  	_ =	shalt  }
0x6f: {  	_ =	shalt  }
0x70: {  	_ =	shalt  }
0x71: {  	_ =	shalt  }
0x72: {  	_ =	shalt  }
0x73: {  	_ =	shalt  }
0x74: {  	_ =	shalt  }
0x75: {  	_ =	shalt  }
0x76: {  	_ =	shalt  }
0x77: {  	_ =	shalt  }
0x78: {  	_ =	shalt  }
0x79: {  	_ =	shalt  }
0x7a: {  	_ =	shalt  }
0x7b: {  	_ =	shalt  }
0x7c: {  	_ =	shalt  }
0x7d: {  	_ =	shalt  }
0x7e: {  	_ =	shalt  }
0x7f: {  	_ =	shalt  }
0x80: {  	_ =	shalt  }
0x81: {  	_ =	shalt  }
0x82: {  	_ =	shalt  }
0x83: {  	_ =	shalt  }
0x84: {  	_ =	shalt  }
0x85: {  	_ =	shalt  }
0x86: {  	_ =	shalt  }
0x87: {  	_ =	shalt  }
.Lfunc_end0:
.L_simem_size_0:
called_computation_lowered:
.L_overlay_start_0:
0x88: {  	s2 =	sld [smem:$0x3FD9]  }
0x89: {  	s3 =	sld [smem:$0x3FFE];
	_ =	sdelay $0x1  }
0x8a: {  	s1 =	srdreg.scid  }
0x8b: {  	s0 =	sand.u32 $0x1, s1  }
0x8c: {  	s16 =	sshll.u32 s0, $0xA;
	s2 =	sadd.s32 s3, s2  }
0x8d: {  	s2 =	sadd.s32 s2, s16  }
0x8e: {  	[smem:$0x3FB9] =	sst s2  }
0x8f: {  	_ = 	snop  }
0x90: {  	(tm) =	ssettm $0x1  }
0x91: {  	s17 =	sld [smem:$0x3FFB];
	_ =	sdelay $0x3  }
0x92: {  	_ =	strace s17  }
0x93: {  	s2 =	sld [smem:$0x3FFC];
	_ =	sdelay $0x3  }
0x94: {  	_ =	strace s2  }
0x95: {  	s2 =	sld [smem:$0x3FFD];
	_ =	sdelay $0x3  }
0x96: {  	_ =	strace s2  }
0x97: {  	_ =	strace $0x8FFFFFFF  }
0x98: {  	s18 =	sld [smem:$0x3FDB];
	_ =	sdelay $0x1  }
0x99: {  	s19 =	simm.s32 $_scs_section_size  }
0x9a: {  	s4 =	simm.s32 $_size__tile_overlayer_lowered;
	s5 =	simm.s32 $_tile_overlayer_lowered  }
0x9b: {  	s22 =	simm.s32 $0x1BFF;
	s21 =	sshll.u32 s5, $0x1;
	s2 =	sadd.s32 s19, s18  }
0x9c: {  	s6 =	simm.s32 $0x0;
	s20 =	sshll.u32 s4, $0x1;
	s4 =	sadd.s32 s21, s2  }
0x9d: {  	[timem:s6], [sflag:s22] =	dma.local [hbm:s4], s20  }
0x9e: {  	_ =	swait.ge [sflag:s22], s20  }
0x9f: {  	s3 =	ssub.s32 $0x0, s20;
	[sflag:s22] =	ssyncset.done $0x0  }
0xa0: {  	[sflag:s22] =	ssyncadd.s32 s3;
	_ =	sdelay $0x1  }
0xa1: {  	s23 =	simm.s32 $0x1B8B  }
0xa2: {  	_ =	swait.ge [sflag:s23], $0x1  }
0xa3: {  	[sflag:s23] =	ssyncset.done $0x0  }
0xa4: {  	s25 =	simm.s32 $0x1B8E;
	s24 =	sld [smem:$0x3FFE];
	[sflag:s23] =	ssyncadd.s32 $0xFFFFFFFF  }
0xa5: {  	s26 =	simm.s32 $execute0_lowered;
	[smem:$0x3FD2] =	sst s25  }
0xa6: {  	s4 =	sshll.u32 s26, $0x1;
	_ =	strace $0x80000046;
	[dreg:$0x1] =	wrdreg $0xFFFFFFFF  }
0xa7: {  	s28 =	simm.s32 $_size_execute0_lowered;
	s2 =	sadd.s32 s2, s4;
	[dreg:$0x0] =	wrdreg $0x0  }
0xa8: {  	s4 =	sshll.u32 s28, $0x1;
	[dreg:$0x2] =	wrdreg s2  }
0xa9: {  	[dreg:$0x3] =	wrdreg s4  }
0xaa: {  	[dreg:$0x4] =	wrdreg $0xC0  }
0xab: {  	_ =	task [dreg:s6], $0x5FFFF  }
0xac: {  	[dreg:$0x1] =	wrdreg $0xFFFFFFFF  }
0xad: {  	[dreg:$0x0] =	wrdreg $0x60  }
0xae: {  	[dreg:$0x2] =	wrdreg s24  }
0xaf: {  	[dreg:$0x3] =	wrdreg $0x68800  }
0xb0: {  	[dreg:$0x4] =	wrdreg $0x9  }
0xb1: {  	_ =	task.clear_ibuf [dreg:s6], $0x5FFFF;
	_ =	strace $0x90000046  }
0xb2: {  	s29 =	simm.s32 $0x9;
	_ =	strace $0x80000048  }
0xb3: {  	_ =	swait.ge [sflag:s29], $0x1  }
0xb4: {  	[sflag:s29] =	ssyncadd.s32 $0xFFFFFFFF  }
0xb5: {  	_ =	strace $0x90000048  }
0xb6: {  	_ =	sfence  }
0xb7: {  	s30 =	sld [smem:$0x0];
	_ =	sdelay $0x2  }
0xb8: {  	s31 =	sshll.u32 s1, $0xD;
	s1 =	sshrl.u32 s1, $0x2  }
0xb9: {  	s3 =	sand.u32 $0x4000, s31;
	s1 =	sadd.s32 s1, s30  }
0xba: {  	s0 =	sor.u32 s3, s0;
	s1 =	sshll.u32 s1, $0x11  }
0xbb: {  	s0 =	sor.u32 s1, s0  }
0xbc: {  	s0 =	sadd.s32 $0x8F2B, s0  }
0xbd: {  	[sflag:s0] =	ssyncadd.remote.s32 $0x1  }
0xbe: {  	_ =	sfence.sel $0xFFFF  }
0xbf: {  	[dreg:$0x0] =	wrdreg $0xFFFFFFFF;
	(pc) =	sbr.abs _section_cstart, $3  }
0xc0: {  	[dreg:$0x1] =	wrdreg $0xFFFFFFFF  }
0xc1: {  	_ =	task.clear_ibuf [dreg:s6], $0x2FFFF;
	_ =	strace $0x9FFFFFFF  }
0xc2: {  	(tm) =	ssettm $0x7FFFFFFF  }
0xc3: {  	_ =	shalt  }
tec
execute0_lowered:
.L_overlay_start_1:
0x0: {  	(tag) =	ssettag $0x1  }
0x1: {  	s4 =	rddreg [dreg:$0x0]  }
0x2: {  	s0 =	srdreg.scid;
	s2 =	rddreg [dreg:$0x1]  }
0x3: {  	s1 =	rddreg [dreg:$0x2];
	s5 =	sand.u32 $0x1, s0  }
0x4: {  	s3 =	simm.s32 $0x0;
	s0 =	stileid.u32;
	s6 =	smul.u32 $0x27100, s5  }
0x5: {  	s12 =	simm.s32 $0x2880;
	s13 =	simm.s32 $0x1;
	s7 =	smul.u32 $0x2710, s0  }
0x6: {  	s14 =	simm.s32 $0x50;
	s15 =	simm.s32 $0x80;
	s8 =	smul.u32 $0x2800, s0  }
0x7: {  	s17 =	simm.s32 $0x0;
	[smem:$0x7FF] =	sst s3;
	s26 =	smul.u32 $0x28000, s5  }
0x8: {  	s9 =	smul.u32 $0x50000, s0;
	s5 =	ssub.s32 $0x2, s5;
	s16 =	sshll.u32 s0, $0x6  }
0x9: {  	_ =	strace $0x80000047;
	s31 =	sshrl.u32 s5, $0x1;
	s16 =	sor.u32 $0x1C01, s16  }
0xa: {  	s6 =	sadd.s32 s7, s6;
	s28 =	sadd.s32 s8, s26;
	s29 =	sshrl.u32 s9, $0x2  }
0xb: {  	s10 =	ssub.s32 s5, s31;
	s6 =	sshrl.u32 s6, $0x3;
	s30 =	sadd.s32 s28, s4  }
0xc: {  	s10 =	smax.u32 s10, $0x1;
	s11 =	sadd.s32 s6, s4;
	s4 =	sadd.s32 s29, s2  }
0xd: {  	s9 =	sadd.s32 $0x19400, s30;
	s5 =	sadd.s32 $0x4000, s4;
	s6 =	sadd.s32 $0x8000, s4  }
0xe: {  	v0 =	vimm.f32 $0.0e+00;
	v1 =	vimm.f32 $1.000000000e+00;
	s7 =	sadd.s32 $0xC000, s4;
	s8 =	sadd.s32 $0x10000, s4;
	s11 =	sadd.s32 $0xF600, s11  }
.LBB2_1:
0xf: {  	s18 =	simm.s32 $0x0;
	s19 =	simm.s32 $0x0  }
.LBB2_2:
0x10: {  	p0 =	sne.s32 s19, $0xFFC0  }
.Ltmp0:
0x11: {  	_ = 	snop;
	(pc) =	sbr.rel @p0 .LBB2_2-.Ltmp0, $4  }
0x12: {  	s20 =	sand.u32 $0xFE00, s19  }
0x13: {  	s21 =	sand.u32 $0x70, s18;
	s20 =	sshrl.u32 s20, $0x2  }
0x14: {  	s20 =	sor.u32 s21, s20  }
0x15: {  	s18 =	sadd.s32 $0x10, s18;
	s19 =	sadd.s32 $0x40, s19;
	[tilespmem:s20+$0x2880] =	vst v0  }
0x16: {  	s18 =	simm.s32 $0x0  }
0x17: {  	s19 =	sand.u32 $0xFE00, s18  }
0x18: {  	s20 =	sand.u32 $0x70, s18;
	s21 =	sshrl.u32 s19, $0x2  }
0x19: {  	s19 =	simm.s32 $0x40;
	s20 =	sor.u32 s20, s21  }
.LBB2_4:
0x1a: {  	p0 =	sne.s32 s19, $0x9FC0  }
0x1b: {  	[tilespmem:s20+$0x80] =	vst v1;
	s18 =	sadd.s32 $0x10, s18;
	s20 =	smov.u32 s19;
	s19 =	sadd.s32 $0x40, s19  }
.Ltmp1:
0x1c: {  	(pc) =	sbr.rel @p0 .LBB2_4-.Ltmp1, $4  }
0x1d: {  	_ = 	snop  }
0x1e: {  	s20 =	sand.u32 $0xFE00, s20  }
0x1f: {  	s21 =	sand.u32 $0x70, s18;
	s20 =	sshrl.u32 s20, $0x2  }
0x20: {  	s20 =	sor.u32 s21, s20  }
0x21: {  	[tilespmem:s20+$0x80] =	vst v1  }
0x22: {  	[spmem:s4] =	stream.linear.scatter [tilespmem:s12], [sflag:$0x1], $0x4000, $0x38;
	[tilespmem:$0x1A880] =	vst v63  }
0x23: {  	_ =	swait.ge [sflag:s13], $0x4000  }
0x24: {  	[sflag:s13] =	ssyncset.done $0x0  }
0x25: {  	[sflag:s13] =	ssyncadd.s32 $0xFFFFC000  }
0x26: {  	[spmem:s5] =	stream.linear.scatter [tilespmem:s12], [sflag:$0x1], $0x4000, $0x38;
	[tilespmem:$0x1A880] =	vst v63  }
0x27: {  	_ =	swait.ge [sflag:s13], $0x4000  }
0x28: {  	[sflag:s13] =	ssyncset.done $0x0  }
0x29: {  	[sflag:s13] =	ssyncadd.s32 $0xFFFFC000  }
0x2a: {  	[spmem:s6] =	stream.linear.scatter [tilespmem:s12], [sflag:$0x1], $0x4000, $0x38;
	[tilespmem:$0x1A880] =	vst v63  }
0x2b: {  	_ =	swait.ge [sflag:s13], $0x4000  }
0x2c: {  	[sflag:s13] =	ssyncset.done $0x0  }
0x2d: {  	[sflag:s13] =	ssyncadd.s32 $0xFFFFC000  }
0x2e: {  	[spmem:s7] =	stream.linear.scatter [tilespmem:s12], [sflag:$0x1], $0x4000, $0x38;
	[tilespmem:$0x1A880] =	vst v63  }
0x2f: {  	_ =	swait.ge [sflag:s13], $0x4000  }
0x30: {  	[sflag:s13] =	ssyncset.done $0x0  }
0x31: {  	[sflag:s13] =	ssyncadd.s32 $0xFFFFC000  }
0x32: {  	[spmem:s8] =	stream.linear.scatter [tilespmem:s12], [sflag:$0x1], $0x4000, $0x38;
	[tilespmem:$0x1A880] =	vst v63  }
0x33: {  	_ =	swait.ge [sflag:s13], $0x4000  }
0x34: {  	[sflag:s13] =	ssyncset.done $0x0  }
0x35: {  	[sflag:s13] =	ssyncadd.s32 $0xFFFFC000  }
0x36: {  	s18 =	sadd.s32 $0x0, s11;
	[bflag:$0x0] =	sbarrier.arrive $0xFFFF  }
0x37: {  	[tilespmem:s3], [sflag:$0x1] =	stream.linear.gather [hbm4b:s18+s3], $0x50, $0x38;
	[tilespmem:$0x1A880] =	vst v63  }
0x38: {  	_ =	swait.ge [sflag:s13], $0x50  }
0x39: {  	[sflag:s13] =	ssyncset.done $0x0  }
0x3a: {  	[sflag:s13] =	ssyncadd.s32 $0xFFFFFFB0  }
0x3b: {  	[spmem:s2] =	stream.indirect.scatter.add.f32 [tilespmem:s15], [sflag:$0x1], $0x80, s3, s14, $0xb8;
	[tilespmem:$0x1A880] =	vst v63  }
0x3c: {  	_ =	swait.ge [sflag:s13], $0x2800  }
0x3d: {  	s19 =	simm.s32 $0x14;
	s18 =	simm.s32 $0xA;
	[sflag:s13] =	ssyncset.done $0x0  }
.LBB2_6:
0x3e: {  	s20 =	sadd.s32 s18, s11  }
0x3f: {  	[sflag:s13] =	ssyncadd.s32 $0xFFFFD800;
	s18 =	smov.u32 s19;
	s21 =	sadd.s32 $0xA, s19  }
0x40: {  	[tilespmem:s3], [sflag:$0x1] =	stream.linear.gather [hbm4b:s20+s3], $0x50, $0x38;
	[tilespmem:$0x1A880] =	vst v63  }
0x41: {  	p0 =	sne.s32 s19, $0x4D8;
	_ =	swait.ge [sflag:s13], $0x50  }
.Ltmp2:
0x42: {  	[sflag:s13] =	ssyncset.done $0x0;
	(pc) =	sbr.rel @p0 .LBB2_6-.Ltmp2, $4  }
0x43: {  	[sflag:s13] =	ssyncadd.s32 $0xFFFFFFB0  }
0x44: {  	[spmem:s2] =	stream.indirect.scatter.add.f32 [tilespmem:s15], [sflag:$0x1], $0x80, s3, s14, $0xb8;
	[tilespmem:$0x1A880] =	vst v63  }
0x45: {  	_ =	swait.ge [sflag:s13], $0x2800  }
0x46: {  	s19 =	smov.u32 s21;
	[sflag:s13] =	ssyncset.done $0x0  }
0x47: {  	s18 =	sadd.s32 s18, s11;
	[sflag:s13] =	ssyncadd.s32 $0xFFFFD800  }
0x48: {  	[tilespmem:s3], [sflag:$0x1] =	stream.linear.gather [hbm4b:s18+s3], $0x50, $0x38;
	[tilespmem:$0x1A880] =	vst v63  }
0x49: {  	_ =	swait.ge [sflag:s13], $0x50  }
0x4a: {  	[sflag:s13] =	ssyncset.done $0x0  }
0x4b: {  	[sflag:s13] =	ssyncadd.s32 $0xFFFFFFB0  }
0x4c: {  	[spmem:s2] =	stream.indirect.scatter.add.f32 [tilespmem:s15], [sflag:$0x1], $0x80, s3, s14, $0xb8;
	[tilespmem:$0x1A880] =	vst v63  }
0x4d: {  	_ =	swait.ge [sflag:s13], $0x2800  }
0x4e: {  	s17 =	sadd.s32 $0x1, s17;
	[sflag:s13] =	ssyncset.done $0x0  }
0x4f: {  	p0 =	sne.s32 s17, s10;
	[sflag:s13] =	ssyncadd.s32 $0xFFFFD800  }
.Ltmp3:
0x50: {  	s31 =	sshrl.u32 s4, $0x3;
	[bflag:$0x0] =	sbarrier.arrive $0xFFFF;
	(pc) =	sbr.rel @p0 .LBB2_1-.Ltmp3, $4  }
0x51: {  	[hbm:s9], [sflag:s16] =	dma.local [spmem:s31], $0x2800  }
0x52: {  	_ =	swait.ge [sflag:s13], $0x2800  }
0x53: {  	[sflag:s13] =	ssyncset.done $0x0  }
0x54: {  	[sflag:s13] =	ssyncadd.s32 $0xFFFFD800  }
0x55: {  	_ =	sfence.sel $0x180000  }
0x56: {  	[bflag:$0x0] =	sbarrier.arrive $0xFFFF  }
0x57: {  	p0 =	sne.s32 s0, $0x0;
	_ =	strace $0x90000047  }
0x58: {  	s0 =	sadd.s32 @!p0 $0x100000, s1;
	[bflag:$0x2] =	sbarrier.arrive $0xFFFF  }
0x59: {  	[sflag:s0] =	ssyncadd.tile.s32 @!p0 $0x1;
	_ =	shalt  }
.Lfunc_end2:
_tile_overlayer_lowered:
.L_overlay_start_2:
0x5a: {  	(tag) =	ssettag $0x2  }
0x5b: {  	s0 =	rddreg [dreg:$0x0];
	s2 =	stileid.u32  }
0x5c: {  	s1 =	rddreg [dreg:$0x1];
	p0 =	sne.s32 s2, $0x0  }
0x5d: {  	s3 =	rddreg [dreg:$0x2];
	[bflag:$0x3] =	sbarrier.arrive $0xFFFF;
	s2 =	simm.s32 @!p0 $0x1C01  }
0x5e: {  	[timem:s3], [sflag:s2] =	dma.local @!p0 [hbm:s0], s1  }
0x5f: {  	s0 =	simm.s32 @!p0 $0x1  }
0x60: {  	_ =	swait.ge @!p0 [sflag:s0], s1  }
0x61: {  	s1 =	ssub.s32 @!p0 $0x0, s1;
	[sflag:s0] =	ssyncset.done @!p0 $0x0  }
0x62: {  	[sflag:s0] =	ssyncadd.s32 @!p0 s1  }
0x63: {  	[bflag:$0x3] =	sbarrier.arrive $0xFFFF  }
0x64: {  	_ =	shalt  }

// kernel: kernel.19.cloned.1.call-start
scs
__scs_entry_jumppad:
0x0: {  	(pc) =	sbr.rel $0x88, $3  }
0x1: {  	(tag) =	ssettag $0x0;
	lr =	simm.s32 $0x1  }
0x2: {  	[smem:$0x3F92] =	sst lr;
	_ =	strace $0xD0000000  }
0x3: {  	_ = 	snop  }
0x4: {  	_ = 	snop  }
0x5: {  	_ = 	snop  }
0x6: {  	_ = 	snop  }
0x7: {  	_ = 	snop  }
__scs_overlays_trampoline_lowered:
0x8: {  	[smem:$0x3FA1] =	sst s0  }
0x9: {  	[smem:$0x3FA2] =	sst s1  }
0xa: {  	[smem:$0x3FA3] =	sst s2  }
0xb: {  	[smem:$0x3FA4] =	sst s3  }
0xc: {  	[smem:$0x3FA5] =	sst s4  }
0xd: {  	[smem:$0x3FA6] =	sst s5  }
0xe: {  	[smem:$0x3FA7] =	sst s6  }
0xf: {  	[smem:$0x3FA8] =	sst s7  }
0x10: {  	[smem:$0x3FA9] =	sst s8  }
0x11: {  	[smem:$0x3FAA] =	sst s9;
	s0 =	simm.s32 @!p0 $0x0  }
0x12: {  	s1 =	sld [smem:$0x3F90];
	s0 =	simm.s32 @p0 $0x1  }
0x13: {  	[smem:$0x3FAB] =	sst s0;
	s0 =	simm.s32 @!p1 $0x0  }
0x14: {  	s2 =	sld [smem:$0x3F8F];
	s0 =	simm.s32 @p1 $0x1  }
0x15: {  	[smem:$0x3FAC] =	sst s0;
	s0 =	simm.s32 @!p2 $0x0  }
0x16: {  	s3 =	sld [smem:$0x3FDB];
	s0 =	simm.s32 @p2 $0x1  }
0x17: {  	s4 =	simm.s32 $0x1BF5;
	[smem:$0x3FAE] =	sst s0  }
0x18: {  	s0 =	sld [smem:$0x3F91];
	_ =	swait.ge [sflag:s4], $0x0  }
0x19: {  	s7 =	sld [smem:$0x3F92]  }
0x1a: {  	s8 =	sadd.s32 $0xFFFFE003, lr  }
0x1b: {  	s9 =	sadd.s32 $0xFFFFFEF7, lr;
	s5 =	simm.s32 $0xFFFFFFFF;
	p2 =	slt.u32 s8, $0xFFFFF086  }
0x1c: {  	p1 =	slt.u32 s9, $0xF7A;
	s5 =	simm.s32 @!p2 $0x0  }
0x1d: {  	s5 =	simm.s32 @p1 $0x1;
	p0 =	seq.s32 s7, s2  }
0x1e: {  	s7 =	smul.u32 @!p0 $0xF7A, s2;
	p2 =	seq.s32 @!p0 s5, $0x0  }
0x1f: {  	s9 =	smul.u32 $0xF7A, s1;
	s8 =	simm.s32 @!p0 $0x1BF5;
	p2 =	por !p2, p0  }
0x20: {  	[sflag:s8] =	ssyncset.s32 @!p0 $0xFFFFF086;
	s6 =	sadd.s32 @!p0 s3, s7;
	s7 =	simm.s32 @!p0 $0x108  }
0x21: {  	s3 =	sadd.s32 s3, s9;
	s6 =	sadd.s32 @!p0 $0x88, s6;
	s7 =	simm.s32 @p2 $0x1082  }
0x22: {  	[simem:s7], [sflag:s8] =	dma.local @!p0 [hbm:s6], $0xF7A  }
0x23: {  	s9 =	sor.u32 $0xD0000000, s2;
	s6 =	simm.s32 $0x108;
	_ =	swait.ge @!p0 [sflag:s8], $0x0  }
0x24: {  	s3 =	sadd.s32 $0x88, s3;
	s6 =	simm.s32 @!p1 $0x1082;
	[sflag:s4] =	ssyncset.s32 $0xFFFFF086  }
0x25: {  	[simem:s6], [sflag:s4] =	dma.local [hbm:s3], $0xF7A  }
0x26: {  	[smem:$0x3F92] =	sst s1;
	(tag) =	ssettag s2;
	_ =	strace s9  }
0x27: {  	s1 =	sld [smem:$0x3FA2]  }
0x28: {  	s2 =	sld [smem:$0x3FA3]  }
0x29: {  	s4 =	sld [smem:$0x3FA5]  }
0x2a: {  	p0 =	seq.s32 s5, $0x0;
	s5 =	sld [smem:$0x3FA6]  }
0x2b: {  	s6 =	sld [smem:$0x3FA7]  }
0x2c: {  	s7 =	sld [smem:$0x3FA8]  }
0x2d: {  	s3 =	simm.s32 $0x108;
	s8 =	sld [smem:$0x3FA9]  }
0x2e: {  	s3 =	simm.s32 @!p0 $0x1082;
	s9 =	sld [smem:$0x3FAA]  }
0x2f: {  	lr =	sadd.s32 s0, s3;
	s0 =	sld [smem:$0x3FA1]  }
0x30: {  	s3 =	sld [smem:$0x3FA4]  }
0x31: {  	[smem:$0x3FAD] =	sst s10  }
0x32: {  	s10 =	sld [smem:$0x3FAB];
	_ =	sdelay $0x3  }
0x33: {  	p0 =	seq.s32 s10, $0x1;
	s10 =	sld [smem:$0x3FAD];
	_ =	sdelay $0x3  }
0x34: {  	[smem:$0x3FAD] =	sst s10  }
0x35: {  	s10 =	sld [smem:$0x3FAC];
	_ =	sdelay $0x3  }
0x36: {  	p1 =	seq.s32 s10, $0x1;
	s10 =	sld [smem:$0x3FAD];
	_ =	sdelay $0x3  }
0x37: {  	[smem:$0x3FAD] =	sst s10  }
0x38: {  	s10 =	sld [smem:$0x3FAE]  }
0x39: {  	_ = 	snop;
	(pc) =	sbr.ind lr, $3  }
0x3a: {  	_ = 	snop  }
0x3b: {  	_ = 	snop  }
0x3c: {  	p2 =	seq.s32 s10, $0x1;
	s10 =	sld [smem:$0x3FAD]  }
0x3d: {  	_ =	shalt  }
0x3e: {  	_ =	shalt  }
0x3f: {  	_ =	shalt  }
0x40: {  	_ =	shalt  }
0x41: {  	_ =	shalt  }
0x42: {  	_ =	shalt  }
0x43: {  	_ =	shalt  }
0x44: {  	_ =	shalt  }
0x45: {  	_ =	shalt  }
0x46: {  	_ =	shalt  }
0x47: {  	_ =	shalt  }
0x48: {  	_ =	shalt  }
0x49: {  	_ =	shalt  }
0x4a: {  	_ =	shalt  }
0x4b: {  	_ =	shalt  }
0x4c: {  	_ =	shalt  }
0x4d: {  	_ =	shalt  }
0x4e: {  	_ =	shalt  }
0x4f: {  	_ =	shalt  }
0x50: {  	_ =	shalt  }
0x51: {  	_ =	shalt  }
0x52: {  	_ =	shalt  }
0x53: {  	_ =	shalt  }
0x54: {  	_ =	shalt  }
0x55: {  	_ =	shalt  }
0x56: {  	_ =	shalt  }
0x57: {  	_ =	shalt  }
0x58: {  	_ =	shalt  }
0x59: {  	_ =	shalt  }
0x5a: {  	_ =	shalt  }
0x5b: {  	_ =	shalt  }
0x5c: {  	_ =	shalt  }
0x5d: {  	_ =	shalt  }
0x5e: {  	_ =	shalt  }
0x5f: {  	_ =	shalt  }
0x60: {  	_ =	shalt  }
0x61: {  	_ =	shalt  }
0x62: {  	_ =	shalt  }
0x63: {  	_ =	shalt  }
0x64: {  	_ =	shalt  }
0x65: {  	_ =	shalt  }
0x66: {  	_ =	shalt  }
0x67: {  	_ =	shalt  }
0x68: {  	_ =	shalt  }
0x69: {  	_ =	shalt  }
0x6a: {  	_ =	shalt  }
0x6b: {  	_ =	shalt  }
0x6c: {  	_ =	shalt  }
0x6d: {  	_ =	shalt  }
0x6e: {  	_ =	shalt  }
0x6f: {  	_ =	shalt  }
0x70: {  	_ =	shalt  }
0x71: {  	_ =	shalt  }
0x72: {  	_ =	shalt  }
0x73: {  	_ =	shalt  }
0x74: {  	_ =	shalt  }
0x75: {  	_ =	shalt  }
0x76: {  	_ =	shalt  }
0x77: {  	_ =	shalt  }
0x78: {  	_ =	shalt  }
0x79: {  	_ =	shalt  }
0x7a: {  	_ =	shalt  }
0x7b: {  	_ =	shalt  }
0x7c: {  	_ =	shalt  }
0x7d: {  	_ =	shalt  }
0x7e: {  	_ =	shalt  }
0x7f: {  	_ =	shalt  }
0x80: {  	_ =	shalt  }
0x81: {  	_ =	shalt  }
0x82: {  	_ =	shalt  }
0x83: {  	_ =	shalt  }
0x84: {  	_ =	shalt  }
0x85: {  	_ =	shalt  }
0x86: {  	_ =	shalt  }
0x87: {  	_ =	shalt  }
.Lfunc_end0:
.L_simem_size_0:
called_computation.1_lowered:
.L_overlay_start_0:
0x88: {  	s2 =	sld [smem:$0x3FD9]  }
0x89: {  	s3 =	sld [smem:$0x3FFE];
	_ =	sdelay $0x1  }
0x8a: {  	s1 =	srdreg.scid  }
0x8b: {  	s0 =	sand.u32 $0x1, s1  }
0x8c: {  	s17 =	sshll.u32 s0, $0xA;
	s2 =	sadd.s32 s3, s2  }
0x8d: {  	s2 =	sadd.s32 s2, s17  }
0x8e: {  	[smem:$0x3FB9] =	sst s2  }
0x8f: {  	_ = 	snop  }
0x90: {  	s2 =	sld [smem:$0x3FD0];
	(tm) =	ssettm $0x1  }
0x91: {  	s18 =	sld [smem:$0x3FFB];
	_ =	sdelay $0x3  }
0x92: {  	_ =	strace s18  }
0x93: {  	s3 =	sld [smem:$0x3FFC];
	_ =	sdelay $0x3  }
0x94: {  	_ =	strace s3  }
0x95: {  	s3 =	sld [smem:$0x3FFD];
	_ =	sdelay $0x3  }
0x96: {  	_ =	strace s3  }
0x97: {  	_ =	strace $0x8FFFFFFF  }
0x98: {  	s19 =	sld [smem:$0x3FDB];
	_ =	sdelay $0x1  }
0x99: {  	s4 =	simm.s32 $_scs_section_size  }
0x9a: {  	s5 =	simm.s32 $_size__tile_overlayer_lowered;
	s6 =	simm.s32 $_tile_overlayer_lowered  }
0x9b: {  	s22 =	simm.s32 $0x1BFF;
	s21 =	sshll.u32 s6, $0x1;
	s3 =	sadd.s32 s4, s19  }
0x9c: {  	s7 =	simm.s32 $0x0;
	s20 =	sshll.u32 s5, $0x1;
	s5 =	sadd.s32 s21, s3  }
0x9d: {  	[timem:s7], [sflag:s22] =	dma.local [hbm:s5], s20  }
0x9e: {  	_ =	swait.ge [sflag:s22], s20  }
0x9f: {  	s4 =	ssub.s32 $0x0, s20;
	[sflag:s22] =	ssyncset.done $0x0  }
0xa0: {  	[sflag:s22] =	ssyncadd.s32 s4;
	_ =	sdelay $0x1  }
0xa1: {  	s23 =	simm.s32 $0x1B8B  }
0xa2: {  	_ =	swait.ge [sflag:s23], $0x1  }
0xa3: {  	[sflag:s23] =	ssyncset.done $0x0  }
0xa4: {  	s25 =	simm.s32 $0x1B8E;
	s24 =	sld [smem:$0x3FFE];
	[sflag:s23] =	ssyncadd.s32 $0xFFFFFFFF  }
0xa5: {  	s26 =	simm.s32 $execute0_lowered;
	[smem:$0x3FD2] =	sst s25  }
0xa6: {  	s5 =	sshll.u32 s26, $0x1;
	_ =	strace $0x80000049;
	[dreg:$0x1] =	wrdreg $0xFFFFFFFF  }
0xa7: {  	s28 =	simm.s32 $_size_execute0_lowered;
	s3 =	sadd.s32 s3, s5;
	[dreg:$0x0] =	wrdreg $0x0  }
0xa8: {  	s5 =	sshll.u32 s28, $0x1;
	[dreg:$0x2] =	wrdreg s3  }
0xa9: {  	[dreg:$0x3] =	wrdreg s5  }
0xaa: {  	[dreg:$0x4] =	wrdreg $0xC0  }
0xab: {  	_ =	task [dreg:s7], $0x5FFFF  }
0xac: {  	[dreg:$0x1] =	wrdreg $0xFFFFFFFF  }
0xad: {  	[dreg:$0x0] =	wrdreg $0x60  }
0xae: {  	[dreg:$0x2] =	wrdreg s2  }
0xaf: {  	[dreg:$0x3] =	wrdreg s24  }
0xb0: {  	[dreg:$0x4] =	wrdreg $0x69000  }
0xb1: {  	[dreg:$0x5] =	wrdreg $0x9  }
0xb2: {  	_ =	task.clear_ibuf [dreg:s7], $0x6FFFF;
	_ =	strace $0x90000049  }
0xb3: {  	s29 =	simm.s32 $0x9;
	_ =	strace $0x8000004B  }
0xb4: {  	_ =	swait.ge [sflag:s29], $0x1  }
0xb5: {  	[sflag:s29] =	ssyncadd.s32 $0xFFFFFFFF  }
0xb6: {  	_ =	strace $0x9000004B  }
0xb7: {  	_ =	sfence  }
0xb8: {  	s30 =	sld [smem:$0x0];
	_ =	sdelay $0x2  }
0xb9: {  	s31 =	sshll.u32 s1, $0xD;
	s1 =	sshrl.u32 s1, $0x2  }
0xba: {  	s3 =	sand.u32 $0x4000, s31;
	s1 =	sadd.s32 s1, s30  }
0xbb: {  	s0 =	sor.u32 s3, s0;
	s1 =	sshll.u32 s1, $0x11  }
0xbc: {  	s0 =	sor.u32 s1, s0  }
0xbd: {  	s0 =	sadd.s32 $0x8F2B, s0  }
0xbe: {  	[sflag:s0] =	ssyncadd.remote.s32 $0x1  }
0xbf: {  	_ =	sfence.sel $0xFFFF  }
0xc0: {  	[dreg:$0x0] =	wrdreg $0xFFFFFFFF;
	(pc) =	sbr.abs _section_cstart, $3  }
0xc1: {  	[dreg:$0x1] =	wrdreg $0xFFFFFFFF  }
0xc2: {  	_ =	task.clear_ibuf [dreg:s7], $0x2FFFF;
	_ =	strace $0x9FFFFFFF  }
0xc3: {  	(tm) =	ssettm $0x7FFFFFFF  }
tec
execute0_lowered:
.L_overlay_start_1:
0x0: {  	(tag) =	ssettag $0x1  }
0x1: {  	s1 =	rddreg [dreg:$0x0]  }
0x2: {  	s5 =	rddreg [dreg:$0x1]  }
0x3: {  	s0 =	srdreg.scid;
	s3 =	rddreg [dreg:$0x2]  }
0x4: {  	s2 =	rddreg [dreg:$0x3];
	s6 =	sand.u32 $0x1, s0  }
0x5: {  	s4 =	simm.s32 $0x0;
	s0 =	stileid.u32;
	s7 =	smul.u32 $0x27100, s6  }
0x6: {  	s14 =	simm.s32 $0x2900;
	s15 =	simm.s32 $0x2;
	s8 =	smul.u32 $0x2710, s0  }
0x7: {  	s16 =	simm.s32 $0x80;
	s17 =	simm.s32 $0x50;
	s9 =	smul.u32 $0x2800, s0  }
0x8: {  	s18 =	simm.s32 $0x100;
	s19 =	simm.s32 $0x1;
	s26 =	smul.u32 $0x28000, s6  }
0x9: {  	s21 =	simm.s32 $0x0;
	[smem:$0x7FF] =	sst s4;
	s10 =	smul.u32 $0x50000, s0  }
0xa: {  	_ =	strace $0x8000004A;
	s6 =	ssub.s32 $0x2, s6;
	s20 =	sshll.u32 s0, $0x6  }
0xb: {  	s31 =	sshrl.u32 s6, $0x1;
	s20 =	sor.u32 $0x1C02, s20;
	s7 =	sadd.s32 s8, s7  }
0xc: {  	s28 =	sadd.s32 s9, s26;
	s29 =	sshrl.u32 s10, $0x2;
	s11 =	ssub.s32 s6, s31  }
0xd: {  	s7 =	sshrl.u32 s7, $0x3;
	s30 =	sadd.s32 s28, s5;
	s11 =	smax.u32 s11, $0x1  }
0xe: {  	s13 =	sadd.s32 s7, s5;
	s5 =	sadd.s32 s29, s3;
	s10 =	sadd.s32 $0x69400, s30  }
0xf: {  	s6 =	sadd.s32 $0x4000, s5;
	s7 =	sadd.s32 $0x8000, s5;
	s8 =	sadd.s32 $0xC000, s5  }
0x10: {  	v0 =	vimm.f32 $0.0e+00;
	s9 =	sadd.s32 $0x10000, s5;
	s12 =	sadd.s32 $0xF600, s13;
	s13 =	sadd.s32 $0x5800, s13  }
.LBB2_1:
0x11: {  	s22 =	sand.u32 $0xFE00, s4  }
0x12: {  	s23 =	sand.u32 $0x70, s4;
	s24 =	sshrl.u32 s22, $0x2  }
0x13: {  	s22 =	simm.s32 $0x40;
	s24 =	sor.u32 s23, s24;
	s23 =	simm.s32 $0x0  }
.LBB2_2:
0x14: {  	p0 =	sne.s32 s22, $0xFFC0  }
0x15: {  	[tilespmem:s24+$0x2900] =	vst v0;
	s23 =	sadd.s32 $0x10, s23;
	s24 =	smov.u32 s22;
	s22 =	sadd.s32 $0x40, s22  }
.Ltmp0:
0x16: {  	(pc) =	sbr.rel @p0 .LBB2_2-.Ltmp0, $4  }
0x17: {  	_ = 	snop  }
0x18: {  	s24 =	sand.u32 $0xFE00, s24  }
0x19: {  	s25 =	sand.u32 $0x70, s23;
	s24 =	sshrl.u32 s24, $0x2  }
0x1a: {  	s24 =	sor.u32 s25, s24  }
0x1b: {  	[tilespmem:s24+$0x2900] =	vst v0  }
0x1c: {  	[spmem:s5] =	stream.linear.scatter [tilespmem:s14], [sflag:$0x2], $0x4000, $0x38;
	[tilespmem:$0x1A900] =	vst v63  }
0x1d: {  	_ =	swait.ge [sflag:s15], $0x4000  }
0x1e: {  	[sflag:s15] =	ssyncset.done $0x0  }
0x1f: {  	[sflag:s15] =	ssyncadd.s32 $0xFFFFC000  }
0x20: {  	[spmem:s6] =	stream.linear.scatter [tilespmem:s14], [sflag:$0x2], $0x4000, $0x38;
	[tilespmem:$0x1A900] =	vst v63  }
0x21: {  	_ =	swait.ge [sflag:s15], $0x4000  }
0x22: {  	[sflag:s15] =	ssyncset.done $0x0  }
0x23: {  	[sflag:s15] =	ssyncadd.s32 $0xFFFFC000  }
0x24: {  	[spmem:s7] =	stream.linear.scatter [tilespmem:s14], [sflag:$0x2], $0x4000, $0x38;
	[tilespmem:$0x1A900] =	vst v63  }
0x25: {  	_ =	swait.ge [sflag:s15], $0x4000  }
0x26: {  	[sflag:s15] =	ssyncset.done $0x0  }
0x27: {  	[sflag:s15] =	ssyncadd.s32 $0xFFFFC000  }
0x28: {  	[spmem:s8] =	stream.linear.scatter [tilespmem:s14], [sflag:$0x2], $0x4000, $0x38;
	[tilespmem:$0x1A900] =	vst v63  }
0x29: {  	_ =	swait.ge [sflag:s15], $0x4000  }
0x2a: {  	[sflag:s15] =	ssyncset.done $0x0  }
0x2b: {  	[sflag:s15] =	ssyncadd.s32 $0xFFFFC000  }
0x2c: {  	[spmem:s9] =	stream.linear.scatter [tilespmem:s14], [sflag:$0x2], $0x4000, $0x38;
	[tilespmem:$0x1A900] =	vst v63  }
0x2d: {  	_ =	swait.ge [sflag:s15], $0x4000  }
0x2e: {  	[sflag:s15] =	ssyncset.done $0x0  }
0x2f: {  	[sflag:s15] =	ssyncadd.s32 $0xFFFFC000  }
0x30: {  	s22 =	sadd.s32 $0x0, s13;
	[bflag:$0x0] =	sbarrier.arrive $0xFFFF  }
0x31: {  	[tilespmem:s4], [sflag:$0x2] =	stream.linear.gather [hbm4b:s22+s4], $0x50, $0x38;
	[tilespmem:$0x1A900] =	vst v63  }
0x32: {  	_ =	swait.ge [sflag:s15], $0x50  }
0x33: {  	[sflag:s15] =	ssyncset.done $0x0  }
0x34: {  	s31 =	sadd.s32 $0x0, s12;
	[sflag:s15] =	ssyncadd.s32 $0xFFFFFFB0  }
0x35: {  	[tilespmem:s16], [sflag:$0x2] =	stream.linear.gather [hbm4b:s31+s4], $0x50, $0x38;
	[tilespmem:$0x1A900] =	vst v63  }
0x36: {  	_ =	swait.ge [sflag:s15], $0x50  }
0x37: {  	[sflag:s15] =	ssyncset.done $0x0  }
0x38: {  	[sflag:s15] =	ssyncadd.s32 $0xFFFFFFB0  }
0x39: {  	[tilespmem:s18], [sflag:$0x1] =	stream.indirect.gather [hbm4b:s1+s17], $0x80, s4, s17, $0xb8;
	[tilespmem:$0x1A900] =	vst v63  }
0x3a: {  	_ =	swait.ge [sflag:s19], $0x2800  }
0x3b: {  	[sflag:s19] =	ssyncset.done $0x0  }
0x3c: {  	[sflag:s19] =	ssyncadd.s32 $0xFFFFD800  }
0x3d: {  	[spmem:s3] =	stream.indirect.scatter.add.f32 [tilespmem:s18], [sflag:$0x2], $0x80, s16, s17, $0xb8;
	[tilespmem:$0x1A900] =	vst v63  }
0x3e: {  	_ =	swait.ge [sflag:s15], $0x2800  }
0x3f: {  	s23 =	simm.s32 $0x14;
	s22 =	simm.s32 $0xA;
	[sflag:s15] =	ssyncset.done $0x0  }
.LBB2_4:
0x40: {  	s24 =	sadd.s32 s22, s13  }
0x41: {  	[sflag:s15] =	ssyncadd.s32 $0xFFFFD800;
	s25 =	smov.u32 s23;
	s26 =	sadd.s32 $0xA, s23  }
0x42: {  	[tilespmem:s4], [sflag:$0x2] =	stream.linear.gather [hbm4b:s24+s4], $0x50, $0x38;
	[tilespmem:$0x1A900] =	vst v63  }
0x43: {  	p0 =	sne.s32 s23, $0x4D8;
	_ =	swait.ge [sflag:s15], $0x50  }
0x44: {  	[sflag:s15] =	ssyncset.done $0x0  }
0x45: {  	s23 =	sadd.s32 s22, s12;
	s22 =	smov.u32 s25;
	[sflag:s15] =	ssyncadd.s32 $0xFFFFFFB0  }
0x46: {  	[tilespmem:s16], [sflag:$0x2] =	stream.linear.gather [hbm4b:s23+s4], $0x50, $0x38;
	[tilespmem:$0x1A900] =	vst v63  }
0x47: {  	_ =	swait.ge [sflag:s15], $0x50  }
0x48: {  	[sflag:s15] =	ssyncset.done $0x0  }
0x49: {  	[sflag:s15] =	ssyncadd.s32 $0xFFFFFFB0  }
0x4a: {  	[tilespmem:s18], [sflag:$0x1] =	stream.indirect.gather [hbm4b:s1+s17], $0x80, s4, s17, $0xb8;
	[tilespmem:$0x1A900] =	vst v63  }
0x4b: {  	_ =	swait.ge [sflag:s19], $0x2800  }
.Ltmp1:
0x4c: {  	[sflag:s19] =	ssyncset.done $0x0;
	(pc) =	sbr.rel @p0 .LBB2_4-.Ltmp1, $4  }
0x4d: {  	[sflag:s19] =	ssyncadd.s32 $0xFFFFD800  }
0x4e: {  	[spmem:s3] =	stream.indirect.scatter.add.f32 [tilespmem:s18], [sflag:$0x2], $0x80, s16, s17, $0xb8;
	[tilespmem:$0x1A900] =	vst v63  }
0x4f: {  	_ =	swait.ge [sflag:s15], $0x2800  }
0x50: {  	s23 =	smov.u32 s26;
	[sflag:s15] =	ssyncset.done $0x0  }
0x51: {  	s23 =	sadd.s32 s22, s13;
	[sflag:s15] =	ssyncadd.s32 $0xFFFFD800  }
0x52: {  	[tilespmem:s4], [sflag:$0x2] =	stream.linear.gather [hbm4b:s23+s4], $0x50, $0x38;
	[tilespmem:$0x1A900] =	vst v63  }
0x53: {  	_ =	swait.ge [sflag:s15], $0x50  }
0x54: {  	[sflag:s15] =	ssyncset.done $0x0  }
0x55: {  	s30 =	sadd.s32 s22, s12;
	[sflag:s15] =	ssyncadd.s32 $0xFFFFFFB0  }
0x56: {  	[tilespmem:s16], [sflag:$0x2] =	stream.linear.gather [hbm4b:s30+s4], $0x50, $0x38;
	[tilespmem:$0x1A900] =	vst v63  }
0x57: {  	_ =	swait.ge [sflag:s15], $0x50  }
0x58: {  	[sflag:s15] =	ssyncset.done $0x0  }
0x59: {  	[sflag:s15] =	ssyncadd.s32 $0xFFFFFFB0  }
0x5a: {  	[tilespmem:s18], [sflag:$0x1] =	stream.indirect.gather [hbm4b:s1+s17], $0x80, s4, s17, $0xb8;
	[tilespmem:$0x1A900] =	vst v63  }
0x5b: {  	_ =	swait.ge [sflag:s19], $0x2800  }
0x5c: {  	[sflag:s19] =	ssyncset.done $0x0  }
0x5d: {  	[sflag:s19] =	ssyncadd.s32 $0xFFFFD800  }
0x5e: {  	[spmem:s3] =	stream.indirect.scatter.add.f32 [tilespmem:s18], [sflag:$0x2], $0x80, s16, s17, $0xb8;
	[tilespmem:$0x1A900] =	vst v63  }
0x5f: {  	_ =	swait.ge [sflag:s15], $0x2800  }
0x60: {  	s21 =	sadd.s32 $0x1, s21;
	[sflag:s15] =	ssyncset.done $0x0  }
0x61: {  	p0 =	sne.s32 s21, s11;
	[sflag:s15] =	ssyncadd.s32 $0xFFFFD800  }
.Ltmp2:
0x62: {  	s31 =	sshrl.u32 s5, $0x3;
	[bflag:$0x0] =	sbarrier.arrive $0xFFFF;
	(pc) =	sbr.rel @p0 .LBB2_1-.Ltmp2, $4  }
0x63: {  	[hbm:s10], [sflag:s20] =	dma.local [spmem:s31], $0x2800  }
0x64: {  	_ =	swait.ge [sflag:s15], $0x2800  }
0x65: {  	[sflag:s15] =	ssyncset.done $0x0  }
0x66: {  	[sflag:s15] =	ssyncadd.s32 $0xFFFFD800  }
0x67: {  	_ =	sfence.sel $0x180000  }
0x68: {  	[bflag:$0x0] =	sbarrier.arrive $0xFFFF  }
0x69: {  	p0 =	sne.s32 s0, $0x0;
	_ =	strace $0x9000004A  }
0x6a: {  	s0 =	sadd.s32 @!p0 $0x100000, s2;
	[bflag:$0x2] =	sbarrier.arrive $0xFFFF  }
0x6b: {  	[sflag:s0] =	ssyncadd.tile.s32 @!p0 $0x1;
	_ =	shalt  }
.Lfunc_end2:
_tile_overlayer_lowered:
.L_overlay_start_2:
0x6c: {  	(tag) =	ssettag $0x2  }
0x6d: {  	s0 =	rddreg [dreg:$0x0];
	s2 =	stileid.u32  }
0x6e: {  	s1 =	rddreg [dreg:$0x1];
	p0 =	sne.s32 s2, $0x0  }
0x6f: {  	s3 =	rddreg [dreg:$0x2];
	[bflag:$0x3] =	sbarrier.arrive $0xFFFF;
	s2 =	simm.s32 @!p0 $0x1C02  }
0x70: {  	[timem:s3], [sflag:s2] =	dma.local @!p0 [hbm:s0], s1  }
0x71: {  	s0 =	simm.s32 @!p0 $0x2  }
0x72: {  	_ =	swait.ge @!p0 [sflag:s0], s1  }
0x73: {  	s1 =	ssub.s32 @!p0 $0x0, s1;
	[sflag:s0] =	ssyncset.done @!p0 $0x0  }
0x74: {  	[sflag:s0] =	ssyncadd.s32 @!p0 s1  }
0x75: {  	[bflag:$0x3] =	sbarrier.arrive $0xFFFF  }
0x76: {  	_ =	shalt  }

// kernel: kernel.22.cloned.1.call-start
scs
__scs_entry_jumppad:
0x0: {  	(pc) =	sbr.rel $0x88, $3  }
0x1: {  	(tag) =	ssettag $0x0;
	lr =	simm.s32 $0x1  }
0x2: {  	[smem:$0x3F92] =	sst lr;
	_ =	strace $0xD0000000  }
0x3: {  	_ = 	snop  }
0x4: {  	_ = 	snop  }
0x5: {  	_ = 	snop  }
0x6: {  	_ = 	snop  }
0x7: {  	_ = 	snop  }
__scs_overlays_trampoline_lowered:
0x8: {  	[smem:$0x3FA1] =	sst s0  }
0x9: {  	[smem:$0x3FA2] =	sst s1  }
0xa: {  	[smem:$0x3FA3] =	sst s2  }
0xb: {  	[smem:$0x3FA4] =	sst s3  }
0xc: {  	[smem:$0x3FA5] =	sst s4  }
0xd: {  	[smem:$0x3FA6] =	sst s5  }
0xe: {  	[smem:$0x3FA7] =	sst s6  }
0xf: {  	[smem:$0x3FA8] =	sst s7  }
0x10: {  	[smem:$0x3FA9] =	sst s8  }
0x11: {  	[smem:$0x3FAA] =	sst s9;
	s0 =	simm.s32 @!p0 $0x0  }
0x12: {  	s1 =	sld [smem:$0x3F90];
	s0 =	simm.s32 @p0 $0x1  }
0x13: {  	[smem:$0x3FAB] =	sst s0;
	s0 =	simm.s32 @!p1 $0x0  }
0x14: {  	s2 =	sld [smem:$0x3F8F];
	s0 =	simm.s32 @p1 $0x1  }
0x15: {  	[smem:$0x3FAC] =	sst s0;
	s0 =	simm.s32 @!p2 $0x0  }
0x16: {  	s3 =	sld [smem:$0x3FDB];
	s0 =	simm.s32 @p2 $0x1  }
0x17: {  	s4 =	simm.s32 $0x1BF5;
	[smem:$0x3FAE] =	sst s0  }
0x18: {  	s0 =	sld [smem:$0x3F91];
	_ =	swait.ge [sflag:s4], $0x0  }
0x19: {  	s7 =	sld [smem:$0x3F92]  }
0x1a: {  	s8 =	sadd.s32 $0xFFFFE003, lr  }
0x1b: {  	s9 =	sadd.s32 $0xFFFFFEF7, lr;
	s5 =	simm.s32 $0xFFFFFFFF;
	p2 =	slt.u32 s8, $0xFFFFF086  }
0x1c: {  	p1 =	slt.u32 s9, $0xF7A;
	s5 =	simm.s32 @!p2 $0x0  }
0x1d: {  	s5 =	simm.s32 @p1 $0x1;
	p0 =	seq.s32 s7, s2  }
0x1e: {  	s7 =	smul.u32 @!p0 $0xF7A, s2;
	p2 =	seq.s32 @!p0 s5, $0x0  }
0x1f: {  	s9 =	smul.u32 $0xF7A, s1;
	s8 =	simm.s32 @!p0 $0x1BF5;
	p2 =	por !p2, p0  }
0x20: {  	[sflag:s8] =	ssyncset.s32 @!p0 $0xFFFFF086;
	s6 =	sadd.s32 @!p0 s3, s7;
	s7 =	simm.s32 @!p0 $0x108  }
0x21: {  	s3 =	sadd.s32 s3, s9;
	s6 =	sadd.s32 @!p0 $0x88, s6;
	s7 =	simm.s32 @p2 $0x1082  }
0x22: {  	[simem:s7], [sflag:s8] =	dma.local @!p0 [hbm:s6], $0xF7A  }
0x23: {  	s9 =	sor.u32 $0xD0000000, s2;
	s6 =	simm.s32 $0x108;
	_ =	swait.ge @!p0 [sflag:s8], $0x0  }
0x24: {  	s3 =	sadd.s32 $0x88, s3;
	s6 =	simm.s32 @!p1 $0x1082;
	[sflag:s4] =	ssyncset.s32 $0xFFFFF086  }
0x25: {  	[simem:s6], [sflag:s4] =	dma.local [hbm:s3], $0xF7A  }
0x26: {  	[smem:$0x3F92] =	sst s1;
	(tag) =	ssettag s2;
	_ =	strace s9  }
0x27: {  	s1 =	sld [smem:$0x3FA2]  }
0x28: {  	s2 =	sld [smem:$0x3FA3]  }
0x29: {  	s4 =	sld [smem:$0x3FA5]  }
0x2a: {  	p0 =	seq.s32 s5, $0x0;
	s5 =	sld [smem:$0x3FA6]  }
0x2b: {  	s6 =	sld [smem:$0x3FA7]  }
0x2c: {  	s7 =	sld [smem:$0x3FA8]  }
0x2d: {  	s3 =	simm.s32 $0x108;
	s8 =	sld [smem:$0x3FA9]  }
0x2e: {  	s3 =	simm.s32 @!p0 $0x1082;
	s9 =	sld [smem:$0x3FAA]  }
0x2f: {  	lr =	sadd.s32 s0, s3;
	s0 =	sld [smem:$0x3FA1]  }
0x30: {  	s3 =	sld [smem:$0x3FA4]  }
0x31: {  	[smem:$0x3FAD] =	sst s10  }
0x32: {  	s10 =	sld [smem:$0x3FAB];
	_ =	sdelay $0x3  }
0x33: {  	p0 =	seq.s32 s10, $0x1;
	s10 =	sld [smem:$0x3FAD];
	_ =	sdelay $0x3  }
0x34: {  	[smem:$0x3FAD] =	sst s10  }
0x35: {  	s10 =	sld [smem:$0x3FAC];
	_ =	sdelay $0x3  }
0x36: {  	p1 =	seq.s32 s10, $0x1;
	s10 =	sld [smem:$0x3FAD];
	_ =	sdelay $0x3  }
0x37: {  	[smem:$0x3FAD] =	sst s10  }
0x38: {  	s10 =	sld [smem:$0x3FAE]  }
0x39: {  	_ = 	snop;
	(pc) =	sbr.ind lr, $3  }
0x3a: {  	_ = 	snop  }
0x3b: {  	_ = 	snop  }
0x3c: {  	p2 =	seq.s32 s10, $0x1;
	s10 =	sld [smem:$0x3FAD]  }
0x3d: {  	_ =	shalt  }
0x3e: {  	_ =	shalt  }
0x3f: {  	_ =	shalt  }
0x40: {  	_ =	shalt  }
0x41: {  	_ =	shalt  }
0x42: {  	_ =	shalt  }
0x43: {  	_ =	shalt  }
0x44: {  	_ =	shalt  }
0x45: {  	_ =	shalt  }
0x46: {  	_ =	shalt  }
0x47: {  	_ =	shalt  }
0x48: {  	_ =	shalt  }
0x49: {  	_ =	shalt  }
0x4a: {  	_ =	shalt  }
0x4b: {  	_ =	shalt  }
0x4c: {  	_ =	shalt  }
0x4d: {  	_ =	shalt  }
0x4e: {  	_ =	shalt  }
0x4f: {  	_ =	shalt  }
0x50: {  	_ =	shalt  }
0x51: {  	_ =	shalt  }
0x52: {  	_ =	shalt  }
0x53: {  	_ =	shalt  }
0x54: {  	_ =	shalt  }
0x55: {  	_ =	shalt  }
0x56: {  	_ =	shalt  }
0x57: {  	_ =	shalt  }
0x58: {  	_ =	shalt  }
0x59: {  	_ =	shalt  }
0x5a: {  	_ =	shalt  }
0x5b: {  	_ =	shalt  }
0x5c: {  	_ =	shalt  }
0x5d: {  	_ =	shalt  }
0x5e: {  	_ =	shalt  }
0x5f: {  	_ =	shalt  }
0x60: {  	_ =	shalt  }
0x61: {  	_ =	shalt  }
0x62: {  	_ =	shalt  }
0x63: {  	_ =	shalt  }
0x64: {  	_ =	shalt  }
0x65: {  	_ =	shalt  }
0x66: {  	_ =	shalt  }
0x67: {  	_ =	shalt  }
0x68: {  	_ =	shalt  }
0x69: {  	_ =	shalt  }
0x6a: {  	_ =	shalt  }
0x6b: {  	_ =	shalt  }
0x6c: {  	_ =	shalt  }
0x6d: {  	_ =	shalt  }
0x6e: {  	_ =	shalt  }
0x6f: {  	_ =	shalt  }
0x70: {  	_ =	shalt  }
0x71: {  	_ =	shalt  }
0x72: {  	_ =	shalt  }
0x73: {  	_ =	shalt  }
0x74: {  	_ =	shalt  }
0x75: {  	_ =	shalt  }
0x76: {  	_ =	shalt  }
0x77: {  	_ =	shalt  }
0x78: {  	_ =	shalt  }
0x79: {  	_ =	shalt  }
0x7a: {  	_ =	shalt  }
0x7b: {  	_ =	shalt  }
0x7c: {  	_ =	shalt  }
0x7d: {  	_ =	shalt  }
0x7e: {  	_ =	shalt  }
0x7f: {  	_ =	shalt  }
0x80: {  	_ =	shalt  }
0x81: {  	_ =	shalt  }
0x82: {  	_ =	shalt  }
0x83: {  	_ =	shalt  }
0x84: {  	_ =	shalt  }
0x85: {  	_ =	shalt  }
0x86: {  	_ =	shalt  }
0x87: {  	_ =	shalt  }
.Lfunc_end0:
.L_simem_size_0:
called_computation.2_lowered:
.L_overlay_start_0:
0x88: {  	s2 =	sld [smem:$0x3FD9]  }
0x89: {  	s3 =	sld [smem:$0x3FFE];
	_ =	sdelay $0x1  }
0x8a: {  	s1 =	srdreg.scid  }
0x8b: {  	s0 =	sand.u32 $0x1, s1  }
0x8c: {  	s17 =	sshll.u32 s0, $0xA;
	s2 =	sadd.s32 s3, s2  }
0x8d: {  	s2 =	sadd.s32 s2, s17  }
0x8e: {  	[smem:$0x3FB9] =	sst s2  }
0x8f: {  	_ = 	snop  }
0x90: {  	s2 =	sld [smem:$0x3FD0];
	(tm) =	ssettm $0x1  }
0x91: {  	s18 =	sld [smem:$0x3FFB];
	_ =	sdelay $0x3  }
0x92: {  	_ =	strace s18  }
0x93: {  	s3 =	sld [smem:$0x3FFC];
	_ =	sdelay $0x3  }
0x94: {  	_ =	strace s3  }
0x95: {  	s3 =	sld [smem:$0x3FFD];
	_ =	sdelay $0x3  }
0x96: {  	_ =	strace s3  }
0x97: {  	_ =	strace $0x8FFFFFFF  }
0x98: {  	s19 =	sld [smem:$0x3FDB];
	_ =	sdelay $0x1  }
0x99: {  	s4 =	simm.s32 $_scs_section_size  }
0x9a: {  	s5 =	simm.s32 $_size__tile_overlayer_lowered;
	s6 =	simm.s32 $_tile_overlayer_lowered  }
0x9b: {  	s22 =	simm.s32 $0x1BFF;
	s21 =	sshll.u32 s6, $0x1;
	s3 =	sadd.s32 s4, s19  }
0x9c: {  	s7 =	simm.s32 $0x0;
	s20 =	sshll.u32 s5, $0x1;
	s5 =	sadd.s32 s21, s3  }
0x9d: {  	[timem:s7], [sflag:s22] =	dma.local [hbm:s5], s20  }
0x9e: {  	_ =	swait.ge [sflag:s22], s20  }
0x9f: {  	s4 =	ssub.s32 $0x0, s20;
	[sflag:s22] =	ssyncset.done $0x0  }
0xa0: {  	[sflag:s22] =	ssyncadd.s32 s4;
	_ =	sdelay $0x1  }
0xa1: {  	s23 =	simm.s32 $0x1B8B  }
0xa2: {  	_ =	swait.ge [sflag:s23], $0x1  }
0xa3: {  	[sflag:s23] =	ssyncset.done $0x0  }
0xa4: {  	s25 =	simm.s32 $0x1B8E;
	s24 =	sld [smem:$0x3FFE];
	[sflag:s23] =	ssyncadd.s32 $0xFFFFFFFF  }
0xa5: {  	s26 =	simm.s32 $execute0_lowered;
	[smem:$0x3FD2] =	sst s25  }
0xa6: {  	s5 =	sshll.u32 s26, $0x1;
	_ =	strace $0x8000004C;
	[dreg:$0x1] =	wrdreg $0xFFFFFFFF  }
0xa7: {  	s28 =	simm.s32 $_size_execute0_lowered;
	s3 =	sadd.s32 s3, s5;
	[dreg:$0x0] =	wrdreg $0x0  }
0xa8: {  	s5 =	sshll.u32 s28, $0x1;
	[dreg:$0x2] =	wrdreg s3  }
0xa9: {  	[dreg:$0x3] =	wrdreg s5  }
0xaa: {  	[dreg:$0x4] =	wrdreg $0xC0  }
0xab: {  	_ =	task [dreg:s7], $0x5FFFF  }
0xac: {  	[dreg:$0x1] =	wrdreg $0xFFFFFFFF  }
0xad: {  	[dreg:$0x0] =	wrdreg $0x60  }
0xae: {  	[dreg:$0x2] =	wrdreg s2  }
0xaf: {  	[dreg:$0x3] =	wrdreg s24  }
0xb0: {  	[dreg:$0x4] =	wrdreg $0x69000  }
0xb1: {  	[dreg:$0x5] =	wrdreg $0x9  }
0xb2: {  	_ =	task.clear_ibuf [dreg:s7], $0x6FFFF;
	_ =	strace $0x9000004C  }
0xb3: {  	s29 =	simm.s32 $0x9;
	_ =	strace $0x8000004E  }
0xb4: {  	_ =	swait.ge [sflag:s29], $0x1  }
0xb5: {  	[sflag:s29] =	ssyncadd.s32 $0xFFFFFFFF  }
0xb6: {  	_ =	strace $0x9000004E  }
0xb7: {  	_ =	sfence  }
0xb8: {  	s30 =	sld [smem:$0x0];
	_ =	sdelay $0x2  }
0xb9: {  	s31 =	sshll.u32 s1, $0xD;
	s1 =	sshrl.u32 s1, $0x2  }
0xba: {  	s3 =	sand.u32 $0x4000, s31;
	s1 =	sadd.s32 s1, s30  }
0xbb: {  	s0 =	sor.u32 s3, s0;
	s1 =	sshll.u32 s1, $0x11  }
0xbc: {  	s0 =	sor.u32 s1, s0  }
0xbd: {  	s0 =	sadd.s32 $0x8F2B, s0  }
0xbe: {  	[sflag:s0] =	ssyncadd.remote.s32 $0x1  }
0xbf: {  	_ =	sfence.sel $0xFFFF  }
0xc0: {  	[dreg:$0x0] =	wrdreg $0xFFFFFFFF;
	(pc) =	sbr.abs _section_cstart, $3  }
0xc1: {  	[dreg:$0x1] =	wrdreg $0xFFFFFFFF  }
0xc2: {  	_ =	task.clear_ibuf [dreg:s7], $0x2FFFF;
	_ =	strace $0x9FFFFFFF  }
0xc3: {  	(tm) =	ssettm $0x7FFFFFFF  }
tec
execute0_lowered:
.L_overlay_start_1:
0x0: {  	(tag) =	ssettag $0x1  }
0x1: {  	s1 =	rddreg [dreg:$0x0]  }
0x2: {  	s5 =	rddreg [dreg:$0x1]  }
0x3: {  	s0 =	srdreg.scid;
	s3 =	rddreg [dreg:$0x2]  }
0x4: {  	s2 =	rddreg [dreg:$0x3];
	s6 =	sand.u32 $0x1, s0  }
0x5: {  	s4 =	simm.s32 $0x0;
	s0 =	stileid.u32;
	s7 =	smul.u32 $0x27100, s6  }
0x6: {  	s14 =	simm.s32 $0x2900;
	s15 =	simm.s32 $0x2;
	s8 =	smul.u32 $0x2710, s0  }
0x7: {  	s16 =	simm.s32 $0x80;
	s17 =	simm.s32 $0x50;
	s9 =	smul.u32 $0x2800, s0  }
0x8: {  	s18 =	simm.s32 $0x100;
	s19 =	simm.s32 $0x1;
	s26 =	smul.u32 $0x28000, s6  }
0x9: {  	s21 =	simm.s32 $0x0;
	[smem:$0x7FF] =	sst s4;
	s10 =	smul.u32 $0x50000, s0  }
0xa: {  	_ =	strace $0x8000004D;
	s6 =	ssub.s32 $0x2, s6;
	s20 =	sshll.u32 s0, $0x6  }
0xb: {  	s31 =	sshrl.u32 s6, $0x1;
	s20 =	sor.u32 $0x1C02, s20;
	s7 =	sadd.s32 s8, s7  }
0xc: {  	s28 =	sadd.s32 s9, s26;
	s29 =	sshrl.u32 s10, $0x2;
	s11 =	ssub.s32 s6, s31  }
0xd: {  	s7 =	sshrl.u32 s7, $0x3;
	s30 =	sadd.s32 s28, s5;
	s11 =	smax.u32 s11, $0x1  }
0xe: {  	s13 =	sadd.s32 s7, s5;
	s5 =	sadd.s32 s29, s3;
	s10 =	sadd.s32 $0x69400, s30  }
0xf: {  	s6 =	sadd.s32 $0x4000, s5;
	s7 =	sadd.s32 $0x8000, s5;
	s8 =	sadd.s32 $0xC000, s5  }
0x10: {  	v0 =	vimm.f32 $0.0e+00;
	s9 =	sadd.s32 $0x10000, s5;
	s12 =	sadd.s32 $0xF600, s13;
	s13 =	sadd.s32 $0x5800, s13  }
.LBB2_1:
0x11: {  	s22 =	sand.u32 $0xFE00, s4  }
0x12: {  	s23 =	sand.u32 $0x70, s4;
	s24 =	sshrl.u32 s22, $0x2  }
0x13: {  	s22 =	simm.s32 $0x40;
	s24 =	sor.u32 s23, s24;
	s23 =	simm.s32 $0x0  }
.LBB2_2:
0x14: {  	p0 =	sne.s32 s22, $0xFFC0  }
0x15: {  	[tilespmem:s24+$0x2900] =	vst v0;
	s23 =	sadd.s32 $0x10, s23;
	s24 =	smov.u32 s22;
	s22 =	sadd.s32 $0x40, s22  }
.Ltmp0:
0x16: {  	(pc) =	sbr.rel @p0 .LBB2_2-.Ltmp0, $4  }
0x17: {  	_ = 	snop  }
0x18: {  	s24 =	sand.u32 $0xFE00, s24  }
0x19: {  	s25 =	sand.u32 $0x70, s23;
	s24 =	sshrl.u32 s24, $0x2  }
0x1a: {  	s24 =	sor.u32 s25, s24  }
0x1b: {  	[tilespmem:s24+$0x2900] =	vst v0  }
0x1c: {  	[spmem:s5] =	stream.linear.scatter [tilespmem:s14], [sflag:$0x2], $0x4000, $0x38;
	[tilespmem:$0x1A900] =	vst v63  }
0x1d: {  	_ =	swait.ge [sflag:s15], $0x4000  }
0x1e: {  	[sflag:s15] =	ssyncset.done $0x0  }
0x1f: {  	[sflag:s15] =	ssyncadd.s32 $0xFFFFC000  }
0x20: {  	[spmem:s6] =	stream.linear.scatter [tilespmem:s14], [sflag:$0x2], $0x4000, $0x38;
	[tilespmem:$0x1A900] =	vst v63  }
0x21: {  	_ =	swait.ge [sflag:s15], $0x4000  }
0x22: {  	[sflag:s15] =	ssyncset.done $0x0  }
0x23: {  	[sflag:s15] =	ssyncadd.s32 $0xFFFFC000  }
0x24: {  	[spmem:s7] =	stream.linear.scatter [tilespmem:s14], [sflag:$0x2], $0x4000, $0x38;
	[tilespmem:$0x1A900] =	vst v63  }
0x25: {  	_ =	swait.ge [sflag:s15], $0x4000  }
0x26: {  	[sflag:s15] =	ssyncset.done $0x0  }
0x27: {  	[sflag:s15] =	ssyncadd.s32 $0xFFFFC000  }
0x28: {  	[spmem:s8] =	stream.linear.scatter [tilespmem:s14], [sflag:$0x2], $0x4000, $0x38;
	[tilespmem:$0x1A900] =	vst v63  }
0x29: {  	_ =	swait.ge [sflag:s15], $0x4000  }
0x2a: {  	[sflag:s15] =	ssyncset.done $0x0  }
0x2b: {  	[sflag:s15] =	ssyncadd.s32 $0xFFFFC000  }
0x2c: {  	[spmem:s9] =	stream.linear.scatter [tilespmem:s14], [sflag:$0x2], $0x4000, $0x38;
	[tilespmem:$0x1A900] =	vst v63  }
0x2d: {  	_ =	swait.ge [sflag:s15], $0x4000  }
0x2e: {  	[sflag:s15] =	ssyncset.done $0x0  }
0x2f: {  	[sflag:s15] =	ssyncadd.s32 $0xFFFFC000  }
0x30: {  	s22 =	sadd.s32 $0x0, s13;
	[bflag:$0x0] =	sbarrier.arrive $0xFFFF  }
0x31: {  	[tilespmem:s4], [sflag:$0x2] =	stream.linear.gather [hbm4b:s22+s4], $0x50, $0x38;
	[tilespmem:$0x1A900] =	vst v63  }
0x32: {  	_ =	swait.ge [sflag:s15], $0x50  }
0x33: {  	[sflag:s15] =	ssyncset.done $0x0  }
0x34: {  	s31 =	sadd.s32 $0x0, s12;
	[sflag:s15] =	ssyncadd.s32 $0xFFFFFFB0  }
0x35: {  	[tilespmem:s16], [sflag:$0x2] =	stream.linear.gather [hbm4b:s31+s4], $0x50, $0x38;
	[tilespmem:$0x1A900] =	vst v63  }
0x36: {  	_ =	swait.ge [sflag:s15], $0x50  }
0x37: {  	[sflag:s15] =	ssyncset.done $0x0  }
0x38: {  	[sflag:s15] =	ssyncadd.s32 $0xFFFFFFB0  }
0x39: {  	[tilespmem:s18], [sflag:$0x1] =	stream.indirect.gather [hbm4b:s1+s17], $0x80, s4, s17, $0xb8;
	[tilespmem:$0x1A900] =	vst v63  }
0x3a: {  	_ =	swait.ge [sflag:s19], $0x2800  }
0x3b: {  	[sflag:s19] =	ssyncset.done $0x0  }
0x3c: {  	[sflag:s19] =	ssyncadd.s32 $0xFFFFD800  }
0x3d: {  	[spmem:s3] =	stream.indirect.scatter.add.f32 [tilespmem:s18], [sflag:$0x2], $0x80, s16, s17, $0xb8;
	[tilespmem:$0x1A900] =	vst v63  }
0x3e: {  	_ =	swait.ge [sflag:s15], $0x2800  }
0x3f: {  	s23 =	simm.s32 $0x14;
	s22 =	simm.s32 $0xA;
	[sflag:s15] =	ssyncset.done $0x0  }
.LBB2_4:
0x40: {  	s24 =	sadd.s32 s22, s13  }
0x41: {  	[sflag:s15] =	ssyncadd.s32 $0xFFFFD800;
	s25 =	smov.u32 s23;
	s26 =	sadd.s32 $0xA, s23  }
0x42: {  	[tilespmem:s4], [sflag:$0x2] =	stream.linear.gather [hbm4b:s24+s4], $0x50, $0x38;
	[tilespmem:$0x1A900] =	vst v63  }
0x43: {  	p0 =	sne.s32 s23, $0x4D8;
	_ =	swait.ge [sflag:s15], $0x50  }
0x44: {  	[sflag:s15] =	ssyncset.done $0x0  }
0x45: {  	s23 =	sadd.s32 s22, s12;
	s22 =	smov.u32 s25;
	[sflag:s15] =	ssyncadd.s32 $0xFFFFFFB0  }
0x46: {  	[tilespmem:s16], [sflag:$0x2] =	stream.linear.gather [hbm4b:s23+s4], $0x50, $0x38;
	[tilespmem:$0x1A900] =	vst v63  }
0x47: {  	_ =	swait.ge [sflag:s15], $0x50  }
0x48: {  	[sflag:s15] =	ssyncset.done $0x0  }
0x49: {  	[sflag:s15] =	ssyncadd.s32 $0xFFFFFFB0  }
0x4a: {  	[tilespmem:s18], [sflag:$0x1] =	stream.indirect.gather [hbm4b:s1+s17], $0x80, s4, s17, $0xb8;
	[tilespmem:$0x1A900] =	vst v63  }
0x4b: {  	_ =	swait.ge [sflag:s19], $0x2800  }
.Ltmp1:
0x4c: {  	[sflag:s19] =	ssyncset.done $0x0;
	(pc) =	sbr.rel @p0 .LBB2_4-.Ltmp1, $4  }
0x4d: {  	[sflag:s19] =	ssyncadd.s32 $0xFFFFD800  }
0x4e: {  	[spmem:s3] =	stream.indirect.scatter.add.f32 [tilespmem:s18], [sflag:$0x2], $0x80, s16, s17, $0xb8;
	[tilespmem:$0x1A900] =	vst v63  }
0x4f: {  	_ =	swait.ge [sflag:s15], $0x2800  }
0x50: {  	s23 =	smov.u32 s26;
	[sflag:s15] =	ssyncset.done $0x0  }
0x51: {  	s23 =	sadd.s32 s22, s13;
	[sflag:s15] =	ssyncadd.s32 $0xFFFFD800  }
0x52: {  	[tilespmem:s4], [sflag:$0x2] =	stream.linear.gather [hbm4b:s23+s4], $0x50, $0x38;
	[tilespmem:$0x1A900] =	vst v63  }
0x53: {  	_ =	swait.ge [sflag:s15], $0x50  }
0x54: {  	[sflag:s15] =	ssyncset.done $0x0  }
0x55: {  	s30 =	sadd.s32 s22, s12;
	[sflag:s15] =	ssyncadd.s32 $0xFFFFFFB0  }
0x56: {  	[tilespmem:s16], [sflag:$0x2] =	stream.linear.gather [hbm4b:s30+s4], $0x50, $0x38;
	[tilespmem:$0x1A900] =	vst v63  }
0x57: {  	_ =	swait.ge [sflag:s15], $0x50  }
0x58: {  	[sflag:s15] =	ssyncset.done $0x0  }
0x59: {  	[sflag:s15] =	ssyncadd.s32 $0xFFFFFFB0  }
0x5a: {  	[tilespmem:s18], [sflag:$0x1] =	stream.indirect.gather [hbm4b:s1+s17], $0x80, s4, s17, $0xb8;
	[tilespmem:$0x1A900] =	vst v63  }
0x5b: {  	_ =	swait.ge [sflag:s19], $0x2800  }
0x5c: {  	[sflag:s19] =	ssyncset.done $0x0  }
0x5d: {  	[sflag:s19] =	ssyncadd.s32 $0xFFFFD800  }
0x5e: {  	[spmem:s3] =	stream.indirect.scatter.add.f32 [tilespmem:s18], [sflag:$0x2], $0x80, s16, s17, $0xb8;
	[tilespmem:$0x1A900] =	vst v63  }
0x5f: {  	_ =	swait.ge [sflag:s15], $0x2800  }
0x60: {  	s21 =	sadd.s32 $0x1, s21;
	[sflag:s15] =	ssyncset.done $0x0  }
0x61: {  	p0 =	sne.s32 s21, s11;
	[sflag:s15] =	ssyncadd.s32 $0xFFFFD800  }
.Ltmp2:
0x62: {  	s31 =	sshrl.u32 s5, $0x3;
	[bflag:$0x0] =	sbarrier.arrive $0xFFFF;
	(pc) =	sbr.rel @p0 .LBB2_1-.Ltmp2, $4  }
0x63: {  	[hbm:s10], [sflag:s20] =	dma.local [spmem:s31], $0x2800  }
0x64: {  	_ =	swait.ge [sflag:s15], $0x2800  }
0x65: {  	[sflag:s15] =	ssyncset.done $0x0  }
0x66: {  	[sflag:s15] =	ssyncadd.s32 $0xFFFFD800  }
0x67: {  	_ =	sfence.sel $0x180000  }
0x68: {  	[bflag:$0x0] =	sbarrier.arrive $0xFFFF  }
0x69: {  	p0 =	sne.s32 s0, $0x0;
	_ =	strace $0x9000004D  }
0x6a: {  	s0 =	sadd.s32 @!p0 $0x100000, s2;
	[bflag:$0x2] =	sbarrier.arrive $0xFFFF  }
0x6b: {  	[sflag:s0] =	ssyncadd.tile.s32 @!p0 $0x1;
	_ =	shalt  }
.Lfunc_end2:
_tile_overlayer_lowered:
.L_overlay_start_2:
0x6c: {  	(tag) =	ssettag $0x2  }
0x6d: {  	s0 =	rddreg [dreg:$0x0];
	s2 =	stileid.u32  }
0x6e: {  	s1 =	rddreg [dreg:$0x1];
	p0 =	sne.s32 s2, $0x0  }
0x6f: {  	s3 =	rddreg [dreg:$0x2];
	[bflag:$0x3] =	sbarrier.arrive $0xFFFF;
	s2 =	simm.s32 @!p0 $0x1C02  }
0x70: {  	[timem:s3], [sflag:s2] =	dma.local @!p0 [hbm:s0], s1  }
0x71: {  	s0 =	simm.s32 @!p0 $0x2  }
0x72: {  	_ =	swait.ge @!p0 [sflag:s0], s1  }
0x73: {  	s1 =	ssub.s32 @!p0 $0x0, s1;
	[sflag:s0] =	ssyncset.done @!p0 $0x0  }
0x74: {  	[sflag:s0] =	ssyncadd.s32 @!p0 s1  }
0x75: {  	[bflag:$0x3] =	sbarrier.arrive $0xFFFF  }
0x76: {  	_ =	shalt  }

// kernel: kernel.25.cloned.1.call-start
scs
__scs_entry_jumppad:
0x0: {  	(pc) =	sbr.rel $0x88, $3  }
0x1: {  	(tag) =	ssettag $0x0;
	lr =	simm.s32 $0x1  }
0x2: {  	[smem:$0x3F92] =	sst lr;
	_ =	strace $0xD0000000  }
0x3: {  	_ = 	snop  }
0x4: {  	_ = 	snop  }
0x5: {  	_ = 	snop  }
0x6: {  	_ = 	snop  }
0x7: {  	_ = 	snop  }
__scs_overlays_trampoline_lowered:
0x8: {  	[smem:$0x3FA1] =	sst s0  }
0x9: {  	[smem:$0x3FA2] =	sst s1  }
0xa: {  	[smem:$0x3FA3] =	sst s2  }
0xb: {  	[smem:$0x3FA4] =	sst s3  }
0xc: {  	[smem:$0x3FA5] =	sst s4  }
0xd: {  	[smem:$0x3FA6] =	sst s5  }
0xe: {  	[smem:$0x3FA7] =	sst s6  }
0xf: {  	[smem:$0x3FA8] =	sst s7  }
0x10: {  	[smem:$0x3FA9] =	sst s8  }
0x11: {  	[smem:$0x3FAA] =	sst s9;
	s0 =	simm.s32 @!p0 $0x0  }
0x12: {  	s1 =	sld [smem:$0x3F90];
	s0 =	simm.s32 @p0 $0x1  }
0x13: {  	[smem:$0x3FAB] =	sst s0;
	s0 =	simm.s32 @!p1 $0x0  }
0x14: {  	s2 =	sld [smem:$0x3F8F];
	s0 =	simm.s32 @p1 $0x1  }
0x15: {  	[smem:$0x3FAC] =	sst s0;
	s0 =	simm.s32 @!p2 $0x0  }
0x16: {  	s3 =	sld [smem:$0x3FDB];
	s0 =	simm.s32 @p2 $0x1  }
0x17: {  	s4 =	simm.s32 $0x1BF5;
	[smem:$0x3FAE] =	sst s0  }
0x18: {  	s0 =	sld [smem:$0x3F91];
	_ =	swait.ge [sflag:s4], $0x0  }
0x19: {  	s7 =	sld [smem:$0x3F92]  }
0x1a: {  	s8 =	sadd.s32 $0xFFFFE003, lr  }
0x1b: {  	s9 =	sadd.s32 $0xFFFFFEF7, lr;
	s5 =	simm.s32 $0xFFFFFFFF;
	p2 =	slt.u32 s8, $0xFFFFF086  }
0x1c: {  	p1 =	slt.u32 s9, $0xF7A;
	s5 =	simm.s32 @!p2 $0x0  }
0x1d: {  	s5 =	simm.s32 @p1 $0x1;
	p0 =	seq.s32 s7, s2  }
0x1e: {  	s7 =	smul.u32 @!p0 $0xF7A, s2;
	p2 =	seq.s32 @!p0 s5, $0x0  }
0x1f: {  	s9 =	smul.u32 $0xF7A, s1;
	s8 =	simm.s32 @!p0 $0x1BF5;
	p2 =	por !p2, p0  }
0x20: {  	[sflag:s8] =	ssyncset.s32 @!p0 $0xFFFFF086;
	s6 =	sadd.s32 @!p0 s3, s7;
	s7 =	simm.s32 @!p0 $0x108  }
0x21: {  	s3 =	sadd.s32 s3, s9;
	s6 =	sadd.s32 @!p0 $0x88, s6;
	s7 =	simm.s32 @p2 $0x1082  }
0x22: {  	[simem:s7], [sflag:s8] =	dma.local @!p0 [hbm:s6], $0xF7A  }
0x23: {  	s9 =	sor.u32 $0xD0000000, s2;
	s6 =	simm.s32 $0x108;
	_ =	swait.ge @!p0 [sflag:s8], $0x0  }
0x24: {  	s3 =	sadd.s32 $0x88, s3;
	s6 =	simm.s32 @!p1 $0x1082;
	[sflag:s4] =	ssyncset.s32 $0xFFFFF086  }
0x25: {  	[simem:s6], [sflag:s4] =	dma.local [hbm:s3], $0xF7A  }
0x26: {  	[smem:$0x3F92] =	sst s1;
	(tag) =	ssettag s2;
	_ =	strace s9  }
0x27: {  	s1 =	sld [smem:$0x3FA2]  }
0x28: {  	s2 =	sld [smem:$0x3FA3]  }
0x29: {  	s4 =	sld [smem:$0x3FA5]  }
0x2a: {  	p0 =	seq.s32 s5, $0x0;
	s5 =	sld [smem:$0x3FA6]  }
0x2b: {  	s6 =	sld [smem:$0x3FA7]  }
0x2c: {  	s7 =	sld [smem:$0x3FA8]  }
0x2d: {  	s3 =	simm.s32 $0x108;
	s8 =	sld [smem:$0x3FA9]  }
0x2e: {  	s3 =	simm.s32 @!p0 $0x1082;
	s9 =	sld [smem:$0x3FAA]  }
0x2f: {  	lr =	sadd.s32 s0, s3;
	s0 =	sld [smem:$0x3FA1]  }
0x30: {  	s3 =	sld [smem:$0x3FA4]  }
0x31: {  	[smem:$0x3FAD] =	sst s10  }
0x32: {  	s10 =	sld [smem:$0x3FAB];
	_ =	sdelay $0x3  }
0x33: {  	p0 =	seq.s32 s10, $0x1;
	s10 =	sld [smem:$0x3FAD];
	_ =	sdelay $0x3  }
0x34: {  	[smem:$0x3FAD] =	sst s10  }
0x35: {  	s10 =	sld [smem:$0x3FAC];
	_ =	sdelay $0x3  }
0x36: {  	p1 =	seq.s32 s10, $0x1;
	s10 =	sld [smem:$0x3FAD];
	_ =	sdelay $0x3  }
0x37: {  	[smem:$0x3FAD] =	sst s10  }
0x38: {  	s10 =	sld [smem:$0x3FAE]  }
0x39: {  	_ = 	snop;
	(pc) =	sbr.ind lr, $3  }
0x3a: {  	_ = 	snop  }
0x3b: {  	_ = 	snop  }
0x3c: {  	p2 =	seq.s32 s10, $0x1;
	s10 =	sld [smem:$0x3FAD]  }
0x3d: {  	_ =	shalt  }
0x3e: {  	_ =	shalt  }
0x3f: {  	_ =	shalt  }
0x40: {  	_ =	shalt  }
0x41: {  	_ =	shalt  }
0x42: {  	_ =	shalt  }
0x43: {  	_ =	shalt  }
0x44: {  	_ =	shalt  }
0x45: {  	_ =	shalt  }
0x46: {  	_ =	shalt  }
0x47: {  	_ =	shalt  }
0x48: {  	_ =	shalt  }
0x49: {  	_ =	shalt  }
0x4a: {  	_ =	shalt  }
0x4b: {  	_ =	shalt  }
0x4c: {  	_ =	shalt  }
0x4d: {  	_ =	shalt  }
0x4e: {  	_ =	shalt  }
0x4f: {  	_ =	shalt  }
0x50: {  	_ =	shalt  }
0x51: {  	_ =	shalt  }
0x52: {  	_ =	shalt  }
0x53: {  	_ =	shalt  }
0x54: {  	_ =	shalt  }
0x55: {  	_ =	shalt  }
0x56: {  	_ =	shalt  }
0x57: {  	_ =	shalt  }
0x58: {  	_ =	shalt  }
0x59: {  	_ =	shalt  }
0x5a: {  	_ =	shalt  }
0x5b: {  	_ =	shalt  }
0x5c: {  	_ =	shalt  }
0x5d: {  	_ =	shalt  }
0x5e: {  	_ =	shalt  }
0x5f: {  	_ =	shalt  }
0x60: {  	_ =	shalt  }
0x61: {  	_ =	shalt  }
0x62: {  	_ =	shalt  }
0x63: {  	_ =	shalt  }
0x64: {  	_ =	shalt  }
0x65: {  	_ =	shalt  }
0x66: {  	_ =	shalt  }
0x67: {  	_ =	shalt  }
0x68: {  	_ =	shalt  }
0x69: {  	_ =	shalt  }
0x6a: {  	_ =	shalt  }
0x6b: {  	_ =	shalt  }
0x6c: {  	_ =	shalt  }
0x6d: {  	_ =	shalt  }
0x6e: {  	_ =	shalt  }
0x6f: {  	_ =	shalt  }
0x70: {  	_ =	shalt  }
0x71: {  	_ =	shalt  }
0x72: {  	_ =	shalt  }
0x73: {  	_ =	shalt  }
0x74: {  	_ =	shalt  }
0x75: {  	_ =	shalt  }
0x76: {  	_ =	shalt  }
0x77: {  	_ =	shalt  }
0x78: {  	_ =	shalt  }
0x79: {  	_ =	shalt  }
0x7a: {  	_ =	shalt  }
0x7b: {  	_ =	shalt  }
0x7c: {  	_ =	shalt  }
0x7d: {  	_ =	shalt  }
0x7e: {  	_ =	shalt  }
0x7f: {  	_ =	shalt  }
0x80: {  	_ =	shalt  }
0x81: {  	_ =	shalt  }
0x82: {  	_ =	shalt  }
0x83: {  	_ =	shalt  }
0x84: {  	_ =	shalt  }
0x85: {  	_ =	shalt  }
0x86: {  	_ =	shalt  }
0x87: {  	_ =	shalt  }
.Lfunc_end0:
.L_simem_size_0:
called_computation.3_lowered:
.L_overlay_start_0:
0x88: {  	s2 =	sld [smem:$0x3FD9]  }
0x89: {  	s3 =	sld [smem:$0x3FFE];
	_ =	sdelay $0x1  }
0x8a: {  	s1 =	srdreg.scid  }
0x8b: {  	s0 =	sand.u32 $0x1, s1  }
0x8c: {  	s17 =	sshll.u32 s0, $0xA;
	s2 =	sadd.s32 s3, s2  }
0x8d: {  	s2 =	sadd.s32 s2, s17  }
0x8e: {  	[smem:$0x3FB9] =	sst s2  }
0x8f: {  	_ = 	snop  }
0x90: {  	s2 =	sld [smem:$0x3FD0];
	(tm) =	ssettm $0x1  }
0x91: {  	s18 =	sld [smem:$0x3FFB];
	_ =	sdelay $0x3  }
0x92: {  	_ =	strace s18  }
0x93: {  	s3 =	sld [smem:$0x3FFC];
	_ =	sdelay $0x3  }
0x94: {  	_ =	strace s3  }
0x95: {  	s3 =	sld [smem:$0x3FFD];
	_ =	sdelay $0x3  }
0x96: {  	_ =	strace s3  }
0x97: {  	_ =	strace $0x8FFFFFFF  }
0x98: {  	s19 =	sld [smem:$0x3FDB];
	_ =	sdelay $0x1  }
0x99: {  	s4 =	simm.s32 $_scs_section_size  }
0x9a: {  	s5 =	simm.s32 $_size__tile_overlayer_lowered;
	s6 =	simm.s32 $_tile_overlayer_lowered  }
0x9b: {  	s22 =	simm.s32 $0x1BFF;
	s21 =	sshll.u32 s6, $0x1;
	s3 =	sadd.s32 s4, s19  }
0x9c: {  	s7 =	simm.s32 $0x0;
	s20 =	sshll.u32 s5, $0x1;
	s5 =	sadd.s32 s21, s3  }
0x9d: {  	[timem:s7], [sflag:s22] =	dma.local [hbm:s5], s20  }
0x9e: {  	_ =	swait.ge [sflag:s22], s20  }
0x9f: {  	s4 =	ssub.s32 $0x0, s20;
	[sflag:s22] =	ssyncset.done $0x0  }
0xa0: {  	[sflag:s22] =	ssyncadd.s32 s4;
	_ =	sdelay $0x1  }
0xa1: {  	s23 =	simm.s32 $0x1B8B  }
0xa2: {  	_ =	swait.ge [sflag:s23], $0x1  }
0xa3: {  	[sflag:s23] =	ssyncset.done $0x0  }
0xa4: {  	s25 =	simm.s32 $0x1B8E;
	s24 =	sld [smem:$0x3FFE];
	[sflag:s23] =	ssyncadd.s32 $0xFFFFFFFF  }
0xa5: {  	s26 =	simm.s32 $execute0_lowered;
	[smem:$0x3FD2] =	sst s25  }
0xa6: {  	s5 =	sshll.u32 s26, $0x1;
	_ =	strace $0x8000004F;
	[dreg:$0x1] =	wrdreg $0xFFFFFFFF  }
0xa7: {  	s28 =	simm.s32 $_size_execute0_lowered;
	s3 =	sadd.s32 s3, s5;
	[dreg:$0x0] =	wrdreg $0x0  }
0xa8: {  	s5 =	sshll.u32 s28, $0x1;
	[dreg:$0x2] =	wrdreg s3  }
0xa9: {  	[dreg:$0x3] =	wrdreg s5  }
0xaa: {  	[dreg:$0x4] =	wrdreg $0xC0  }
0xab: {  	_ =	task [dreg:s7], $0x5FFFF  }
0xac: {  	[dreg:$0x1] =	wrdreg $0xFFFFFFFF  }
0xad: {  	[dreg:$0x0] =	wrdreg $0x60  }
0xae: {  	[dreg:$0x2] =	wrdreg s2  }
0xaf: {  	[dreg:$0x3] =	wrdreg s24  }
0xb0: {  	[dreg:$0x4] =	wrdreg $0x69000  }
0xb1: {  	[dreg:$0x5] =	wrdreg $0x9  }
0xb2: {  	_ =	task.clear_ibuf [dreg:s7], $0x6FFFF;
	_ =	strace $0x9000004F  }
0xb3: {  	s29 =	simm.s32 $0x9;
	_ =	strace $0x80000051  }
0xb4: {  	_ =	swait.ge [sflag:s29], $0x1  }
0xb5: {  	[sflag:s29] =	ssyncadd.s32 $0xFFFFFFFF  }
0xb6: {  	_ =	strace $0x90000051  }
0xb7: {  	_ =	sfence  }
0xb8: {  	s30 =	sld [smem:$0x0];
	_ =	sdelay $0x2  }
0xb9: {  	s31 =	sshll.u32 s1, $0xD;
	s1 =	sshrl.u32 s1, $0x2  }
0xba: {  	s3 =	sand.u32 $0x4000, s31;
	s1 =	sadd.s32 s1, s30  }
0xbb: {  	s0 =	sor.u32 s3, s0;
	s1 =	sshll.u32 s1, $0x11  }
0xbc: {  	s0 =	sor.u32 s1, s0  }
0xbd: {  	s0 =	sadd.s32 $0x8F2B, s0  }
0xbe: {  	[sflag:s0] =	ssyncadd.remote.s32 $0x1  }
0xbf: {  	_ =	sfence.sel $0xFFFF  }
0xc0: {  	[dreg:$0x0] =	wrdreg $0xFFFFFFFF;
	(pc) =	sbr.abs _section_cstart, $3  }
0xc1: {  	[dreg:$0x1] =	wrdreg $0xFFFFFFFF  }
0xc2: {  	_ =	task.clear_ibuf [dreg:s7], $0x2FFFF;
	_ =	strace $0x9FFFFFFF  }
0xc3: {  	(tm) =	ssettm $0x7FFFFFFF  }
tec
execute0_lowered:
.L_overlay_start_1:
0x0: {  	(tag) =	ssettag $0x1  }
0x1: {  	s1 =	rddreg [dreg:$0x0]  }
0x2: {  	s5 =	rddreg [dreg:$0x1]  }
0x3: {  	s0 =	srdreg.scid;
	s3 =	rddreg [dreg:$0x2]  }
0x4: {  	s2 =	rddreg [dreg:$0x3];
	s6 =	sand.u32 $0x1, s0  }
0x5: {  	s4 =	simm.s32 $0x0;
	s0 =	stileid.u32;
	s7 =	smul.u32 $0x27100, s6  }
0x6: {  	s14 =	simm.s32 $0x2900;
	s15 =	simm.s32 $0x2;
	s8 =	smul.u32 $0x2710, s0  }
0x7: {  	s16 =	simm.s32 $0x80;
	s17 =	simm.s32 $0x50;
	s9 =	smul.u32 $0x2800, s0  }
0x8: {  	s18 =	simm.s32 $0x100;
	s19 =	simm.s32 $0x1;
	s26 =	smul.u32 $0x28000, s6  }
0x9: {  	s21 =	simm.s32 $0x0;
	[smem:$0x7FF] =	sst s4;
	s10 =	smul.u32 $0x50000, s0  }
0xa: {  	_ =	strace $0x80000050;
	s6 =	ssub.s32 $0x2, s6;
	s20 =	sshll.u32 s0, $0x6  }
0xb: {  	s31 =	sshrl.u32 s6, $0x1;
	s20 =	sor.u32 $0x1C02, s20;
	s7 =	sadd.s32 s8, s7  }
0xc: {  	s28 =	sadd.s32 s9, s26;
	s29 =	sshrl.u32 s10, $0x2;
	s11 =	ssub.s32 s6, s31  }
0xd: {  	s7 =	sshrl.u32 s7, $0x3;
	s30 =	sadd.s32 s28, s5;
	s11 =	smax.u32 s11, $0x1  }
0xe: {  	s13 =	sadd.s32 s7, s5;
	s5 =	sadd.s32 s29, s3;
	s10 =	sadd.s32 $0x69400, s30  }
0xf: {  	s6 =	sadd.s32 $0x4000, s5;
	s7 =	sadd.s32 $0x8000, s5;
	s8 =	sadd.s32 $0xC000, s5  }
0x10: {  	v0 =	vimm.f32 $0.0e+00;
	s9 =	sadd.s32 $0x10000, s5;
	s12 =	sadd.s32 $0xF600, s13;
	s13 =	sadd.s32 $0x5800, s13  }
.LBB2_1:
0x11: {  	s22 =	sand.u32 $0xFE00, s4  }
0x12: {  	s23 =	sand.u32 $0x70, s4;
	s24 =	sshrl.u32 s22, $0x2  }
0x13: {  	s22 =	simm.s32 $0x40;
	s24 =	sor.u32 s23, s24;
	s23 =	simm.s32 $0x0  }
.LBB2_2:
0x14: {  	p0 =	sne.s32 s22, $0xFFC0  }
0x15: {  	[tilespmem:s24+$0x2900] =	vst v0;
	s23 =	sadd.s32 $0x10, s23;
	s24 =	smov.u32 s22;
	s22 =	sadd.s32 $0x40, s22  }
.Ltmp0:
0x16: {  	(pc) =	sbr.rel @p0 .LBB2_2-.Ltmp0, $4  }
0x17: {  	_ = 	snop  }
0x18: {  	s24 =	sand.u32 $0xFE00, s24  }
0x19: {  	s25 =	sand.u32 $0x70, s23;
	s24 =	sshrl.u32 s24, $0x2  }
0x1a: {  	s24 =	sor.u32 s25, s24  }
0x1b: {  	[tilespmem:s24+$0x2900] =	vst v0  }
0x1c: {  	[spmem:s5] =	stream.linear.scatter [tilespmem:s14], [sflag:$0x2], $0x4000, $0x38;
	[tilespmem:$0x1A900] =	vst v63  }
0x1d: {  	_ =	swait.ge [sflag:s15], $0x4000  }
0x1e: {  	[sflag:s15] =	ssyncset.done $0x0  }
0x1f: {  	[sflag:s15] =	ssyncadd.s32 $0xFFFFC000  }
0x20: {  	[spmem:s6] =	stream.linear.scatter [tilespmem:s14], [sflag:$0x2], $0x4000, $0x38;
	[tilespmem:$0x1A900] =	vst v63  }
0x21: {  	_ =	swait.ge [sflag:s15], $0x4000  }
0x22: {  	[sflag:s15] =	ssyncset.done $0x0  }
0x23: {  	[sflag:s15] =	ssyncadd.s32 $0xFFFFC000  }
0x24: {  	[spmem:s7] =	stream.linear.scatter [tilespmem:s14], [sflag:$0x2], $0x4000, $0x38;
	[tilespmem:$0x1A900] =	vst v63  }
0x25: {  	_ =	swait.ge [sflag:s15], $0x4000  }
0x26: {  	[sflag:s15] =	ssyncset.done $0x0  }
0x27: {  	[sflag:s15] =	ssyncadd.s32 $0xFFFFC000  }
0x28: {  	[spmem:s8] =	stream.linear.scatter [tilespmem:s14], [sflag:$0x2], $0x4000, $0x38;
	[tilespmem:$0x1A900] =	vst v63  }
0x29: {  	_ =	swait.ge [sflag:s15], $0x4000  }
0x2a: {  	[sflag:s15] =	ssyncset.done $0x0  }
0x2b: {  	[sflag:s15] =	ssyncadd.s32 $0xFFFFC000  }
0x2c: {  	[spmem:s9] =	stream.linear.scatter [tilespmem:s14], [sflag:$0x2], $0x4000, $0x38;
	[tilespmem:$0x1A900] =	vst v63  }
0x2d: {  	_ =	swait.ge [sflag:s15], $0x4000  }
0x2e: {  	[sflag:s15] =	ssyncset.done $0x0  }
0x2f: {  	[sflag:s15] =	ssyncadd.s32 $0xFFFFC000  }
0x30: {  	s22 =	sadd.s32 $0x0, s13;
	[bflag:$0x0] =	sbarrier.arrive $0xFFFF  }
0x31: {  	[tilespmem:s4], [sflag:$0x2] =	stream.linear.gather [hbm4b:s22+s4], $0x50, $0x38;
	[tilespmem:$0x1A900] =	vst v63  }
0x32: {  	_ =	swait.ge [sflag:s15], $0x50  }
0x33: {  	[sflag:s15] =	ssyncset.done $0x0  }
0x34: {  	s31 =	sadd.s32 $0x0, s12;
	[sflag:s15] =	ssyncadd.s32 $0xFFFFFFB0  }
0x35: {  	[tilespmem:s16], [sflag:$0x2] =	stream.linear.gather [hbm4b:s31+s4], $0x50, $0x38;
	[tilespmem:$0x1A900] =	vst v63  }
0x36: {  	_ =	swait.ge [sflag:s15], $0x50  }
0x37: {  	[sflag:s15] =	ssyncset.done $0x0  }
0x38: {  	[sflag:s15] =	ssyncadd.s32 $0xFFFFFFB0  }
0x39: {  	[tilespmem:s18], [sflag:$0x1] =	stream.indirect.gather [hbm4b:s1+s17], $0x80, s4, s17, $0xb8;
	[tilespmem:$0x1A900] =	vst v63  }
0x3a: {  	_ =	swait.ge [sflag:s19], $0x2800  }
0x3b: {  	[sflag:s19] =	ssyncset.done $0x0  }
0x3c: {  	[sflag:s19] =	ssyncadd.s32 $0xFFFFD800  }
0x3d: {  	[spmem:s3] =	stream.indirect.scatter.add.f32 [tilespmem:s18], [sflag:$0x2], $0x80, s16, s17, $0xb8;
	[tilespmem:$0x1A900] =	vst v63  }
0x3e: {  	_ =	swait.ge [sflag:s15], $0x2800  }
0x3f: {  	s23 =	simm.s32 $0x14;
	s22 =	simm.s32 $0xA;
	[sflag:s15] =	ssyncset.done $0x0  }
.LBB2_4:
0x40: {  	s24 =	sadd.s32 s22, s13  }
0x41: {  	[sflag:s15] =	ssyncadd.s32 $0xFFFFD800;
	s25 =	smov.u32 s23;
	s26 =	sadd.s32 $0xA, s23  }
0x42: {  	[tilespmem:s4], [sflag:$0x2] =	stream.linear.gather [hbm4b:s24+s4], $0x50, $0x38;
	[tilespmem:$0x1A900] =	vst v63  }
0x43: {  	p0 =	sne.s32 s23, $0x4D8;
	_ =	swait.ge [sflag:s15], $0x50  }
0x44: {  	[sflag:s15] =	ssyncset.done $0x0  }
0x45: {  	s23 =	sadd.s32 s22, s12;
	s22 =	smov.u32 s25;
	[sflag:s15] =	ssyncadd.s32 $0xFFFFFFB0  }
0x46: {  	[tilespmem:s16], [sflag:$0x2] =	stream.linear.gather [hbm4b:s23+s4], $0x50, $0x38;
	[tilespmem:$0x1A900] =	vst v63  }
0x47: {  	_ =	swait.ge [sflag:s15], $0x50  }
0x48: {  	[sflag:s15] =	ssyncset.done $0x0  }
0x49: {  	[sflag:s15] =	ssyncadd.s32 $0xFFFFFFB0  }
0x4a: {  	[tilespmem:s18], [sflag:$0x1] =	stream.indirect.gather [hbm4b:s1+s17], $0x80, s4, s17, $0xb8;
	[tilespmem:$0x1A900] =	vst v63  }
0x4b: {  	_ =	swait.ge [sflag:s19], $0x2800  }
.Ltmp1:
0x4c: {  	[sflag:s19] =	ssyncset.done $0x0;
	(pc) =	sbr.rel @p0 .LBB2_4-.Ltmp1, $4  }
0x4d: {  	[sflag:s19] =	ssyncadd.s32 $0xFFFFD800  }
0x4e: {  	[spmem:s3] =	stream.indirect.scatter.add.f32 [tilespmem:s18], [sflag:$0x2], $0x80, s16, s17, $0xb8;
	[tilespmem:$0x1A900] =	vst v63  }
0x4f: {  	_ =	swait.ge [sflag:s15], $0x2800  }
0x50: {  	s23 =	smov.u32 s26;
	[sflag:s15] =	ssyncset.done $0x0  }
0x51: {  	s23 =	sadd.s32 s22, s13;
	[sflag:s15] =	ssyncadd.s32 $0xFFFFD800  }
0x52: {  	[tilespmem:s4], [sflag:$0x2] =	stream.linear.gather [hbm4b:s23+s4], $0x50, $0x38;
	[tilespmem:$0x1A900] =	vst v63  }
0x53: {  	_ =	swait.ge [sflag:s15], $0x50  }
0x54: {  	[sflag:s15] =	ssyncset.done $0x0  }
0x55: {  	s30 =	sadd.s32 s22, s12;
	[sflag:s15] =	ssyncadd.s32 $0xFFFFFFB0  }
0x56: {  	[tilespmem:s16], [sflag:$0x2] =	stream.linear.gather [hbm4b:s30+s4], $0x50, $0x38;
	[tilespmem:$0x1A900] =	vst v63  }
0x57: {  	_ =	swait.ge [sflag:s15], $0x50  }
0x58: {  	[sflag:s15] =	ssyncset.done $0x0  }
0x59: {  	[sflag:s15] =	ssyncadd.s32 $0xFFFFFFB0  }
0x5a: {  	[tilespmem:s18], [sflag:$0x1] =	stream.indirect.gather [hbm4b:s1+s17], $0x80, s4, s17, $0xb8;
	[tilespmem:$0x1A900] =	vst v63  }
0x5b: {  	_ =	swait.ge [sflag:s19], $0x2800  }
0x5c: {  	[sflag:s19] =	ssyncset.done $0x0  }
0x5d: {  	[sflag:s19] =	ssyncadd.s32 $0xFFFFD800  }
0x5e: {  	[spmem:s3] =	stream.indirect.scatter.add.f32 [tilespmem:s18], [sflag:$0x2], $0x80, s16, s17, $0xb8;
	[tilespmem:$0x1A900] =	vst v63  }
0x5f: {  	_ =	swait.ge [sflag:s15], $0x2800  }
0x60: {  	s21 =	sadd.s32 $0x1, s21;
	[sflag:s15] =	ssyncset.done $0x0  }
0x61: {  	p0 =	sne.s32 s21, s11;
	[sflag:s15] =	ssyncadd.s32 $0xFFFFD800  }
.Ltmp2:
0x62: {  	s31 =	sshrl.u32 s5, $0x3;
	[bflag:$0x0] =	sbarrier.arrive $0xFFFF;
	(pc) =	sbr.rel @p0 .LBB2_1-.Ltmp2, $4  }
0x63: {  	[hbm:s10], [sflag:s20] =	dma.local [spmem:s31], $0x2800  }
0x64: {  	_ =	swait.ge [sflag:s15], $0x2800  }
0x65: {  	[sflag:s15] =	ssyncset.done $0x0  }
0x66: {  	[sflag:s15] =	ssyncadd.s32 $0xFFFFD800  }
0x67: {  	_ =	sfence.sel $0x180000  }
0x68: {  	[bflag:$0x0] =	sbarrier.arrive $0xFFFF  }
0x69: {  	p0 =	sne.s32 s0, $0x0;
	_ =	strace $0x90000050  }
0x6a: {  	s0 =	sadd.s32 @!p0 $0x100000, s2;
	[bflag:$0x2] =	sbarrier.arrive $0xFFFF  }
0x6b: {  	[sflag:s0] =	ssyncadd.tile.s32 @!p0 $0x1;
	_ =	shalt  }
.Lfunc_end2:
_tile_overlayer_lowered:
.L_overlay_start_2:
0x6c: {  	(tag) =	ssettag $0x2  }
0x6d: {  	s0 =	rddreg [dreg:$0x0];
	s2 =	stileid.u32  }
0x6e: {  	s1 =	rddreg [dreg:$0x1];
	p0 =	sne.s32 s2, $0x0  }
0x6f: {  	s3 =	rddreg [dreg:$0x2];
	[bflag:$0x3] =	sbarrier.arrive $0xFFFF;
	s2 =	simm.s32 @!p0 $0x1C02  }
0x70: {  	[timem:s3], [sflag:s2] =	dma.local @!p0 [hbm:s0], s1  }
0x71: {  	s0 =	simm.s32 @!p0 $0x2  }
0x72: {  	_ =	swait.ge @!p0 [sflag:s0], s1  }
0x73: {  	s1 =	ssub.s32 @!p0 $0x0, s1;
	[sflag:s0] =	ssyncset.done @!p0 $0x0  }
0x74: {  	[sflag:s0] =	ssyncadd.s32 @!p0 s1  }
0x75: {  	[bflag:$0x3] =	sbarrier.arrive $0xFFFF  }
0x76: {  	_ =	shalt  }

// kernel: kernel.28.cloned.1.call-start
scs
__scs_entry_jumppad:
0x0: {  	(pc) =	sbr.rel $0x88, $3  }
0x1: {  	(tag) =	ssettag $0x0;
	lr =	simm.s32 $0x1  }
0x2: {  	[smem:$0x3F92] =	sst lr;
	_ =	strace $0xD0000000  }
0x3: {  	_ = 	snop  }
0x4: {  	_ = 	snop  }
0x5: {  	_ = 	snop  }
0x6: {  	_ = 	snop  }
0x7: {  	_ = 	snop  }
__scs_overlays_trampoline_lowered:
0x8: {  	[smem:$0x3FA1] =	sst s0  }
0x9: {  	[smem:$0x3FA2] =	sst s1  }
0xa: {  	[smem:$0x3FA3] =	sst s2  }
0xb: {  	[smem:$0x3FA4] =	sst s3  }
0xc: {  	[smem:$0x3FA5] =	sst s4  }
0xd: {  	[smem:$0x3FA6] =	sst s5  }
0xe: {  	[smem:$0x3FA7] =	sst s6  }
0xf: {  	[smem:$0x3FA8] =	sst s7  }
0x10: {  	[smem:$0x3FA9] =	sst s8  }
0x11: {  	[smem:$0x3FAA] =	sst s9;
	s0 =	simm.s32 @!p0 $0x0  }
0x12: {  	s1 =	sld [smem:$0x3F90];
	s0 =	simm.s32 @p0 $0x1  }
0x13: {  	[smem:$0x3FAB] =	sst s0;
	s0 =	simm.s32 @!p1 $0x0  }
0x14: {  	s2 =	sld [smem:$0x3F8F];
	s0 =	simm.s32 @p1 $0x1  }
0x15: {  	[smem:$0x3FAC] =	sst s0;
	s0 =	simm.s32 @!p2 $0x0  }
0x16: {  	s3 =	sld [smem:$0x3FDB];
	s0 =	simm.s32 @p2 $0x1  }
0x17: {  	s4 =	simm.s32 $0x1BF5;
	[smem:$0x3FAE] =	sst s0  }
0x18: {  	s0 =	sld [smem:$0x3F91];
	_ =	swait.ge [sflag:s4], $0x0  }
0x19: {  	s7 =	sld [smem:$0x3F92]  }
0x1a: {  	s8 =	sadd.s32 $0xFFFFE003, lr  }
0x1b: {  	s9 =	sadd.s32 $0xFFFFFEF7, lr;
	s5 =	simm.s32 $0xFFFFFFFF;
	p2 =	slt.u32 s8, $0xFFFFF086  }
0x1c: {  	p1 =	slt.u32 s9, $0xF7A;
	s5 =	simm.s32 @!p2 $0x0  }
0x1d: {  	s5 =	simm.s32 @p1 $0x1;
	p0 =	seq.s32 s7, s2  }
0x1e: {  	s7 =	smul.u32 @!p0 $0xF7A, s2;
	p2 =	seq.s32 @!p0 s5, $0x0  }
0x1f: {  	s9 =	smul.u32 $0xF7A, s1;
	s8 =	simm.s32 @!p0 $0x1BF5;
	p2 =	por !p2, p0  }
0x20: {  	[sflag:s8] =	ssyncset.s32 @!p0 $0xFFFFF086;
	s6 =	sadd.s32 @!p0 s3, s7;
	s7 =	simm.s32 @!p0 $0x108  }
0x21: {  	s3 =	sadd.s32 s3, s9;
	s6 =	sadd.s32 @!p0 $0x88, s6;
	s7 =	simm.s32 @p2 $0x1082  }
0x22: {  	[simem:s7], [sflag:s8] =	dma.local @!p0 [hbm:s6], $0xF7A  }
0x23: {  	s9 =	sor.u32 $0xD0000000, s2;
	s6 =	simm.s32 $0x108;
	_ =	swait.ge @!p0 [sflag:s8], $0x0  }
0x24: {  	s3 =	sadd.s32 $0x88, s3;
	s6 =	simm.s32 @!p1 $0x1082;
	[sflag:s4] =	ssyncset.s32 $0xFFFFF086  }
0x25: {  	[simem:s6], [sflag:s4] =	dma.local [hbm:s3], $0xF7A  }
0x26: {  	[smem:$0x3F92] =	sst s1;
	(tag) =	ssettag s2;
	_ =	strace s9  }
0x27: {  	s1 =	sld [smem:$0x3FA2]  }
0x28: {  	s2 =	sld [smem:$0x3FA3]  }
0x29: {  	s4 =	sld [smem:$0x3FA5]  }
0x2a: {  	p0 =	seq.s32 s5, $0x0;
	s5 =	sld [smem:$0x3FA6]  }
0x2b: {  	s6 =	sld [smem:$0x3FA7]  }
0x2c: {  	s7 =	sld [smem:$0x3FA8]  }
0x2d: {  	s3 =	simm.s32 $0x108;
	s8 =	sld [smem:$0x3FA9]  }
0x2e: {  	s3 =	simm.s32 @!p0 $0x1082;
	s9 =	sld [smem:$0x3FAA]  }
0x2f: {  	lr =	sadd.s32 s0, s3;
	s0 =	sld [smem:$0x3FA1]  }
0x30: {  	s3 =	sld [smem:$0x3FA4]  }
0x31: {  	[smem:$0x3FAD] =	sst s10  }
0x32: {  	s10 =	sld [smem:$0x3FAB];
	_ =	sdelay $0x3  }
0x33: {  	p0 =	seq.s32 s10, $0x1;
	s10 =	sld [smem:$0x3FAD];
	_ =	sdelay $0x3  }
0x34: {  	[smem:$0x3FAD] =	sst s10  }
0x35: {  	s10 =	sld [smem:$0x3FAC];
	_ =	sdelay $0x3  }
0x36: {  	p1 =	seq.s32 s10, $0x1;
	s10 =	sld [smem:$0x3FAD];
	_ =	sdelay $0x3  }
0x37: {  	[smem:$0x3FAD] =	sst s10  }
0x38: {  	s10 =	sld [smem:$0x3FAE]  }
0x39: {  	_ = 	snop;
	(pc) =	sbr.ind lr, $3  }
0x3a: {  	_ = 	snop  }
0x3b: {  	_ = 	snop  }
0x3c: {  	p2 =	seq.s32 s10, $0x1;
	s10 =	sld [smem:$0x3FAD]  }
0x3d: {  	_ =	shalt  }
0x3e: {  	_ =	shalt  }
0x3f: {  	_ =	shalt  }
0x40: {  	_ =	shalt  }
0x41: {  	_ =	shalt  }
0x42: {  	_ =	shalt  }
0x43: {  	_ =	shalt  }
0x44: {  	_ =	shalt  }
0x45: {  	_ =	shalt  }
0x46: {  	_ =	shalt  }
0x47: {  	_ =	shalt  }
0x48: {  	_ =	shalt  }
0x49: {  	_ =	shalt  }
0x4a: {  	_ =	shalt  }
0x4b: {  	_ =	shalt  }
0x4c: {  	_ =	shalt  }
0x4d: {  	_ =	shalt  }
0x4e: {  	_ =	shalt  }
0x4f: {  	_ =	shalt  }
0x50: {  	_ =	shalt  }
0x51: {  	_ =	shalt  }
0x52: {  	_ =	shalt  }
0x53: {  	_ =	shalt  }
0x54: {  	_ =	shalt  }
0x55: {  	_ =	shalt  }
0x56: {  	_ =	shalt  }
0x57: {  	_ =	shalt  }
0x58: {  	_ =	shalt  }
0x59: {  	_ =	shalt  }
0x5a: {  	_ =	shalt  }
0x5b: {  	_ =	shalt  }
0x5c: {  	_ =	shalt  }
0x5d: {  	_ =	shalt  }
0x5e: {  	_ =	shalt  }
0x5f: {  	_ =	shalt  }
0x60: {  	_ =	shalt  }
0x61: {  	_ =	shalt  }
0x62: {  	_ =	shalt  }
0x63: {  	_ =	shalt  }
0x64: {  	_ =	shalt  }
0x65: {  	_ =	shalt  }
0x66: {  	_ =	shalt  }
0x67: {  	_ =	shalt  }
0x68: {  	_ =	shalt  }
0x69: {  	_ =	shalt  }
0x6a: {  	_ =	shalt  }
0x6b: {  	_ =	shalt  }
0x6c: {  	_ =	shalt  }
0x6d: {  	_ =	shalt  }
0x6e: {  	_ =	shalt  }
0x6f: {  	_ =	shalt  }
0x70: {  	_ =	shalt  }
0x71: {  	_ =	shalt  }
0x72: {  	_ =	shalt  }
0x73: {  	_ =	shalt  }
0x74: {  	_ =	shalt  }
0x75: {  	_ =	shalt  }
0x76: {  	_ =	shalt  }
0x77: {  	_ =	shalt  }
0x78: {  	_ =	shalt  }
0x79: {  	_ =	shalt  }
0x7a: {  	_ =	shalt  }
0x7b: {  	_ =	shalt  }
0x7c: {  	_ =	shalt  }
0x7d: {  	_ =	shalt  }
0x7e: {  	_ =	shalt  }
0x7f: {  	_ =	shalt  }
0x80: {  	_ =	shalt  }
0x81: {  	_ =	shalt  }
0x82: {  	_ =	shalt  }
0x83: {  	_ =	shalt  }
0x84: {  	_ =	shalt  }
0x85: {  	_ =	shalt  }
0x86: {  	_ =	shalt  }
0x87: {  	_ =	shalt  }
.Lfunc_end0:
.L_simem_size_0:
called_computation.4_lowered:
.L_overlay_start_0:
0x88: {  	s2 =	sld [smem:$0x3FD9]  }
0x89: {  	s3 =	sld [smem:$0x3FFE];
	_ =	sdelay $0x1  }
0x8a: {  	s1 =	srdreg.scid  }
0x8b: {  	s0 =	sand.u32 $0x1, s1  }
0x8c: {  	s17 =	sshll.u32 s0, $0xA;
	s2 =	sadd.s32 s3, s2  }
0x8d: {  	s2 =	sadd.s32 s2, s17  }
0x8e: {  	[smem:$0x3FB9] =	sst s2  }
0x8f: {  	_ = 	snop  }
0x90: {  	s2 =	sld [smem:$0x3FD0];
	(tm) =	ssettm $0x1  }
0x91: {  	s18 =	sld [smem:$0x3FFB];
	_ =	sdelay $0x3  }
0x92: {  	_ =	strace s18  }
0x93: {  	s3 =	sld [smem:$0x3FFC];
	_ =	sdelay $0x3  }
0x94: {  	_ =	strace s3  }
0x95: {  	s3 =	sld [smem:$0x3FFD];
	_ =	sdelay $0x3  }
0x96: {  	_ =	strace s3  }
0x97: {  	_ =	strace $0x8FFFFFFF  }
0x98: {  	s19 =	sld [smem:$0x3FDB];
	_ =	sdelay $0x1  }
0x99: {  	s4 =	simm.s32 $_scs_section_size  }
0x9a: {  	s5 =	simm.s32 $_size__tile_overlayer_lowered;
	s6 =	simm.s32 $_tile_overlayer_lowered  }
0x9b: {  	s22 =	simm.s32 $0x1BFF;
	s21 =	sshll.u32 s6, $0x1;
	s3 =	sadd.s32 s4, s19  }
0x9c: {  	s7 =	simm.s32 $0x0;
	s20 =	sshll.u32 s5, $0x1;
	s5 =	sadd.s32 s21, s3  }
0x9d: {  	[timem:s7], [sflag:s22] =	dma.local [hbm:s5], s20  }
0x9e: {  	_ =	swait.ge [sflag:s22], s20  }
0x9f: {  	s4 =	ssub.s32 $0x0, s20;
	[sflag:s22] =	ssyncset.done $0x0  }
0xa0: {  	[sflag:s22] =	ssyncadd.s32 s4;
	_ =	sdelay $0x1  }
0xa1: {  	s23 =	simm.s32 $0x1B8B  }
0xa2: {  	_ =	swait.ge [sflag:s23], $0x1  }
0xa3: {  	[sflag:s23] =	ssyncset.done $0x0  }
0xa4: {  	s25 =	simm.s32 $0x1B8E;
	s24 =	sld [smem:$0x3FFE];
	[sflag:s23] =	ssyncadd.s32 $0xFFFFFFFF  }
0xa5: {  	s26 =	simm.s32 $execute0_lowered;
	[smem:$0x3FD2] =	sst s25  }
0xa6: {  	s5 =	sshll.u32 s26, $0x1;
	_ =	strace $0x80000052;
	[dreg:$0x1] =	wrdreg $0xFFFFFFFF  }
0xa7: {  	s28 =	simm.s32 $_size_execute0_lowered;
	s3 =	sadd.s32 s3, s5;
	[dreg:$0x0] =	wrdreg $0x0  }
0xa8: {  	s5 =	sshll.u32 s28, $0x1;
	[dreg:$0x2] =	wrdreg s3  }
0xa9: {  	[dreg:$0x3] =	wrdreg s5  }
0xaa: {  	[dreg:$0x4] =	wrdreg $0xC0  }
0xab: {  	_ =	task [dreg:s7], $0x5FFFF  }
0xac: {  	[dreg:$0x1] =	wrdreg $0xFFFFFFFF  }
0xad: {  	[dreg:$0x0] =	wrdreg $0x60  }
0xae: {  	[dreg:$0x2] =	wrdreg s2  }
0xaf: {  	[dreg:$0x3] =	wrdreg s24  }
0xb0: {  	[dreg:$0x4] =	wrdreg $0x69000  }
0xb1: {  	[dreg:$0x5] =	wrdreg $0x9  }
0xb2: {  	_ =	task.clear_ibuf [dreg:s7], $0x6FFFF;
	_ =	strace $0x90000052  }
0xb3: {  	s29 =	simm.s32 $0x9;
	_ =	strace $0x80000054  }
0xb4: {  	_ =	swait.ge [sflag:s29], $0x1  }
0xb5: {  	[sflag:s29] =	ssyncadd.s32 $0xFFFFFFFF  }
0xb6: {  	_ =	strace $0x90000054  }
0xb7: {  	_ =	sfence  }
0xb8: {  	s30 =	sld [smem:$0x0];
	_ =	sdelay $0x2  }
0xb9: {  	s31 =	sshll.u32 s1, $0xD;
	s1 =	sshrl.u32 s1, $0x2  }
0xba: {  	s3 =	sand.u32 $0x4000, s31;
	s1 =	sadd.s32 s1, s30  }
0xbb: {  	s0 =	sor.u32 s3, s0;
	s1 =	sshll.u32 s1, $0x11  }
0xbc: {  	s0 =	sor.u32 s1, s0  }
0xbd: {  	s0 =	sadd.s32 $0x8F2B, s0  }
0xbe: {  	[sflag:s0] =	ssyncadd.remote.s32 $0x1  }
0xbf: {  	_ =	sfence.sel $0xFFFF  }
0xc0: {  	[dreg:$0x0] =	wrdreg $0xFFFFFFFF;
	(pc) =	sbr.abs _section_cstart, $3  }
0xc1: {  	[dreg:$0x1] =	wrdreg $0xFFFFFFFF  }
0xc2: {  	_ =	task.clear_ibuf [dreg:s7], $0x2FFFF;
	_ =	strace $0x9FFFFFFF  }
0xc3: {  	(tm) =	ssettm $0x7FFFFFFF  }
tec
execute0_lowered:
.L_overlay_start_1:
0x0: {  	(tag) =	ssettag $0x1  }
0x1: {  	s1 =	rddreg [dreg:$0x0]  }
0x2: {  	s5 =	rddreg [dreg:$0x1]  }
0x3: {  	s0 =	srdreg.scid;
	s3 =	rddreg [dreg:$0x2]  }
0x4: {  	s2 =	rddreg [dreg:$0x3];
	s6 =	sand.u32 $0x1, s0  }
0x5: {  	s4 =	simm.s32 $0x0;
	s0 =	stileid.u32;
	s7 =	smul.u32 $0x27100, s6  }
0x6: {  	s14 =	simm.s32 $0x2900;
	s15 =	simm.s32 $0x2;
	s8 =	smul.u32 $0x2710, s0  }
0x7: {  	s16 =	simm.s32 $0x80;
	s17 =	simm.s32 $0x50;
	s9 =	smul.u32 $0x2800, s0  }
0x8: {  	s18 =	simm.s32 $0x100;
	s19 =	simm.s32 $0x1;
	s26 =	smul.u32 $0x28000, s6  }
0x9: {  	s21 =	simm.s32 $0x0;
	[smem:$0x7FF] =	sst s4;
	s10 =	smul.u32 $0x50000, s0  }
0xa: {  	_ =	strace $0x80000053;
	s6 =	ssub.s32 $0x2, s6;
	s20 =	sshll.u32 s0, $0x6  }
0xb: {  	s31 =	sshrl.u32 s6, $0x1;
	s20 =	sor.u32 $0x1C02, s20;
	s7 =	sadd.s32 s8, s7  }
0xc: {  	s28 =	sadd.s32 s9, s26;
	s29 =	sshrl.u32 s10, $0x2;
	s11 =	ssub.s32 s6, s31  }
0xd: {  	s7 =	sshrl.u32 s7, $0x3;
	s30 =	sadd.s32 s28, s5;
	s11 =	smax.u32 s11, $0x1  }
0xe: {  	s13 =	sadd.s32 s7, s5;
	s5 =	sadd.s32 s29, s3;
	s10 =	sadd.s32 $0x69400, s30  }
0xf: {  	s6 =	sadd.s32 $0x4000, s5;
	s7 =	sadd.s32 $0x8000, s5;
	s8 =	sadd.s32 $0xC000, s5  }
0x10: {  	v0 =	vimm.f32 $0.0e+00;
	s9 =	sadd.s32 $0x10000, s5;
	s12 =	sadd.s32 $0xF600, s13;
	s13 =	sadd.s32 $0x5800, s13  }
.LBB2_1:
0x11: {  	s22 =	sand.u32 $0xFE00, s4  }
0x12: {  	s23 =	sand.u32 $0x70, s4;
	s24 =	sshrl.u32 s22, $0x2  }
0x13: {  	s22 =	simm.s32 $0x40;
	s24 =	sor.u32 s23, s24;
	s23 =	simm.s32 $0x0  }
.LBB2_2:
0x14: {  	p0 =	sne.s32 s22, $0xFFC0  }
0x15: {  	[tilespmem:s24+$0x2900] =	vst v0;
	s23 =	sadd.s32 $0x10, s23;
	s24 =	smov.u32 s22;
	s22 =	sadd.s32 $0x40, s22  }
.Ltmp0:
0x16: {  	(pc) =	sbr.rel @p0 .LBB2_2-.Ltmp0, $4  }
0x17: {  	_ = 	snop  }
0x18: {  	s24 =	sand.u32 $0xFE00, s24  }
0x19: {  	s25 =	sand.u32 $0x70, s23;
	s24 =	sshrl.u32 s24, $0x2  }
0x1a: {  	s24 =	sor.u32 s25, s24  }
0x1b: {  	[tilespmem:s24+$0x2900] =	vst v0  }
0x1c: {  	[spmem:s5] =	stream.linear.scatter [tilespmem:s14], [sflag:$0x2], $0x4000, $0x38;
	[tilespmem:$0x1A900] =	vst v63  }
0x1d: {  	_ =	swait.ge [sflag:s15], $0x4000  }
0x1e: {  	[sflag:s15] =	ssyncset.done $0x0  }
0x1f: {  	[sflag:s15] =	ssyncadd.s32 $0xFFFFC000  }
0x20: {  	[spmem:s6] =	stream.linear.scatter [tilespmem:s14], [sflag:$0x2], $0x4000, $0x38;
	[tilespmem:$0x1A900] =	vst v63  }
0x21: {  	_ =	swait.ge [sflag:s15], $0x4000  }
0x22: {  	[sflag:s15] =	ssyncset.done $0x0  }
0x23: {  	[sflag:s15] =	ssyncadd.s32 $0xFFFFC000  }
0x24: {  	[spmem:s7] =	stream.linear.scatter [tilespmem:s14], [sflag:$0x2], $0x4000, $0x38;
	[tilespmem:$0x1A900] =	vst v63  }
0x25: {  	_ =	swait.ge [sflag:s15], $0x4000  }
0x26: {  	[sflag:s15] =	ssyncset.done $0x0  }
0x27: {  	[sflag:s15] =	ssyncadd.s32 $0xFFFFC000  }
0x28: {  	[spmem:s8] =	stream.linear.scatter [tilespmem:s14], [sflag:$0x2], $0x4000, $0x38;
	[tilespmem:$0x1A900] =	vst v63  }
0x29: {  	_ =	swait.ge [sflag:s15], $0x4000  }
0x2a: {  	[sflag:s15] =	ssyncset.done $0x0  }
0x2b: {  	[sflag:s15] =	ssyncadd.s32 $0xFFFFC000  }
0x2c: {  	[spmem:s9] =	stream.linear.scatter [tilespmem:s14], [sflag:$0x2], $0x4000, $0x38;
	[tilespmem:$0x1A900] =	vst v63  }
0x2d: {  	_ =	swait.ge [sflag:s15], $0x4000  }
0x2e: {  	[sflag:s15] =	ssyncset.done $0x0  }
0x2f: {  	[sflag:s15] =	ssyncadd.s32 $0xFFFFC000  }
0x30: {  	s22 =	sadd.s32 $0x0, s13;
	[bflag:$0x0] =	sbarrier.arrive $0xFFFF  }
0x31: {  	[tilespmem:s4], [sflag:$0x2] =	stream.linear.gather [hbm4b:s22+s4], $0x50, $0x38;
	[tilespmem:$0x1A900] =	vst v63  }
0x32: {  	_ =	swait.ge [sflag:s15], $0x50  }
0x33: {  	[sflag:s15] =	ssyncset.done $0x0  }
0x34: {  	s31 =	sadd.s32 $0x0, s12;
	[sflag:s15] =	ssyncadd.s32 $0xFFFFFFB0  }
0x35: {  	[tilespmem:s16], [sflag:$0x2] =	stream.linear.gather [hbm4b:s31+s4], $0x50, $0x38;
	[tilespmem:$0x1A900] =	vst v63  }
0x36: {  	_ =	swait.ge [sflag:s15], $0x50  }
0x37: {  	[sflag:s15] =	ssyncset.done $0x0  }
0x38: {  	[sflag:s15] =	ssyncadd.s32 $0xFFFFFFB0  }
0x39: {  	[tilespmem:s18], [sflag:$0x1] =	stream.indirect.gather [hbm4b:s1+s17], $0x80, s4, s17, $0xb8;
	[tilespmem:$0x1A900] =	vst v63  }
0x3a: {  	_ =	swait.ge [sflag:s19], $0x2800  }
0x3b: {  	[sflag:s19] =	ssyncset.done $0x0  }
0x3c: {  	[sflag:s19] =	ssyncadd.s32 $0xFFFFD800  }
0x3d: {  	[spmem:s3] =	stream.indirect.scatter.add.f32 [tilespmem:s18], [sflag:$0x2], $0x80, s16, s17, $0xb8;
	[tilespmem:$0x1A900] =	vst v63  }
0x3e: {  	_ =	swait.ge [sflag:s15], $0x2800  }
0x3f: {  	s23 =	simm.s32 $0x14;
	s22 =	simm.s32 $0xA;
	[sflag:s15] =	ssyncset.done $0x0  }
.LBB2_4:
0x40: {  	s24 =	sadd.s32 s22, s13  }
0x41: {  	[sflag:s15] =	ssyncadd.s32 $0xFFFFD800;
	s25 =	smov.u32 s23;
	s26 =	sadd.s32 $0xA, s23  }
0x42: {  	[tilespmem:s4], [sflag:$0x2] =	stream.linear.gather [hbm4b:s24+s4], $0x50, $0x38;
	[tilespmem:$0x1A900] =	vst v63  }
0x43: {  	p0 =	sne.s32 s23, $0x4D8;
	_ =	swait.ge [sflag:s15], $0x50  }
0x44: {  	[sflag:s15] =	ssyncset.done $0x0  }
0x45: {  	s23 =	sadd.s32 s22, s12;
	s22 =	smov.u32 s25;
	[sflag:s15] =	ssyncadd.s32 $0xFFFFFFB0  }
0x46: {  	[tilespmem:s16], [sflag:$0x2] =	stream.linear.gather [hbm4b:s23+s4], $0x50, $0x38;
	[tilespmem:$0x1A900] =	vst v63  }
0x47: {  	_ =	swait.ge [sflag:s15], $0x50  }
0x48: {  	[sflag:s15] =	ssyncset.done $0x0  }
0x49: {  	[sflag:s15] =	ssyncadd.s32 $0xFFFFFFB0  }
0x4a: {  	[tilespmem:s18], [sflag:$0x1] =	stream.indirect.gather [hbm4b:s1+s17], $0x80, s4, s17, $0xb8;
	[tilespmem:$0x1A900] =	vst v63  }
0x4b: {  	_ =	swait.ge [sflag:s19], $0x2800  }
.Ltmp1:
0x4c: {  	[sflag:s19] =	ssyncset.done $0x0;
	(pc) =	sbr.rel @p0 .LBB2_4-.Ltmp1, $4  }
0x4d: {  	[sflag:s19] =	ssyncadd.s32 $0xFFFFD800  }
0x4e: {  	[spmem:s3] =	stream.indirect.scatter.add.f32 [tilespmem:s18], [sflag:$0x2], $0x80, s16, s17, $0xb8;
	[tilespmem:$0x1A900] =	vst v63  }
0x4f: {  	_ =	swait.ge [sflag:s15], $0x2800  }
0x50: {  	s23 =	smov.u32 s26;
	[sflag:s15] =	ssyncset.done $0x0  }
0x51: {  	s23 =	sadd.s32 s22, s13;
	[sflag:s15] =	ssyncadd.s32 $0xFFFFD800  }
0x52: {  	[tilespmem:s4], [sflag:$0x2] =	stream.linear.gather [hbm4b:s23+s4], $0x50, $0x38;
	[tilespmem:$0x1A900] =	vst v63  }
0x53: {  	_ =	swait.ge [sflag:s15], $0x50  }
0x54: {  	[sflag:s15] =	ssyncset.done $0x0  }
0x55: {  	s30 =	sadd.s32 s22, s12;
	[sflag:s15] =	ssyncadd.s32 $0xFFFFFFB0  }
0x56: {  	[tilespmem:s16], [sflag:$0x2] =	stream.linear.gather [hbm4b:s30+s4], $0x50, $0x38;
	[tilespmem:$0x1A900] =	vst v63  }
0x57: {  	_ =	swait.ge [sflag:s15], $0x50  }
0x58: {  	[sflag:s15] =	ssyncset.done $0x0  }
0x59: {  	[sflag:s15] =	ssyncadd.s32 $0xFFFFFFB0  }
0x5a: {  	[tilespmem:s18], [sflag:$0x1] =	stream.indirect.gather [hbm4b:s1+s17], $0x80, s4, s17, $0xb8;
	[tilespmem:$0x1A900] =	vst v63  }
0x5b: {  	_ =	swait.ge [sflag:s19], $0x2800  }
0x5c: {  	[sflag:s19] =	ssyncset.done $0x0  }
0x5d: {  	[sflag:s19] =	ssyncadd.s32 $0xFFFFD800  }
0x5e: {  	[spmem:s3] =	stream.indirect.scatter.add.f32 [tilespmem:s18], [sflag:$0x2], $0x80, s16, s17, $0xb8;
	[tilespmem:$0x1A900] =	vst v63  }
0x5f: {  	_ =	swait.ge [sflag:s15], $0x2800  }
0x60: {  	s21 =	sadd.s32 $0x1, s21;
	[sflag:s15] =	ssyncset.done $0x0  }
0x61: {  	p0 =	sne.s32 s21, s11;
	[sflag:s15] =	ssyncadd.s32 $0xFFFFD800  }
.Ltmp2:
0x62: {  	s31 =	sshrl.u32 s5, $0x3;
	[bflag:$0x0] =	sbarrier.arrive $0xFFFF;
	(pc) =	sbr.rel @p0 .LBB2_1-.Ltmp2, $4  }
0x63: {  	[hbm:s10], [sflag:s20] =	dma.local [spmem:s31], $0x2800  }
0x64: {  	_ =	swait.ge [sflag:s15], $0x2800  }
0x65: {  	[sflag:s15] =	ssyncset.done $0x0  }
0x66: {  	[sflag:s15] =	ssyncadd.s32 $0xFFFFD800  }
0x67: {  	_ =	sfence.sel $0x180000  }
0x68: {  	[bflag:$0x0] =	sbarrier.arrive $0xFFFF  }
0x69: {  	p0 =	sne.s32 s0, $0x0;
	_ =	strace $0x90000053  }
0x6a: {  	s0 =	sadd.s32 @!p0 $0x100000, s2;
	[bflag:$0x2] =	sbarrier.arrive $0xFFFF  }
0x6b: {  	[sflag:s0] =	ssyncadd.tile.s32 @!p0 $0x1;
	_ =	shalt  }
.Lfunc_end2:
_tile_overlayer_lowered:
.L_overlay_start_2:
0x6c: {  	(tag) =	ssettag $0x2  }
0x6d: {  	s0 =	rddreg [dreg:$0x0];
	s2 =	stileid.u32  }
0x6e: {  	s1 =	rddreg [dreg:$0x1];
	p0 =	sne.s32 s2, $0x0  }
0x6f: {  	s3 =	rddreg [dreg:$0x2];
	[bflag:$0x3] =	sbarrier.arrive $0xFFFF;
	s2 =	simm.s32 @!p0 $0x1C02  }
0x70: {  	[timem:s3], [sflag:s2] =	dma.local @!p0 [hbm:s0], s1  }
0x71: {  	s0 =	simm.s32 @!p0 $0x2  }
0x72: {  	_ =	swait.ge @!p0 [sflag:s0], s1  }
0x73: {  	s1 =	ssub.s32 @!p0 $0x0, s1;
	[sflag:s0] =	ssyncset.done @!p0 $0x0  }
0x74: {  	[sflag:s0] =	ssyncadd.s32 @!p0 s1  }
0x75: {  	[bflag:$0x3] =	sbarrier.arrive $0xFFFF  }
0x76: {  	_ =	shalt  }

// kernel: kernel.31.cloned.1.call-start
scs
__scs_entry_jumppad:
0x0: {  	(pc) =	sbr.rel $0x88, $3  }
0x1: {  	(tag) =	ssettag $0x0;
	lr =	simm.s32 $0x1  }
0x2: {  	[smem:$0x3F92] =	sst lr;
	_ =	strace $0xD0000000  }
0x3: {  	_ = 	snop  }
0x4: {  	_ = 	snop  }
0x5: {  	_ = 	snop  }
0x6: {  	_ = 	snop  }
0x7: {  	_ = 	snop  }
__scs_overlays_trampoline_lowered:
0x8: {  	[smem:$0x3FA1] =	sst s0  }
0x9: {  	[smem:$0x3FA2] =	sst s1  }
0xa: {  	[smem:$0x3FA3] =	sst s2  }
0xb: {  	[smem:$0x3FA4] =	sst s3  }
0xc: {  	[smem:$0x3FA5] =	sst s4  }
0xd: {  	[smem:$0x3FA6] =	sst s5  }
0xe: {  	[smem:$0x3FA7] =	sst s6  }
0xf: {  	[smem:$0x3FA8] =	sst s7  }
0x10: {  	[smem:$0x3FA9] =	sst s8  }
0x11: {  	[smem:$0x3FAA] =	sst s9;
	s0 =	simm.s32 @!p0 $0x0  }
0x12: {  	s1 =	sld [smem:$0x3F90];
	s0 =	simm.s32 @p0 $0x1  }
0x13: {  	[smem:$0x3FAB] =	sst s0;
	s0 =	simm.s32 @!p1 $0x0  }
0x14: {  	s2 =	sld [smem:$0x3F8F];
	s0 =	simm.s32 @p1 $0x1  }
0x15: {  	[smem:$0x3FAC] =	sst s0;
	s0 =	simm.s32 @!p2 $0x0  }
0x16: {  	s3 =	sld [smem:$0x3FDB];
	s0 =	simm.s32 @p2 $0x1  }
0x17: {  	s4 =	simm.s32 $0x1BF5;
	[smem:$0x3FAE] =	sst s0  }
0x18: {  	s0 =	sld [smem:$0x3F91];
	_ =	swait.ge [sflag:s4], $0x0  }
0x19: {  	s7 =	sld [smem:$0x3F92]  }
0x1a: {  	s8 =	sadd.s32 $0xFFFFE003, lr  }
0x1b: {  	s9 =	sadd.s32 $0xFFFFFEF7, lr;
	s5 =	simm.s32 $0xFFFFFFFF;
	p2 =	slt.u32 s8, $0xFFFFF086  }
0x1c: {  	p1 =	slt.u32 s9, $0xF7A;
	s5 =	simm.s32 @!p2 $0x0  }
0x1d: {  	s5 =	simm.s32 @p1 $0x1;
	p0 =	seq.s32 s7, s2  }
0x1e: {  	s7 =	smul.u32 @!p0 $0xF7A, s2;
	p2 =	seq.s32 @!p0 s5, $0x0  }
0x1f: {  	s9 =	smul.u32 $0xF7A, s1;
	s8 =	simm.s32 @!p0 $0x1BF5;
	p2 =	por !p2, p0  }
0x20: {  	[sflag:s8] =	ssyncset.s32 @!p0 $0xFFFFF086;
	s6 =	sadd.s32 @!p0 s3, s7;
	s7 =	simm.s32 @!p0 $0x108  }
0x21: {  	s3 =	sadd.s32 s3, s9;
	s6 =	sadd.s32 @!p0 $0x88, s6;
	s7 =	simm.s32 @p2 $0x1082  }
0x22: {  	[simem:s7], [sflag:s8] =	dma.local @!p0 [hbm:s6], $0xF7A  }
0x23: {  	s9 =	sor.u32 $0xD0000000, s2;
	s6 =	simm.s32 $0x108;
	_ =	swait.ge @!p0 [sflag:s8], $0x0  }
0x24: {  	s3 =	sadd.s32 $0x88, s3;
	s6 =	simm.s32 @!p1 $0x1082;
	[sflag:s4] =	ssyncset.s32 $0xFFFFF086  }
0x25: {  	[simem:s6], [sflag:s4] =	dma.local [hbm:s3], $0xF7A  }
0x26: {  	[smem:$0x3F92] =	sst s1;
	(tag) =	ssettag s2;
	_ =	strace s9  }
0x27: {  	s1 =	sld [smem:$0x3FA2]  }
0x28: {  	s2 =	sld [smem:$0x3FA3]  }
0x29: {  	s4 =	sld [smem:$0x3FA5]  }
0x2a: {  	p0 =	seq.s32 s5, $0x0;
	s5 =	sld [smem:$0x3FA6]  }
0x2b: {  	s6 =	sld [smem:$0x3FA7]  }
0x2c: {  	s7 =	sld [smem:$0x3FA8]  }
0x2d: {  	s3 =	simm.s32 $0x108;
	s8 =	sld [smem:$0x3FA9]  }
0x2e: {  	s3 =	simm.s32 @!p0 $0x1082;
	s9 =	sld [smem:$0x3FAA]  }
0x2f: {  	lr =	sadd.s32 s0, s3;
	s0 =	sld [smem:$0x3FA1]  }
0x30: {  	s3 =	sld [smem:$0x3FA4]  }
0x31: {  	[smem:$0x3FAD] =	sst s10  }
0x32: {  	s10 =	sld [smem:$0x3FAB];
	_ =	sdelay $0x3  }
0x33: {  	p0 =	seq.s32 s10, $0x1;
	s10 =	sld [smem:$0x3FAD];
	_ =	sdelay $0x3  }
0x34: {  	[smem:$0x3FAD] =	sst s10  }
0x35: {  	s10 =	sld [smem:$0x3FAC];
	_ =	sdelay $0x3  }
0x36: {  	p1 =	seq.s32 s10, $0x1;
	s10 =	sld [smem:$0x3FAD];
	_ =	sdelay $0x3  }
0x37: {  	[smem:$0x3FAD] =	sst s10  }
0x38: {  	s10 =	sld [smem:$0x3FAE]  }
0x39: {  	_ = 	snop;
	(pc) =	sbr.ind lr, $3  }
0x3a: {  	_ = 	snop  }
0x3b: {  	_ = 	snop  }
0x3c: {  	p2 =	seq.s32 s10, $0x1;
	s10 =	sld [smem:$0x3FAD]  }
0x3d: {  	_ =	shalt  }
0x3e: {  	_ =	shalt  }
0x3f: {  	_ =	shalt  }
0x40: {  	_ =	shalt  }
0x41: {  	_ =	shalt  }
0x42: {  	_ =	shalt  }
0x43: {  	_ =	shalt  }
0x44: {  	_ =	shalt  }
0x45: {  	_ =	shalt  }
0x46: {  	_ =	shalt  }
0x47: {  	_ =	shalt  }
0x48: {  	_ =	shalt  }
0x49: {  	_ =	shalt  }
0x4a: {  	_ =	shalt  }
0x4b: {  	_ =	shalt  }
0x4c: {  	_ =	shalt  }
0x4d: {  	_ =	shalt  }
0x4e: {  	_ =	shalt  }
0x4f: {  	_ =	shalt  }
0x50: {  	_ =	shalt  }
0x51: {  	_ =	shalt  }
0x52: {  	_ =	shalt  }
0x53: {  	_ =	shalt  }
0x54: {  	_ =	shalt  }
0x55: {  	_ =	shalt  }
0x56: {  	_ =	shalt  }
0x57: {  	_ =	shalt  }
0x58: {  	_ =	shalt  }
0x59: {  	_ =	shalt  }
0x5a: {  	_ =	shalt  }
0x5b: {  	_ =	shalt  }
0x5c: {  	_ =	shalt  }
0x5d: {  	_ =	shalt  }
0x5e: {  	_ =	shalt  }
0x5f: {  	_ =	shalt  }
0x60: {  	_ =	shalt  }
0x61: {  	_ =	shalt  }
0x62: {  	_ =	shalt  }
0x63: {  	_ =	shalt  }
0x64: {  	_ =	shalt  }
0x65: {  	_ =	shalt  }
0x66: {  	_ =	shalt  }
0x67: {  	_ =	shalt  }
0x68: {  	_ =	shalt  }
0x69: {  	_ =	shalt  }
0x6a: {  	_ =	shalt  }
0x6b: {  	_ =	shalt  }
0x6c: {  	_ =	shalt  }
0x6d: {  	_ =	shalt  }
0x6e: {  	_ =	shalt  }
0x6f: {  	_ =	shalt  }
0x70: {  	_ =	shalt  }
0x71: {  	_ =	shalt  }
0x72: {  	_ =	shalt  }
0x73: {  	_ =	shalt  }
0x74: {  	_ =	shalt  }
0x75: {  	_ =	shalt  }
0x76: {  	_ =	shalt  }
0x77: {  	_ =	shalt  }
0x78: {  	_ =	shalt  }
0x79: {  	_ =	shalt  }
0x7a: {  	_ =	shalt  }
0x7b: {  	_ =	shalt  }
0x7c: {  	_ =	shalt  }
0x7d: {  	_ =	shalt  }
0x7e: {  	_ =	shalt  }
0x7f: {  	_ =	shalt  }
0x80: {  	_ =	shalt  }
0x81: {  	_ =	shalt  }
0x82: {  	_ =	shalt  }
0x83: {  	_ =	shalt  }
0x84: {  	_ =	shalt  }
0x85: {  	_ =	shalt  }
0x86: {  	_ =	shalt  }
0x87: {  	_ =	shalt  }
.Lfunc_end0:
.L_simem_size_0:
called_computation.5_lowered:
.L_overlay_start_0:
0x88: {  	s2 =	sld [smem:$0x3FD9]  }
0x89: {  	s3 =	sld [smem:$0x3FFE];
	_ =	sdelay $0x1  }
0x8a: {  	s1 =	srdreg.scid  }
0x8b: {  	s0 =	sand.u32 $0x1, s1  }
0x8c: {  	s17 =	sshll.u32 s0, $0xA;
	s2 =	sadd.s32 s3, s2  }
0x8d: {  	s2 =	sadd.s32 s2, s17  }
0x8e: {  	[smem:$0x3FB9] =	sst s2  }
0x8f: {  	_ = 	snop  }
0x90: {  	s2 =	sld [smem:$0x3FD0];
	(tm) =	ssettm $0x1  }
0x91: {  	s18 =	sld [smem:$0x3FFB];
	_ =	sdelay $0x3  }
0x92: {  	_ =	strace s18  }
0x93: {  	s3 =	sld [smem:$0x3FFC];
	_ =	sdelay $0x3  }
0x94: {  	_ =	strace s3  }
0x95: {  	s3 =	sld [smem:$0x3FFD];
	_ =	sdelay $0x3  }
0x96: {  	_ =	strace s3  }
0x97: {  	_ =	strace $0x8FFFFFFF  }
0x98: {  	s19 =	sld [smem:$0x3FDB];
	_ =	sdelay $0x1  }
0x99: {  	s4 =	simm.s32 $_scs_section_size  }
0x9a: {  	s5 =	simm.s32 $_size__tile_overlayer_lowered;
	s6 =	simm.s32 $_tile_overlayer_lowered  }
0x9b: {  	s22 =	simm.s32 $0x1BFF;
	s21 =	sshll.u32 s6, $0x1;
	s3 =	sadd.s32 s4, s19  }
0x9c: {  	s7 =	simm.s32 $0x0;
	s20 =	sshll.u32 s5, $0x1;
	s5 =	sadd.s32 s21, s3  }
0x9d: {  	[timem:s7], [sflag:s22] =	dma.local [hbm:s5], s20  }
0x9e: {  	_ =	swait.ge [sflag:s22], s20  }
0x9f: {  	s4 =	ssub.s32 $0x0, s20;
	[sflag:s22] =	ssyncset.done $0x0  }
0xa0: {  	[sflag:s22] =	ssyncadd.s32 s4;
	_ =	sdelay $0x1  }
0xa1: {  	s23 =	simm.s32 $0x1B8B  }
0xa2: {  	_ =	swait.ge [sflag:s23], $0x1  }
0xa3: {  	[sflag:s23] =	ssyncset.done $0x0  }
0xa4: {  	s25 =	simm.s32 $0x1B8E;
	s24 =	sld [smem:$0x3FFE];
	[sflag:s23] =	ssyncadd.s32 $0xFFFFFFFF  }
0xa5: {  	s26 =	simm.s32 $execute0_lowered;
	[smem:$0x3FD2] =	sst s25  }
0xa6: {  	s5 =	sshll.u32 s26, $0x1;
	_ =	strace $0x80000055;
	[dreg:$0x1] =	wrdreg $0xFFFFFFFF  }
0xa7: {  	s28 =	simm.s32 $_size_execute0_lowered;
	s3 =	sadd.s32 s3, s5;
	[dreg:$0x0] =	wrdreg $0x0  }
0xa8: {  	s5 =	sshll.u32 s28, $0x1;
	[dreg:$0x2] =	wrdreg s3  }
0xa9: {  	[dreg:$0x3] =	wrdreg s5  }
0xaa: {  	[dreg:$0x4] =	wrdreg $0xC0  }
0xab: {  	_ =	task [dreg:s7], $0x5FFFF  }
0xac: {  	[dreg:$0x1] =	wrdreg $0xFFFFFFFF  }
0xad: {  	[dreg:$0x0] =	wrdreg $0x60  }
0xae: {  	[dreg:$0x2] =	wrdreg s2  }
0xaf: {  	[dreg:$0x3] =	wrdreg s24  }
0xb0: {  	[dreg:$0x4] =	wrdreg $0x69000  }
0xb1: {  	[dreg:$0x5] =	wrdreg $0x9  }
0xb2: {  	_ =	task.clear_ibuf [dreg:s7], $0x6FFFF;
	_ =	strace $0x90000055  }
0xb3: {  	s29 =	simm.s32 $0x9;
	_ =	strace $0x80000057  }
0xb4: {  	_ =	swait.ge [sflag:s29], $0x1  }
0xb5: {  	[sflag:s29] =	ssyncadd.s32 $0xFFFFFFFF  }
0xb6: {  	_ =	strace $0x90000057  }
0xb7: {  	_ =	sfence  }
0xb8: {  	s30 =	sld [smem:$0x0];
	_ =	sdelay $0x2  }
0xb9: {  	s31 =	sshll.u32 s1, $0xD;
	s1 =	sshrl.u32 s1, $0x2  }
0xba: {  	s3 =	sand.u32 $0x4000, s31;
	s1 =	sadd.s32 s1, s30  }
0xbb: {  	s0 =	sor.u32 s3, s0;
	s1 =	sshll.u32 s1, $0x11  }
0xbc: {  	s0 =	sor.u32 s1, s0  }
0xbd: {  	s0 =	sadd.s32 $0x8F2B, s0  }
0xbe: {  	[sflag:s0] =	ssyncadd.remote.s32 $0x1  }
0xbf: {  	_ =	sfence.sel $0xFFFF  }
0xc0: {  	[dreg:$0x0] =	wrdreg $0xFFFFFFFF;
	(pc) =	sbr.abs _section_cstart, $3  }
0xc1: {  	[dreg:$0x1] =	wrdreg $0xFFFFFFFF  }
0xc2: {  	_ =	task.clear_ibuf [dreg:s7], $0x2FFFF;
	_ =	strace $0x9FFFFFFF  }
0xc3: {  	(tm) =	ssettm $0x7FFFFFFF  }
tec
execute0_lowered:
.L_overlay_start_1:
0x0: {  	(tag) =	ssettag $0x1  }
0x1: {  	s1 =	rddreg [dreg:$0x0]  }
0x2: {  	s5 =	rddreg [dreg:$0x1]  }
0x3: {  	s0 =	srdreg.scid;
	s3 =	rddreg [dreg:$0x2]  }
0x4: {  	s2 =	rddreg [dreg:$0x3];
	s6 =	sand.u32 $0x1, s0  }
0x5: {  	s4 =	simm.s32 $0x0;
	s0 =	stileid.u32;
	s7 =	smul.u32 $0x27100, s6  }
0x6: {  	s14 =	simm.s32 $0x2900;
	s15 =	simm.s32 $0x2;
	s8 =	smul.u32 $0x2710, s0  }
0x7: {  	s16 =	simm.s32 $0x80;
	s17 =	simm.s32 $0x50;
	s9 =	smul.u32 $0x2800, s0  }
0x8: {  	s18 =	simm.s32 $0x100;
	s19 =	simm.s32 $0x1;
	s26 =	smul.u32 $0x28000, s6  }
0x9: {  	s21 =	simm.s32 $0x0;
	[smem:$0x7FF] =	sst s4;
	s10 =	smul.u32 $0x50000, s0  }
0xa: {  	_ =	strace $0x80000056;
	s6 =	ssub.s32 $0x2, s6;
	s20 =	sshll.u32 s0, $0x6  }
0xb: {  	s31 =	sshrl.u32 s6, $0x1;
	s20 =	sor.u32 $0x1C02, s20;
	s7 =	sadd.s32 s8, s7  }
0xc: {  	s28 =	sadd.s32 s9, s26;
	s29 =	sshrl.u32 s10, $0x2;
	s11 =	ssub.s32 s6, s31  }
0xd: {  	s7 =	sshrl.u32 s7, $0x3;
	s30 =	sadd.s32 s28, s5;
	s11 =	smax.u32 s11, $0x1  }
0xe: {  	s13 =	sadd.s32 s7, s5;
	s5 =	sadd.s32 s29, s3;
	s10 =	sadd.s32 $0x69400, s30  }
0xf: {  	s6 =	sadd.s32 $0x4000, s5;
	s7 =	sadd.s32 $0x8000, s5;
	s8 =	sadd.s32 $0xC000, s5  }
0x10: {  	v0 =	vimm.f32 $0.0e+00;
	s9 =	sadd.s32 $0x10000, s5;
	s12 =	sadd.s32 $0xF600, s13;
	s13 =	sadd.s32 $0x5800, s13  }
.LBB2_1:
0x11: {  	s22 =	sand.u32 $0xFE00, s4  }
0x12: {  	s23 =	sand.u32 $0x70, s4;
	s24 =	sshrl.u32 s22, $0x2  }
0x13: {  	s22 =	simm.s32 $0x40;
	s24 =	sor.u32 s23, s24;
	s23 =	simm.s32 $0x0  }
.LBB2_2:
0x14: {  	p0 =	sne.s32 s22, $0xFFC0  }
0x15: {  	[tilespmem:s24+$0x2900] =	vst v0;
	s23 =	sadd.s32 $0x10, s23;
	s24 =	smov.u32 s22;
	s22 =	sadd.s32 $0x40, s22  }
.Ltmp0:
0x16: {  	(pc) =	sbr.rel @p0 .LBB2_2-.Ltmp0, $4  }
0x17: {  	_ = 	snop  }
0x18: {  	s24 =	sand.u32 $0xFE00, s24  }
0x19: {  	s25 =	sand.u32 $0x70, s23;
	s24 =	sshrl.u32 s24, $0x2  }
0x1a: {  	s24 =	sor.u32 s25, s24  }
0x1b: {  	[tilespmem:s24+$0x2900] =	vst v0  }
0x1c: {  	[spmem:s5] =	stream.linear.scatter [tilespmem:s14], [sflag:$0x2], $0x4000, $0x38;
	[tilespmem:$0x1A900] =	vst v63  }
0x1d: {  	_ =	swait.ge [sflag:s15], $0x4000  }
0x1e: {  	[sflag:s15] =	ssyncset.done $0x0  }
0x1f: {  	[sflag:s15] =	ssyncadd.s32 $0xFFFFC000  }
0x20: {  	[spmem:s6] =	stream.linear.scatter [tilespmem:s14], [sflag:$0x2], $0x4000, $0x38;
	[tilespmem:$0x1A900] =	vst v63  }
0x21: {  	_ =	swait.ge [sflag:s15], $0x4000  }
0x22: {  	[sflag:s15] =	ssyncset.done $0x0  }
0x23: {  	[sflag:s15] =	ssyncadd.s32 $0xFFFFC000  }
0x24: {  	[spmem:s7] =	stream.linear.scatter [tilespmem:s14], [sflag:$0x2], $0x4000, $0x38;
	[tilespmem:$0x1A900] =	vst v63  }
0x25: {  	_ =	swait.ge [sflag:s15], $0x4000  }
0x26: {  	[sflag:s15] =	ssyncset.done $0x0  }
0x27: {  	[sflag:s15] =	ssyncadd.s32 $0xFFFFC000  }
0x28: {  	[spmem:s8] =	stream.linear.scatter [tilespmem:s14], [sflag:$0x2], $0x4000, $0x38;
	[tilespmem:$0x1A900] =	vst v63  }
0x29: {  	_ =	swait.ge [sflag:s15], $0x4000  }
0x2a: {  	[sflag:s15] =	ssyncset.done $0x0  }
0x2b: {  	[sflag:s15] =	ssyncadd.s32 $0xFFFFC000  }
0x2c: {  	[spmem:s9] =	stream.linear.scatter [tilespmem:s14], [sflag:$0x2], $0x4000, $0x38;
	[tilespmem:$0x1A900] =	vst v63  }
0x2d: {  	_ =	swait.ge [sflag:s15], $0x4000  }
0x2e: {  	[sflag:s15] =	ssyncset.done $0x0  }
0x2f: {  	[sflag:s15] =	ssyncadd.s32 $0xFFFFC000  }
0x30: {  	s22 =	sadd.s32 $0x0, s13;
	[bflag:$0x0] =	sbarrier.arrive $0xFFFF  }
0x31: {  	[tilespmem:s4], [sflag:$0x2] =	stream.linear.gather [hbm4b:s22+s4], $0x50, $0x38;
	[tilespmem:$0x1A900] =	vst v63  }
0x32: {  	_ =	swait.ge [sflag:s15], $0x50  }
0x33: {  	[sflag:s15] =	ssyncset.done $0x0  }
0x34: {  	s31 =	sadd.s32 $0x0, s12;
	[sflag:s15] =	ssyncadd.s32 $0xFFFFFFB0  }
0x35: {  	[tilespmem:s16], [sflag:$0x2] =	stream.linear.gather [hbm4b:s31+s4], $0x50, $0x38;
	[tilespmem:$0x1A900] =	vst v63  }
0x36: {  	_ =	swait.ge [sflag:s15], $0x50  }
0x37: {  	[sflag:s15] =	ssyncset.done $0x0  }
0x38: {  	[sflag:s15] =	ssyncadd.s32 $0xFFFFFFB0  }
0x39: {  	[tilespmem:s18], [sflag:$0x1] =	stream.indirect.gather [hbm4b:s1+s17], $0x80, s4, s17, $0xb8;
	[tilespmem:$0x1A900] =	vst v63  }
0x3a: {  	_ =	swait.ge [sflag:s19], $0x2800  }
0x3b: {  	[sflag:s19] =	ssyncset.done $0x0  }
0x3c: {  	[sflag:s19] =	ssyncadd.s32 $0xFFFFD800  }
0x3d: {  	[spmem:s3] =	stream.indirect.scatter.add.f32 [tilespmem:s18], [sflag:$0x2], $0x80, s16, s17, $0xb8;
	[tilespmem:$0x1A900] =	vst v63  }
0x3e: {  	_ =	swait.ge [sflag:s15], $0x2800  }
0x3f: {  	s23 =	simm.s32 $0x14;
	s22 =	simm.s32 $0xA;
	[sflag:s15] =	ssyncset.done $0x0  }
.LBB2_4:
0x40: {  	s24 =	sadd.s32 s22, s13  }
0x41: {  	[sflag:s15] =	ssyncadd.s32 $0xFFFFD800;
	s25 =	smov.u32 s23;
	s26 =	sadd.s32 $0xA, s23  }
0x42: {  	[tilespmem:s4], [sflag:$0x2] =	stream.linear.gather [hbm4b:s24+s4], $0x50, $0x38;
	[tilespmem:$0x1A900] =	vst v63  }
0x43: {  	p0 =	sne.s32 s23, $0x4D8;
	_ =	swait.ge [sflag:s15], $0x50  }
0x44: {  	[sflag:s15] =	ssyncset.done $0x0  }
0x45: {  	s23 =	sadd.s32 s22, s12;
	s22 =	smov.u32 s25;
	[sflag:s15] =	ssyncadd.s32 $0xFFFFFFB0  }
0x46: {  	[tilespmem:s16], [sflag:$0x2] =	stream.linear.gather [hbm4b:s23+s4], $0x50, $0x38;
	[tilespmem:$0x1A900] =	vst v63  }
0x47: {  	_ =	swait.ge [sflag:s15], $0x50  }
0x48: {  	[sflag:s15] =	ssyncset.done $0x0  }
0x49: {  	[sflag:s15] =	ssyncadd.s32 $0xFFFFFFB0  }
0x4a: {  	[tilespmem:s18], [sflag:$0x1] =	stream.indirect.gather [hbm4b:s1+s17], $0x80, s4, s17, $0xb8;
	[tilespmem:$0x1A900] =	vst v63  }
0x4b: {  	_ =	swait.ge [sflag:s19], $0x2800  }
.Ltmp1:
0x4c: {  	[sflag:s19] =	ssyncset.done $0x0;
	(pc) =	sbr.rel @p0 .LBB2_4-.Ltmp1, $4  }
0x4d: {  	[sflag:s19] =	ssyncadd.s32 $0xFFFFD800  }
0x4e: {  	[spmem:s3] =	stream.indirect.scatter.add.f32 [tilespmem:s18], [sflag:$0x2], $0x80, s16, s17, $0xb8;
	[tilespmem:$0x1A900] =	vst v63  }
0x4f: {  	_ =	swait.ge [sflag:s15], $0x2800  }
0x50: {  	s23 =	smov.u32 s26;
	[sflag:s15] =	ssyncset.done $0x0  }
0x51: {  	s23 =	sadd.s32 s22, s13;
	[sflag:s15] =	ssyncadd.s32 $0xFFFFD800  }
0x52: {  	[tilespmem:s4], [sflag:$0x2] =	stream.linear.gather [hbm4b:s23+s4], $0x50, $0x38;
	[tilespmem:$0x1A900] =	vst v63  }
0x53: {  	_ =	swait.ge [sflag:s15], $0x50  }
0x54: {  	[sflag:s15] =	ssyncset.done $0x0  }
0x55: {  	s30 =	sadd.s32 s22, s12;
	[sflag:s15] =	ssyncadd.s32 $0xFFFFFFB0  }
0x56: {  	[tilespmem:s16], [sflag:$0x2] =	stream.linear.gather [hbm4b:s30+s4], $0x50, $0x38;
	[tilespmem:$0x1A900] =	vst v63  }
0x57: {  	_ =	swait.ge [sflag:s15], $0x50  }
0x58: {  	[sflag:s15] =	ssyncset.done $0x0  }
0x59: {  	[sflag:s15] =	ssyncadd.s32 $0xFFFFFFB0  }
0x5a: {  	[tilespmem:s18], [sflag:$0x1] =	stream.indirect.gather [hbm4b:s1+s17], $0x80, s4, s17, $0xb8;
	[tilespmem:$0x1A900] =	vst v63  }
0x5b: {  	_ =	swait.ge [sflag:s19], $0x2800  }
0x5c: {  	[sflag:s19] =	ssyncset.done $0x0  }
0x5d: {  	[sflag:s19] =	ssyncadd.s32 $0xFFFFD800  }
0x5e: {  	[spmem:s3] =	stream.indirect.scatter.add.f32 [tilespmem:s18], [sflag:$0x2], $0x80, s16, s17, $0xb8;
	[tilespmem:$0x1A900] =	vst v63  }
0x5f: {  	_ =	swait.ge [sflag:s15], $0x2800  }
0x60: {  	s21 =	sadd.s32 $0x1, s21;
	[sflag:s15] =	ssyncset.done $0x0  }
0x61: {  	p0 =	sne.s32 s21, s11;
	[sflag:s15] =	ssyncadd.s32 $0xFFFFD800  }
.Ltmp2:
0x62: {  	s31 =	sshrl.u32 s5, $0x3;
	[bflag:$0x0] =	sbarrier.arrive $0xFFFF;
	(pc) =	sbr.rel @p0 .LBB2_1-.Ltmp2, $4  }
0x63: {  	[hbm:s10], [sflag:s20] =	dma.local [spmem:s31], $0x2800  }
0x64: {  	_ =	swait.ge [sflag:s15], $0x2800  }
0x65: {  	[sflag:s15] =	ssyncset.done $0x0  }
0x66: {  	[sflag:s15] =	ssyncadd.s32 $0xFFFFD800  }
0x67: {  	_ =	sfence.sel $0x180000  }
0x68: {  	[bflag:$0x0] =	sbarrier.arrive $0xFFFF  }
0x69: {  	p0 =	sne.s32 s0, $0x0;
	_ =	strace $0x90000056  }
0x6a: {  	s0 =	sadd.s32 @!p0 $0x100000, s2;
	[bflag:$0x2] =	sbarrier.arrive $0xFFFF  }
0x6b: {  	[sflag:s0] =	ssyncadd.tile.s32 @!p0 $0x1;
	_ =	shalt  }
.Lfunc_end2:
_tile_overlayer_lowered:
.L_overlay_start_2:
0x6c: {  	(tag) =	ssettag $0x2  }
0x6d: {  	s0 =	rddreg [dreg:$0x0];
	s2 =	stileid.u32  }
0x6e: {  	s1 =	rddreg [dreg:$0x1];
	p0 =	sne.s32 s2, $0x0  }
0x6f: {  	s3 =	rddreg [dreg:$0x2];
	[bflag:$0x3] =	sbarrier.arrive $0xFFFF;
	s2 =	simm.s32 @!p0 $0x1C02  }
0x70: {  	[timem:s3], [sflag:s2] =	dma.local @!p0 [hbm:s0], s1  }
0x71: {  	s0 =	simm.s32 @!p0 $0x2  }
0x72: {  	_ =	swait.ge @!p0 [sflag:s0], s1  }
0x73: {  	s1 =	ssub.s32 @!p0 $0x0, s1;
	[sflag:s0] =	ssyncset.done @!p0 $0x0  }
0x74: {  	[sflag:s0] =	ssyncadd.s32 @!p0 s1  }
0x75: {  	[bflag:$0x3] =	sbarrier.arrive $0xFFFF  }
0x76: {  	_ =	shalt  }

// kernel: kernel.34.cloned.1.call-start
scs
__scs_entry_jumppad:
0x0: {  	(pc) =	sbr.rel $0x88, $3  }
0x1: {  	(tag) =	ssettag $0x0;
	lr =	simm.s32 $0x1  }
0x2: {  	[smem:$0x3F92] =	sst lr;
	_ =	strace $0xD0000000  }
0x3: {  	_ = 	snop  }
0x4: {  	_ = 	snop  }
0x5: {  	_ = 	snop  }
0x6: {  	_ = 	snop  }
0x7: {  	_ = 	snop  }
__scs_overlays_trampoline_lowered:
0x8: {  	[smem:$0x3FA1] =	sst s0  }
0x9: {  	[smem:$0x3FA2] =	sst s1  }
0xa: {  	[smem:$0x3FA3] =	sst s2  }
0xb: {  	[smem:$0x3FA4] =	sst s3  }
0xc: {  	[smem:$0x3FA5] =	sst s4  }
0xd: {  	[smem:$0x3FA6] =	sst s5  }
0xe: {  	[smem:$0x3FA7] =	sst s6  }
0xf: {  	[smem:$0x3FA8] =	sst s7  }
0x10: {  	[smem:$0x3FA9] =	sst s8  }
0x11: {  	[smem:$0x3FAA] =	sst s9;
	s0 =	simm.s32 @!p0 $0x0  }
0x12: {  	s1 =	sld [smem:$0x3F90];
	s0 =	simm.s32 @p0 $0x1  }
0x13: {  	[smem:$0x3FAB] =	sst s0;
	s0 =	simm.s32 @!p1 $0x0  }
0x14: {  	s2 =	sld [smem:$0x3F8F];
	s0 =	simm.s32 @p1 $0x1  }
0x15: {  	[smem:$0x3FAC] =	sst s0;
	s0 =	simm.s32 @!p2 $0x0  }
0x16: {  	s3 =	sld [smem:$0x3FDB];
	s0 =	simm.s32 @p2 $0x1  }
0x17: {  	s4 =	simm.s32 $0x1BF5;
	[smem:$0x3FAE] =	sst s0  }
0x18: {  	s0 =	sld [smem:$0x3F91];
	_ =	swait.ge [sflag:s4], $0x0  }
0x19: {  	s7 =	sld [smem:$0x3F92]  }
0x1a: {  	s8 =	sadd.s32 $0xFFFFE003, lr  }
0x1b: {  	s9 =	sadd.s32 $0xFFFFFEF7, lr;
	s5 =	simm.s32 $0xFFFFFFFF;
	p2 =	slt.u32 s8, $0xFFFFF086  }
0x1c: {  	p1 =	slt.u32 s9, $0xF7A;
	s5 =	simm.s32 @!p2 $0x0  }
0x1d: {  	s5 =	simm.s32 @p1 $0x1;
	p0 =	seq.s32 s7, s2  }
0x1e: {  	s7 =	smul.u32 @!p0 $0xF7A, s2;
	p2 =	seq.s32 @!p0 s5, $0x0  }
0x1f: {  	s9 =	smul.u32 $0xF7A, s1;
	s8 =	simm.s32 @!p0 $0x1BF5;
	p2 =	por !p2, p0  }
0x20: {  	[sflag:s8] =	ssyncset.s32 @!p0 $0xFFFFF086;
	s6 =	sadd.s32 @!p0 s3, s7;
	s7 =	simm.s32 @!p0 $0x108  }
0x21: {  	s3 =	sadd.s32 s3, s9;
	s6 =	sadd.s32 @!p0 $0x88, s6;
	s7 =	simm.s32 @p2 $0x1082  }
0x22: {  	[simem:s7], [sflag:s8] =	dma.local @!p0 [hbm:s6], $0xF7A  }
0x23: {  	s9 =	sor.u32 $0xD0000000, s2;
	s6 =	simm.s32 $0x108;
	_ =	swait.ge @!p0 [sflag:s8], $0x0  }
0x24: {  	s3 =	sadd.s32 $0x88, s3;
	s6 =	simm.s32 @!p1 $0x1082;
	[sflag:s4] =	ssyncset.s32 $0xFFFFF086  }
0x25: {  	[simem:s6], [sflag:s4] =	dma.local [hbm:s3], $0xF7A  }
0x26: {  	[smem:$0x3F92] =	sst s1;
	(tag) =	ssettag s2;
	_ =	strace s9  }
0x27: {  	s1 =	sld [smem:$0x3FA2]  }
0x28: {  	s2 =	sld [smem:$0x3FA3]  }
0x29: {  	s4 =	sld [smem:$0x3FA5]  }
0x2a: {  	p0 =	seq.s32 s5, $0x0;
	s5 =	sld [smem:$0x3FA6]  }
0x2b: {  	s6 =	sld [smem:$0x3FA7]  }
0x2c: {  	s7 =	sld [smem:$0x3FA8]  }
0x2d: {  	s3 =	simm.s32 $0x108;
	s8 =	sld [smem:$0x3FA9]  }
0x2e: {  	s3 =	simm.s32 @!p0 $0x1082;
	s9 =	sld [smem:$0x3FAA]  }
0x2f: {  	lr =	sadd.s32 s0, s3;
	s0 =	sld [smem:$0x3FA1]  }
0x30: {  	s3 =	sld [smem:$0x3FA4]  }
0x31: {  	[smem:$0x3FAD] =	sst s10  }
0x32: {  	s10 =	sld [smem:$0x3FAB];
	_ =	sdelay $0x3  }
0x33: {  	p0 =	seq.s32 s10, $0x1;
	s10 =	sld [smem:$0x3FAD];
	_ =	sdelay $0x3  }
0x34: {  	[smem:$0x3FAD] =	sst s10  }
0x35: {  	s10 =	sld [smem:$0x3FAC];
	_ =	sdelay $0x3  }
0x36: {  	p1 =	seq.s32 s10, $0x1;
	s10 =	sld [smem:$0x3FAD];
	_ =	sdelay $0x3  }
0x37: {  	[smem:$0x3FAD] =	sst s10  }
0x38: {  	s10 =	sld [smem:$0x3FAE]  }
0x39: {  	_ = 	snop;
	(pc) =	sbr.ind lr, $3  }
0x3a: {  	_ = 	snop  }
0x3b: {  	_ = 	snop  }
0x3c: {  	p2 =	seq.s32 s10, $0x1;
	s10 =	sld [smem:$0x3FAD]  }
0x3d: {  	_ =	shalt  }
0x3e: {  	_ =	shalt  }
0x3f: {  	_ =	shalt  }
0x40: {  	_ =	shalt  }
0x41: {  	_ =	shalt  }
0x42: {  	_ =	shalt  }
0x43: {  	_ =	shalt  }
0x44: {  	_ =	shalt  }
0x45: {  	_ =	shalt  }
0x46: {  	_ =	shalt  }
0x47: {  	_ =	shalt  }
0x48: {  	_ =	shalt  }
0x49: {  	_ =	shalt  }
0x4a: {  	_ =	shalt  }
0x4b: {  	_ =	shalt  }
0x4c: {  	_ =	shalt  }
0x4d: {  	_ =	shalt  }
0x4e: {  	_ =	shalt  }
0x4f: {  	_ =	shalt  }
0x50: {  	_ =	shalt  }
0x51: {  	_ =	shalt  }
0x52: {  	_ =	shalt  }
0x53: {  	_ =	shalt  }
0x54: {  	_ =	shalt  }
0x55: {  	_ =	shalt  }
0x56: {  	_ =	shalt  }
0x57: {  	_ =	shalt  }
0x58: {  	_ =	shalt  }
0x59: {  	_ =	shalt  }
0x5a: {  	_ =	shalt  }
0x5b: {  	_ =	shalt  }
0x5c: {  	_ =	shalt  }
0x5d: {  	_ =	shalt  }
0x5e: {  	_ =	shalt  }
0x5f: {  	_ =	shalt  }
0x60: {  	_ =	shalt  }
0x61: {  	_ =	shalt  }
0x62: {  	_ =	shalt  }
0x63: {  	_ =	shalt  }
0x64: {  	_ =	shalt  }
0x65: {  	_ =	shalt  }
0x66: {  	_ =	shalt  }
0x67: {  	_ =	shalt  }
0x68: {  	_ =	shalt  }
0x69: {  	_ =	shalt  }
0x6a: {  	_ =	shalt  }
0x6b: {  	_ =	shalt  }
0x6c: {  	_ =	shalt  }
0x6d: {  	_ =	shalt  }
0x6e: {  	_ =	shalt  }
0x6f: {  	_ =	shalt  }
0x70: {  	_ =	shalt  }
0x71: {  	_ =	shalt  }
0x72: {  	_ =	shalt  }
0x73: {  	_ =	shalt  }
0x74: {  	_ =	shalt  }
0x75: {  	_ =	shalt  }
0x76: {  	_ =	shalt  }
0x77: {  	_ =	shalt  }
0x78: {  	_ =	shalt  }
0x79: {  	_ =	shalt  }
0x7a: {  	_ =	shalt  }
0x7b: {  	_ =	shalt  }
0x7c: {  	_ =	shalt  }
0x7d: {  	_ =	shalt  }
0x7e: {  	_ =	shalt  }
0x7f: {  	_ =	shalt  }
0x80: {  	_ =	shalt  }
0x81: {  	_ =	shalt  }
0x82: {  	_ =	shalt  }
0x83: {  	_ =	shalt  }
0x84: {  	_ =	shalt  }
0x85: {  	_ =	shalt  }
0x86: {  	_ =	shalt  }
0x87: {  	_ =	shalt  }
.Lfunc_end0:
.L_simem_size_0:
called_computation.6_lowered:
.L_overlay_start_0:
0x88: {  	s2 =	sld [smem:$0x3FD9]  }
0x89: {  	s3 =	sld [smem:$0x3FFE];
	_ =	sdelay $0x1  }
0x8a: {  	s1 =	srdreg.scid  }
0x8b: {  	s0 =	sand.u32 $0x1, s1  }
0x8c: {  	s17 =	sshll.u32 s0, $0xA;
	s2 =	sadd.s32 s3, s2  }
0x8d: {  	s2 =	sadd.s32 s2, s17  }
0x8e: {  	[smem:$0x3FB9] =	sst s2  }
0x8f: {  	_ = 	snop  }
0x90: {  	s2 =	sld [smem:$0x3FD0];
	(tm) =	ssettm $0x1  }
0x91: {  	s18 =	sld [smem:$0x3FFB];
	_ =	sdelay $0x3  }
0x92: {  	_ =	strace s18  }
0x93: {  	s3 =	sld [smem:$0x3FFC];
	_ =	sdelay $0x3  }
0x94: {  	_ =	strace s3  }
0x95: {  	s3 =	sld [smem:$0x3FFD];
	_ =	sdelay $0x3  }
0x96: {  	_ =	strace s3  }
0x97: {  	_ =	strace $0x8FFFFFFF  }
0x98: {  	s19 =	sld [smem:$0x3FDB];
	_ =	sdelay $0x1  }
0x99: {  	s4 =	simm.s32 $_scs_section_size  }
0x9a: {  	s5 =	simm.s32 $_size__tile_overlayer_lowered;
	s6 =	simm.s32 $_tile_overlayer_lowered  }
0x9b: {  	s22 =	simm.s32 $0x1BFF;
	s21 =	sshll.u32 s6, $0x1;
	s3 =	sadd.s32 s4, s19  }
0x9c: {  	s7 =	simm.s32 $0x0;
	s20 =	sshll.u32 s5, $0x1;
	s5 =	sadd.s32 s21, s3  }
0x9d: {  	[timem:s7], [sflag:s22] =	dma.local [hbm:s5], s20  }
0x9e: {  	_ =	swait.ge [sflag:s22], s20  }
0x9f: {  	s4 =	ssub.s32 $0x0, s20;
	[sflag:s22] =	ssyncset.done $0x0  }
0xa0: {  	[sflag:s22] =	ssyncadd.s32 s4;
	_ =	sdelay $0x1  }
0xa1: {  	s23 =	simm.s32 $0x1B8B  }
0xa2: {  	_ =	swait.ge [sflag:s23], $0x1  }
0xa3: {  	[sflag:s23] =	ssyncset.done $0x0  }
0xa4: {  	s25 =	simm.s32 $0x1B8E;
	s24 =	sld [smem:$0x3FFE];
	[sflag:s23] =	ssyncadd.s32 $0xFFFFFFFF  }
0xa5: {  	s26 =	simm.s32 $execute0_lowered;
	[smem:$0x3FD2] =	sst s25  }
0xa6: {  	s5 =	sshll.u32 s26, $0x1;
	_ =	strace $0x80000058;
	[dreg:$0x1] =	wrdreg $0xFFFFFFFF  }
0xa7: {  	s28 =	simm.s32 $_size_execute0_lowered;
	s3 =	sadd.s32 s3, s5;
	[dreg:$0x0] =	wrdreg $0x0  }
0xa8: {  	s5 =	sshll.u32 s28, $0x1;
	[dreg:$0x2] =	wrdreg s3  }
0xa9: {  	[dreg:$0x3] =	wrdreg s5  }
0xaa: {  	[dreg:$0x4] =	wrdreg $0xC0  }
0xab: {  	_ =	task [dreg:s7], $0x5FFFF  }
0xac: {  	[dreg:$0x1] =	wrdreg $0xFFFFFFFF  }
0xad: {  	[dreg:$0x0] =	wrdreg $0x60  }
0xae: {  	[dreg:$0x2] =	wrdreg s2  }
0xaf: {  	[dreg:$0x3] =	wrdreg s24  }
0xb0: {  	[dreg:$0x4] =	wrdreg $0x69000  }
0xb1: {  	[dreg:$0x5] =	wrdreg $0x9  }
0xb2: {  	_ =	task.clear_ibuf [dreg:s7], $0x6FFFF;
	_ =	strace $0x90000058  }
0xb3: {  	s29 =	simm.s32 $0x9;
	_ =	strace $0x8000005A  }
0xb4: {  	_ =	swait.ge [sflag:s29], $0x1  }
0xb5: {  	[sflag:s29] =	ssyncadd.s32 $0xFFFFFFFF  }
0xb6: {  	_ =	strace $0x9000005A  }
0xb7: {  	_ =	sfence  }
0xb8: {  	s30 =	sld [smem:$0x0];
	_ =	sdelay $0x2  }
0xb9: {  	s31 =	sshll.u32 s1, $0xD;
	s1 =	sshrl.u32 s1, $0x2  }
0xba: {  	s3 =	sand.u32 $0x4000, s31;
	s1 =	sadd.s32 s1, s30  }
0xbb: {  	s0 =	sor.u32 s3, s0;
	s1 =	sshll.u32 s1, $0x11  }
0xbc: {  	s0 =	sor.u32 s1, s0  }
0xbd: {  	s0 =	sadd.s32 $0x8F2B, s0  }
0xbe: {  	[sflag:s0] =	ssyncadd.remote.s32 $0x1  }
0xbf: {  	_ =	sfence.sel $0xFFFF  }
0xc0: {  	[dreg:$0x0] =	wrdreg $0xFFFFFFFF;
	(pc) =	sbr.abs _section_cstart, $3  }
0xc1: {  	[dreg:$0x1] =	wrdreg $0xFFFFFFFF  }
0xc2: {  	_ =	task.clear_ibuf [dreg:s7], $0x2FFFF;
	_ =	strace $0x9FFFFFFF  }
0xc3: {  	(tm) =	ssettm $0x7FFFFFFF  }
tec
execute0_lowered:
.L_overlay_start_1:
0x0: {  	(tag) =	ssettag $0x1  }
0x1: {  	s1 =	rddreg [dreg:$0x0]  }
0x2: {  	s5 =	rddreg [dreg:$0x1]  }
0x3: {  	s0 =	srdreg.scid;
	s3 =	rddreg [dreg:$0x2]  }
0x4: {  	s2 =	rddreg [dreg:$0x3];
	s6 =	sand.u32 $0x1, s0  }
0x5: {  	s4 =	simm.s32 $0x0;
	s0 =	stileid.u32;
	s7 =	smul.u32 $0x27100, s6  }
0x6: {  	s14 =	simm.s32 $0x2900;
	s15 =	simm.s32 $0x2;
	s8 =	smul.u32 $0x2710, s0  }
0x7: {  	s16 =	simm.s32 $0x80;
	s17 =	simm.s32 $0x50;
	s9 =	smul.u32 $0x2800, s0  }
0x8: {  	s18 =	simm.s32 $0x100;
	s19 =	simm.s32 $0x1;
	s26 =	smul.u32 $0x28000, s6  }
0x9: {  	s21 =	simm.s32 $0x0;
	[smem:$0x7FF] =	sst s4;
	s10 =	smul.u32 $0x50000, s0  }
0xa: {  	_ =	strace $0x80000059;
	s6 =	ssub.s32 $0x2, s6;
	s20 =	sshll.u32 s0, $0x6  }
0xb: {  	s31 =	sshrl.u32 s6, $0x1;
	s20 =	sor.u32 $0x1C02, s20;
	s7 =	sadd.s32 s8, s7  }
0xc: {  	s28 =	sadd.s32 s9, s26;
	s29 =	sshrl.u32 s10, $0x2;
	s11 =	ssub.s32 s6, s31  }
0xd: {  	s7 =	sshrl.u32 s7, $0x3;
	s30 =	sadd.s32 s28, s5;
	s11 =	smax.u32 s11, $0x1  }
0xe: {  	s13 =	sadd.s32 s7, s5;
	s5 =	sadd.s32 s29, s3;
	s10 =	sadd.s32 $0x69400, s30  }
0xf: {  	s6 =	sadd.s32 $0x4000, s5;
	s7 =	sadd.s32 $0x8000, s5;
	s8 =	sadd.s32 $0xC000, s5  }
0x10: {  	v0 =	vimm.f32 $0.0e+00;
	s9 =	sadd.s32 $0x10000, s5;
	s12 =	sadd.s32 $0xF600, s13;
	s13 =	sadd.s32 $0x5800, s13  }
.LBB2_1:
0x11: {  	s22 =	sand.u32 $0xFE00, s4  }
0x12: {  	s23 =	sand.u32 $0x70, s4;
	s24 =	sshrl.u32 s22, $0x2  }
0x13: {  	s22 =	simm.s32 $0x40;
	s24 =	sor.u32 s23, s24;
	s23 =	simm.s32 $0x0  }
.LBB2_2:
0x14: {  	p0 =	sne.s32 s22, $0xFFC0  }
0x15: {  	[tilespmem:s24+$0x2900] =	vst v0;
	s23 =	sadd.s32 $0x10, s23;
	s24 =	smov.u32 s22;
	s22 =	sadd.s32 $0x40, s22  }
.Ltmp0:
0x16: {  	(pc) =	sbr.rel @p0 .LBB2_2-.Ltmp0, $4  }
0x17: {  	_ = 	snop  }
0x18: {  	s24 =	sand.u32 $0xFE00, s24  }
0x19: {  	s25 =	sand.u32 $0x70, s23;
	s24 =	sshrl.u32 s24, $0x2  }
0x1a: {  	s24 =	sor.u32 s25, s24  }
0x1b: {  	[tilespmem:s24+$0x2900] =	vst v0  }
0x1c: {  	[spmem:s5] =	stream.linear.scatter [tilespmem:s14], [sflag:$0x2], $0x4000, $0x38;
	[tilespmem:$0x1A900] =	vst v63  }
0x1d: {  	_ =	swait.ge [sflag:s15], $0x4000  }
0x1e: {  	[sflag:s15] =	ssyncset.done $0x0  }
0x1f: {  	[sflag:s15] =	ssyncadd.s32 $0xFFFFC000  }
0x20: {  	[spmem:s6] =	stream.linear.scatter [tilespmem:s14], [sflag:$0x2], $0x4000, $0x38;
	[tilespmem:$0x1A900] =	vst v63  }
0x21: {  	_ =	swait.ge [sflag:s15], $0x4000  }
0x22: {  	[sflag:s15] =	ssyncset.done $0x0  }
0x23: {  	[sflag:s15] =	ssyncadd.s32 $0xFFFFC000  }
0x24: {  	[spmem:s7] =	stream.linear.scatter [tilespmem:s14], [sflag:$0x2], $0x4000, $0x38;
	[tilespmem:$0x1A900] =	vst v63  }
0x25: {  	_ =	swait.ge [sflag:s15], $0x4000  }
0x26: {  	[sflag:s15] =	ssyncset.done $0x0  }
0x27: {  	[sflag:s15] =	ssyncadd.s32 $0xFFFFC000  }
0x28: {  	[spmem:s8] =	stream.linear.scatter [tilespmem:s14], [sflag:$0x2], $0x4000, $0x38;
	[tilespmem:$0x1A900] =	vst v63  }
0x29: {  	_ =	swait.ge [sflag:s15], $0x4000  }
0x2a: {  	[sflag:s15] =	ssyncset.done $0x0  }
0x2b: {  	[sflag:s15] =	ssyncadd.s32 $0xFFFFC000  }
0x2c: {  	[spmem:s9] =	stream.linear.scatter [tilespmem:s14], [sflag:$0x2], $0x4000, $0x38;
	[tilespmem:$0x1A900] =	vst v63  }
0x2d: {  	_ =	swait.ge [sflag:s15], $0x4000  }
0x2e: {  	[sflag:s15] =	ssyncset.done $0x0  }
0x2f: {  	[sflag:s15] =	ssyncadd.s32 $0xFFFFC000  }
0x30: {  	s22 =	sadd.s32 $0x0, s13;
	[bflag:$0x0] =	sbarrier.arrive $0xFFFF  }
0x31: {  	[tilespmem:s4], [sflag:$0x2] =	stream.linear.gather [hbm4b:s22+s4], $0x50, $0x38;
	[tilespmem:$0x1A900] =	vst v63  }
0x32: {  	_ =	swait.ge [sflag:s15], $0x50  }
0x33: {  	[sflag:s15] =	ssyncset.done $0x0  }
0x34: {  	s31 =	sadd.s32 $0x0, s12;
	[sflag:s15] =	ssyncadd.s32 $0xFFFFFFB0  }
0x35: {  	[tilespmem:s16], [sflag:$0x2] =	stream.linear.gather [hbm4b:s31+s4], $0x50, $0x38;
	[tilespmem:$0x1A900] =	vst v63  }
0x36: {  	_ =	swait.ge [sflag:s15], $0x50  }
0x37: {  	[sflag:s15] =	ssyncset.done $0x0  }
0x38: {  	[sflag:s15] =	ssyncadd.s32 $0xFFFFFFB0  }
0x39: {  	[tilespmem:s18], [sflag:$0x1] =	stream.indirect.gather [hbm4b:s1+s17], $0x80, s4, s17, $0xb8;
	[tilespmem:$0x1A900] =	vst v63  }
0x3a: {  	_ =	swait.ge [sflag:s19], $0x2800  }
0x3b: {  	[sflag:s19] =	ssyncset.done $0x0  }
0x3c: {  	[sflag:s19] =	ssyncadd.s32 $0xFFFFD800  }
0x3d: {  	[spmem:s3] =	stream.indirect.scatter.add.f32 [tilespmem:s18], [sflag:$0x2], $0x80, s16, s17, $0xb8;
	[tilespmem:$0x1A900] =	vst v63  }
0x3e: {  	_ =	swait.ge [sflag:s15], $0x2800  }
0x3f: {  	s23 =	simm.s32 $0x14;
	s22 =	simm.s32 $0xA;
	[sflag:s15] =	ssyncset.done $0x0  }
.LBB2_4:
0x40: {  	s24 =	sadd.s32 s22, s13  }
0x41: {  	[sflag:s15] =	ssyncadd.s32 $0xFFFFD800;
	s25 =	smov.u32 s23;
	s26 =	sadd.s32 $0xA, s23  }
0x42: {  	[tilespmem:s4], [sflag:$0x2] =	stream.linear.gather [hbm4b:s24+s4], $0x50, $0x38;
	[tilespmem:$0x1A900] =	vst v63  }
0x43: {  	p0 =	sne.s32 s23, $0x4D8;
	_ =	swait.ge [sflag:s15], $0x50  }
0x44: {  	[sflag:s15] =	ssyncset.done $0x0  }
0x45: {  	s23 =	sadd.s32 s22, s12;
	s22 =	smov.u32 s25;
	[sflag:s15] =	ssyncadd.s32 $0xFFFFFFB0  }
0x46: {  	[tilespmem:s16], [sflag:$0x2] =	stream.linear.gather [hbm4b:s23+s4], $0x50, $0x38;
	[tilespmem:$0x1A900] =	vst v63  }
0x47: {  	_ =	swait.ge [sflag:s15], $0x50  }
0x48: {  	[sflag:s15] =	ssyncset.done $0x0  }
0x49: {  	[sflag:s15] =	ssyncadd.s32 $0xFFFFFFB0  }
0x4a: {  	[tilespmem:s18], [sflag:$0x1] =	stream.indirect.gather [hbm4b:s1+s17], $0x80, s4, s17, $0xb8;
	[tilespmem:$0x1A900] =	vst v63  }
0x4b: {  	_ =	swait.ge [sflag:s19], $0x2800  }
.Ltmp1:
0x4c: {  	[sflag:s19] =	ssyncset.done $0x0;
	(pc) =	sbr.rel @p0 .LBB2_4-.Ltmp1, $4  }
0x4d: {  	[sflag:s19] =	ssyncadd.s32 $0xFFFFD800  }
0x4e: {  	[spmem:s3] =	stream.indirect.scatter.add.f32 [tilespmem:s18], [sflag:$0x2], $0x80, s16, s17, $0xb8;
	[tilespmem:$0x1A900] =	vst v63  }
0x4f: {  	_ =	swait.ge [sflag:s15], $0x2800  }
0x50: {  	s23 =	smov.u32 s26;
	[sflag:s15] =	ssyncset.done $0x0  }
0x51: {  	s23 =	sadd.s32 s22, s13;
	[sflag:s15] =	ssyncadd.s32 $0xFFFFD800  }
0x52: {  	[tilespmem:s4], [sflag:$0x2] =	stream.linear.gather [hbm4b:s23+s4], $0x50, $0x38;
	[tilespmem:$0x1A900] =	vst v63  }
0x53: {  	_ =	swait.ge [sflag:s15], $0x50  }
0x54: {  	[sflag:s15] =	ssyncset.done $0x0  }
0x55: {  	s30 =	sadd.s32 s22, s12;
	[sflag:s15] =	ssyncadd.s32 $0xFFFFFFB0  }
0x56: {  	[tilespmem:s16], [sflag:$0x2] =	stream.linear.gather [hbm4b:s30+s4], $0x50, $0x38;
	[tilespmem:$0x1A900] =	vst v63  }
0x57: {  	_ =	swait.ge [sflag:s15], $0x50  }
0x58: {  	[sflag:s15] =	ssyncset.done $0x0  }
0x59: {  	[sflag:s15] =	ssyncadd.s32 $0xFFFFFFB0  }
0x5a: {  	[tilespmem:s18], [sflag:$0x1] =	stream.indirect.gather [hbm4b:s1+s17], $0x80, s4, s17, $0xb8;
	[tilespmem:$0x1A900] =	vst v63  }
0x5b: {  	_ =	swait.ge [sflag:s19], $0x2800  }
0x5c: {  	[sflag:s19] =	ssyncset.done $0x0  }
0x5d: {  	[sflag:s19] =	ssyncadd.s32 $0xFFFFD800  }
0x5e: {  	[spmem:s3] =	stream.indirect.scatter.add.f32 [tilespmem:s18], [sflag:$0x2], $0x80, s16, s17, $0xb8;
	[tilespmem:$0x1A900] =	vst v63  }
0x5f: {  	_ =	swait.ge [sflag:s15], $0x2800  }
0x60: {  	s21 =	sadd.s32 $0x1, s21;
	[sflag:s15] =	ssyncset.done $0x0  }
0x61: {  	p0 =	sne.s32 s21, s11;
	[sflag:s15] =	ssyncadd.s32 $0xFFFFD800  }
.Ltmp2:
0x62: {  	s31 =	sshrl.u32 s5, $0x3;
	[bflag:$0x0] =	sbarrier.arrive $0xFFFF;
	(pc) =	sbr.rel @p0 .LBB2_1-.Ltmp2, $4  }
0x63: {  	[hbm:s10], [sflag:s20] =	dma.local [spmem:s31], $0x2800  }
0x64: {  	_ =	swait.ge [sflag:s15], $0x2800  }
0x65: {  	[sflag:s15] =	ssyncset.done $0x0  }
0x66: {  	[sflag:s15] =	ssyncadd.s32 $0xFFFFD800  }
0x67: {  	_ =	sfence.sel $0x180000  }
0x68: {  	[bflag:$0x0] =	sbarrier.arrive $0xFFFF  }
0x69: {  	p0 =	sne.s32 s0, $0x0;
	_ =	strace $0x90000059  }
0x6a: {  	s0 =	sadd.s32 @!p0 $0x100000, s2;
	[bflag:$0x2] =	sbarrier.arrive $0xFFFF  }
0x6b: {  	[sflag:s0] =	ssyncadd.tile.s32 @!p0 $0x1;
	_ =	shalt  }
.Lfunc_end2:
_tile_overlayer_lowered:
.L_overlay_start_2:
0x6c: {  	(tag) =	ssettag $0x2  }
0x6d: {  	s0 =	rddreg [dreg:$0x0];
	s2 =	stileid.u32  }
0x6e: {  	s1 =	rddreg [dreg:$0x1];
	p0 =	sne.s32 s2, $0x0  }
0x6f: {  	s3 =	rddreg [dreg:$0x2];
	[bflag:$0x3] =	sbarrier.arrive $0xFFFF;
	s2 =	simm.s32 @!p0 $0x1C02  }
0x70: {  	[timem:s3], [sflag:s2] =	dma.local @!p0 [hbm:s0], s1  }
0x71: {  	s0 =	simm.s32 @!p0 $0x2  }
0x72: {  	_ =	swait.ge @!p0 [sflag:s0], s1  }
0x73: {  	s1 =	ssub.s32 @!p0 $0x0, s1;
	[sflag:s0] =	ssyncset.done @!p0 $0x0  }
0x74: {  	[sflag:s0] =	ssyncadd.s32 @!p0 s1  }
0x75: {  	[bflag:$0x3] =	sbarrier.arrive $0xFFFF  }
0x76: {  	_ =	shalt  }

</sc_bundles>
